<compile_context>
chip_gen: v7x
topology: tpu7x:2x2x1
jax: 0.10.2.dev20260603
libtpu: 0.0.44.dev20260713+nightly
codegen_flags: <defaults>
</compile_context>

<pallas_src>
import dataclasses
import functools

import jax
import jax.numpy as jnp
from jax import lax
from jax.experimental import pallas as pl
from jax.experimental.pallas import tpu as pltpu
from jax.experimental.pallas import tpu_sc as plsc

LANES = 16
INNER = 4
SPLIT = 768
TC_BLK = 256

_SORT8 = [
    (0, 1), (2, 3), (4, 5), (6, 7),
    (0, 2), (1, 3), (1, 2), (4, 6), (5, 7), (5, 6),
    (0, 4), (1, 5), (2, 6), (3, 7),
    (2, 4), (3, 5),
    (1, 2), (3, 4), (5, 6),
]


def _staircase(x, v, b):
    acc = jnp.where(x > b[0], v[1], jnp.broadcast_to(v[0], x.shape))
    for k in range(1, len(b)):
        acc = jnp.where(x > b[k], v[k + 1], acc)
    return acc


def _sort_net(v):
    v = list(v)
    for i, j in _SORT8:
        lo = jnp.minimum(v[i], v[j])
        hi = jnp.maximum(v[i], v[j])
        v[i], v[j] = lo, hi
    return v


def _sc_part(xt, cent_t, T, M, K):
    n_slabs = M // LANES
    n_workers = 32
    rows_per_w = SPLIT // n_workers
    chunk_rows = 8
    n_chunks = rows_per_w // chunk_rows

    mesh = plsc.VectorSubcoreMesh(core_axis_name="core", subcore_axis_name="subcore")

    cp = pltpu.CompilerParams()
    if "needs_layout_passes" in pltpu.CompilerParams.__dataclass_fields__:
        cp = dataclasses.replace(cp, needs_layout_passes=False)

    @functools.partial(
        pl.kernel,
        out_type=jax.ShapeDtypeStruct((SPLIT, T), jnp.float32),
        mesh=mesh,
        compiler_params=cp,
        scratch_types=[
            pltpu.VMEM((K, M), jnp.float32),
            pltpu.VMEM((K, M), jnp.float32),
            pltpu.VMEM((K - 1, M), jnp.float32),
            pltpu.VMEM((chunk_rows, T), jnp.float32),
            pltpu.VMEM((chunk_rows, T), jnp.float32),
            pltpu.VMEM((chunk_rows, T), jnp.float32),
            pltpu.VMEM((chunk_rows, T), jnp.float32),
            pltpu.SemaphoreType.DMA,
            pltpu.SemaphoreType.DMA,
            pltpu.SemaphoreType.DMA,
            pltpu.SemaphoreType.DMA,
        ],
    )
    def run(x_hbm, c_hbm, o_hbm, c_vmem, s_vmem, b_vmem,
            buf0, buf1, obuf0, obuf1, sin0, sin1, sout0, sout1):
        wid = lax.axis_index("subcore") * 2 + lax.axis_index("core")
        base = wid * rows_per_w
        base_m = lax.rem(base, M)
        bufs = (buf0, buf1)
        obufs = (obuf0, obuf1)
        sins = (sin0, sin1)
        souts = (sout0, sout1)

        pltpu.sync_copy(c_hbm, c_vmem)
        for slab in range(n_slabs):
            sl = pl.ds(slab * LANES, LANES)
            v = _sort_net([c_vmem[k, sl] for k in range(K)])
            for k in range(K):
                s_vmem[k, sl] = v[k]
            for k in range(K - 1):
                b_vmem[k, sl] = (v[k] + v[k + 1]) * 0.5

        def rows_of(c):
            return pl.ds(base + c * chunk_rows, chunk_rows)

        hin = {}
        hout = {}
        hin[0] = pltpu.async_copy(x_hbm.at[rows_of(0)], buf0, sin0)
        for c in range(n_chunks):
            p = c % 2
            if c + 1 < n_chunks:
                q = (c + 1) % 2
                if c + 1 >= 2:
                    hout[q].wait()
                hin[q] = pltpu.async_copy(x_hbm.at[rows_of(c + 1)], bufs[q], sins[q])
            hin[p].wait()
            cur = bufs[p]
            ocur = obufs[p]

            @pl.loop(0, chunk_rows)
            def _(j, _c=c, _cur=cur, _ocur=ocur):
                m = lax.rem(base_m + _c * chunk_rows + j, M)
                midx = jnp.full((LANES,), m, jnp.int32)

                def bcast(ref, k):
                    kidx = jnp.full((LANES,), k, jnp.int32)
                    return plsc.load_gather(ref, [kidx, midx])

                sv = [bcast(s_vmem, k) for k in range(K)]
                bv = [bcast(b_vmem, k) for k in range(K - 1)]

                @plsc.parallel_loop(0, T, step=INNER * LANES, unroll=2)
                def _(col):
                    for u in range(INNER):
                        cs = pl.ds(col + u * LANES, LANES)
                        _ocur[j, cs] = _staircase(_cur[j, cs], sv, bv)

            hout[p] = pltpu.async_copy(ocur, o_hbm.at[rows_of(c)], souts[p])
        hout[0].wait()
        hout[1].wait()

    return run(xt, cent_t)


def _tc_part(xt, rawtab, T):
    n_rows = xt.shape[0] - SPLIT
    K = rawtab.shape[1]

    def body(x_ref, tab_ref, o_ref):
        v = _sort_net([tab_ref[:, k:k + 1] for k in range(K)])
        b = [(v[k] + v[k + 1]) * 0.5 for k in range(K - 1)]
        o_ref[...] = _staircase(x_ref[...], v, b)

    return pl.pallas_call(
        body,
        grid=(n_rows // TC_BLK,),
        in_specs=[
            pl.BlockSpec((TC_BLK, T), lambda i: (SPLIT // TC_BLK + i, 0)),
            pl.BlockSpec((TC_BLK, K), lambda i: (i, 0)),
        ],
        out_specs=pl.BlockSpec((TC_BLK, T), lambda i: (i, 0)),
        out_shape=jax.ShapeDtypeStruct((n_rows, T), jnp.float32),
    )(xt, rawtab)


def kernel(melspecs, centroids):
    B, T, M = melspecs.shape
    K = centroids.shape[1]
    R = B * M
    xt = jnp.transpose(melspecs, (0, 2, 1)).reshape(R, T)
    cent_t = centroids.T
    rawtab = jnp.tile(centroids, (B, 1))[SPLIT:]

    sc_out = _sc_part(xt, cent_t, T, M, K)
    tc_out = _tc_part(xt, rawtab, T)
    out = jnp.concatenate([sc_out, tc_out], axis=0)
    return jnp.transpose(out.reshape(B, M, T), (0, 2, 1))

# --- scband reference (transcript-rebuilt; emitter-appended) ---
"""Pipeline reference for scband-local-mel-spec-discretizer-16252156248527 (READ-ONLY COPY).

The authoritative reference and input builder live on the scoring server;
editing this copy changes nothing except your own understanding.
"""

import jax, jax.numpy as jnp
import numpy as np

B, T, M, K = 32, 2048, 80, 8


def setup_inputs(seed: int = 0) -> dict:
    key = jax.random.key(seed)
    k1, k2 = jax.random.split(key)
    melspecs = jax.random.normal(k1, (B, T, M), dtype=jnp.float32)
    # learned per-mel-channel scalar codebook (stand-in for local_centroids_kh8.pt)
    centroids = jax.random.normal(k2, (M, K), dtype=jnp.float32)
    return {"melspecs": melspecs, "centroids": centroids}


def reference(melspecs, centroids):
    # mel_to_class: [B,T,M] -> transpose(1,2) -> [B,M,T] -> transpose(0,1) -> [M,B,T]
    x = jnp.transpose(melspecs, (2, 0, 1))  # [M, B, T]
    # |mel - centroid| broadcast: [M,1,B,T] - [M,K,1,1] -> [M,K,B,T]
    distances = jnp.abs(x[:, None, :, :] - centroids[:, :, None, None])
    cluster_assignments = jnp.argmin(distances, axis=1)  # [M, B, T]
    # class_to_centroids: per-channel gather of scalar centroid values
    flat_idx = cluster_assignments.reshape(M, -1)  # [M, B*T]
    vals = jnp.take_along_axis(centroids, flat_idx, axis=1).reshape(M, B, T)
    # [M,B,T] -> transpose(0,1) -> [B,M,T] -> transpose(1,2) -> [B,T,M]
    return jnp.transpose(vals, (1, 2, 0))

if __name__ == "__main__":
    import jax
    _d = setup_inputs()
    print(jax.jit(kernel)(*tuple(_d.values())))

</pallas_src>

<mosaic_0001>
#map = affine_map<(d0, d1) -> (0, 0)>
module attributes {stable_mosaic.version = 14 : i64} {
  func.func @run(%arg0: i32, %arg1: i32, %arg2: memref<2560x2048xf32, #tpu.memory_space<hbm>>, %arg3: memref<8x80xf32, #tpu.memory_space<hbm>>, %arg4: memref<768x2048xf32, #tpu.memory_space<hbm>>, %arg5: memref<8x80xf32, #tpu.memory_space<vmem>>, %arg6: memref<8x80xf32, #tpu.memory_space<vmem>>, %arg7: memref<7x80xf32, #tpu.memory_space<vmem>>, %arg8: memref<8x2048xf32, #tpu.memory_space<vmem>>, %arg9: memref<8x2048xf32, #tpu.memory_space<vmem>>, %arg10: memref<8x2048xf32, #tpu.memory_space<vmem>>, %arg11: memref<8x2048xf32, #tpu.memory_space<vmem>>, %arg12: memref<!tpu.dma_semaphore, #tpu.memory_space<semaphore_mem>>, %arg13: memref<!tpu.dma_semaphore, #tpu.memory_space<semaphore_mem>>, %arg14: memref<!tpu.dma_semaphore, #tpu.memory_space<semaphore_mem>>, %arg15: memref<!tpu.dma_semaphore, #tpu.memory_space<semaphore_mem>>) attributes {dimension_semantics = [#tpu.dimension_semantics<core_parallel>, #tpu.dimension_semantics<subcore_parallel>], iteration_bounds = array<i64: 2, 16>, scalar_prefetch = 0 : i64, scratch_operands = 11 : i64, tpu.core_type = #tpu.core_type<sc_vector_subcore>, window_params = [{transform_indices = #map}, {transform_indices = #map}, {transform_indices = #map}]} {
    %mul3A = arith.constant 2 : i32
    %mul3A_0 = arith.muli %arg1, %mul3A : i32
    %add3A = arith.addi %mul3A_0, %arg0 : i32
    %mul3A_1 = arith.constant 24 : i32
    %mul3A_2 = arith.muli %add3A, %mul3A_1 : i32
    %rem3A = arith.constant 80 : i32
    %rem3A_3 = arith.remsi %mul3A_2, %rem3A : i32
    "tpu.region"() ({
      %run_scoped3A = tpu.sem_alloc : memref<!tpu.dma_semaphore, #tpu.memory_space<semaphore_mem>>
      tpu.enqueue_dma source(%arg3 : memref<8x80xf32, #tpu.memory_space<hbm>>) target(%arg5 : memref<8x80xf32, #tpu.memory_space<vmem>>) target_semaphore(%run_scoped3A : memref<!tpu.dma_semaphore, #tpu.memory_space<semaphore_mem>>)
      tpu.wait_dma2 semaphore(%run_scoped3A : memref<!tpu.dma_semaphore, #tpu.memory_space<semaphore_mem>>) src(%arg3 : memref<8x80xf32, #tpu.memory_space<hbm>>) dst(%arg5 : memref<8x80xf32, #tpu.memory_space<vmem>>)
      tpu.yield
    }) : () -> ()
    %get3A = arith.constant 0 : i32
    %get3A_4 = arith.index_cast %get3A : i32 to index
    %get3A_5 = arith.constant 0 : index
    %get3A_6 = tpu.vector_load %arg5[%get3A_4, %get3A_5] {strides = array<i32>} : memref<8x80xf32, #tpu.memory_space<vmem>>, vector<16xf32>,
    %get3A_7 = arith.constant 1 : i32
    %get3A_8 = arith.index_cast %get3A_7 : i32 to index
    %get3A_9 = arith.constant 0 : index
    %get3A_10 = tpu.vector_load %arg5[%get3A_8, %get3A_9] {strides = array<i32>} : memref<8x80xf32, #tpu.memory_space<vmem>>, vector<16xf32>,
    %get3A_11 = arith.constant 2 : i32
    %get3A_12 = arith.index_cast %get3A_11 : i32 to index
    %get3A_13 = arith.constant 0 : index
    %get3A_14 = tpu.vector_load %arg5[%get3A_12, %get3A_13] {strides = array<i32>} : memref<8x80xf32, #tpu.memory_space<vmem>>, vector<16xf32>,
    %get3A_15 = arith.constant 3 : i32
    %get3A_16 = arith.index_cast %get3A_15 : i32 to index
    %get3A_17 = arith.constant 0 : index
    %get3A_18 = tpu.vector_load %arg5[%get3A_16, %get3A_17] {strides = array<i32>} : memref<8x80xf32, #tpu.memory_space<vmem>>, vector<16xf32>,
    %get3A_19 = arith.constant 4 : i32
    %get3A_20 = arith.index_cast %get3A_19 : i32 to index
    %get3A_21 = arith.constant 0 : index
    %get3A_22 = tpu.vector_load %arg5[%get3A_20, %get3A_21] {strides = array<i32>} : memref<8x80xf32, #tpu.memory_space<vmem>>, vector<16xf32>,
    %get3A_23 = arith.constant 5 : i32
    %get3A_24 = arith.index_cast %get3A_23 : i32 to index
    %get3A_25 = arith.constant 0 : index
    %get3A_26 = tpu.vector_load %arg5[%get3A_24, %get3A_25] {strides = array<i32>} : memref<8x80xf32, #tpu.memory_space<vmem>>, vector<16xf32>,
    %get3A_27 = arith.constant 6 : i32
    %get3A_28 = arith.index_cast %get3A_27 : i32 to index
    %get3A_29 = arith.constant 0 : index
    %get3A_30 = tpu.vector_load %arg5[%get3A_28, %get3A_29] {strides = array<i32>} : memref<8x80xf32, #tpu.memory_space<vmem>>, vector<16xf32>,
    %get3A_31 = arith.constant 7 : i32
    %get3A_32 = arith.index_cast %get3A_31 : i32 to index
    %get3A_33 = arith.constant 0 : index
    %get3A_34 = tpu.vector_load %arg5[%get3A_32, %get3A_33] {strides = array<i32>} : memref<8x80xf32, #tpu.memory_space<vmem>>, vector<16xf32>,
    %min3A = arith.minimumf %get3A_6, %get3A_10 : vector<16xf32>
    %max3A = arith.maximumf %get3A_6, %get3A_10 : vector<16xf32>
    %min3A_35 = arith.minimumf %get3A_14, %get3A_18 : vector<16xf32>
    %max3A_36 = arith.maximumf %get3A_14, %get3A_18 : vector<16xf32>
    %min3A_37 = arith.minimumf %get3A_22, %get3A_26 : vector<16xf32>
    %max3A_38 = arith.maximumf %get3A_22, %get3A_26 : vector<16xf32>
    %min3A_39 = arith.minimumf %get3A_30, %get3A_34 : vector<16xf32>
    %max3A_40 = arith.maximumf %get3A_30, %get3A_34 : vector<16xf32>
    %min3A_41 = arith.minimumf %min3A, %min3A_35 : vector<16xf32>
    %max3A_42 = arith.maximumf %min3A, %min3A_35 : vector<16xf32>
    %min3A_43 = arith.minimumf %max3A, %max3A_36 : vector<16xf32>
    %max3A_44 = arith.maximumf %max3A, %max3A_36 : vector<16xf32>
    %min3A_45 = arith.minimumf %min3A_43, %max3A_42 : vector<16xf32>
    %max3A_46 = arith.maximumf %min3A_43, %max3A_42 : vector<16xf32>
    %min3A_47 = arith.minimumf %min3A_37, %min3A_39 : vector<16xf32>
    %max3A_48 = arith.maximumf %min3A_37, %min3A_39 : vector<16xf32>
    %min3A_49 = arith.minimumf %max3A_38, %max3A_40 : vector<16xf32>
    %max3A_50 = arith.maximumf %max3A_38, %max3A_40 : vector<16xf32>
    %min3A_51 = arith.minimumf %min3A_49, %max3A_48 : vector<16xf32>
    %max3A_52 = arith.maximumf %min3A_49, %max3A_48 : vector<16xf32>
    %min3A_53 = arith.minimumf %min3A_41, %min3A_47 : vector<16xf32>
    %max3A_54 = arith.maximumf %min3A_41, %min3A_47 : vector<16xf32>
    %min3A_55 = arith.minimumf %min3A_45, %min3A_51 : vector<16xf32>
    %max3A_56 = arith.maximumf %min3A_45, %min3A_51 : vector<16xf32>
    %min3A_57 = arith.minimumf %max3A_46, %max3A_52 : vector<16xf32>
    %max3A_58 = arith.maximumf %max3A_46, %max3A_52 : vector<16xf32>
    %min3A_59 = arith.minimumf %max3A_44, %max3A_50 : vector<16xf32>
    %max3A_60 = arith.maximumf %max3A_44, %max3A_50 : vector<16xf32>
    %min3A_61 = arith.minimumf %min3A_57, %max3A_54 : vector<16xf32>
    %max3A_62 = arith.maximumf %min3A_57, %max3A_54 : vector<16xf32>
    %min3A_63 = arith.minimumf %min3A_59, %max3A_56 : vector<16xf32>
    %max3A_64 = arith.maximumf %min3A_59, %max3A_56 : vector<16xf32>
    %min3A_65 = arith.minimumf %min3A_55, %min3A_61 : vector<16xf32>
    %max3A_66 = arith.maximumf %min3A_55, %min3A_61 : vector<16xf32>
    %min3A_67 = arith.minimumf %min3A_63, %max3A_62 : vector<16xf32>
    %max3A_68 = arith.maximumf %min3A_63, %max3A_62 : vector<16xf32>
    %min3A_69 = arith.minimumf %max3A_64, %max3A_58 : vector<16xf32>
    %max3A_70 = arith.maximumf %max3A_64, %max3A_58 : vector<16xf32>
    %swap3A = arith.constant 0 : i32
    %swap3A_71 = arith.index_cast %swap3A : i32 to index
    %swap3A_72 = arith.constant 0 : index
    %swap3A_73 = tpu.vector_load %arg6[%swap3A_71, %swap3A_72] {strides = array<i32>} : memref<8x80xf32, #tpu.memory_space<vmem>>, vector<16xf32>,
    tpu.vector_store %arg6[%swap3A_71, %swap3A_72], %min3A_53 {strides = array<i32>} : memref<8x80xf32, #tpu.memory_space<vmem>>, vector<16xf32>,
    %swap3A_74 = arith.constant 1 : i32
    %swap3A_75 = arith.index_cast %swap3A_74 : i32 to index
    %swap3A_76 = arith.constant 0 : index
    %swap3A_77 = tpu.vector_load %arg6[%swap3A_75, %swap3A_76] {strides = array<i32>} : memref<8x80xf32, #tpu.memory_space<vmem>>, vector<16xf32>,
    tpu.vector_store %arg6[%swap3A_75, %swap3A_76], %min3A_65 {strides = array<i32>} : memref<8x80xf32, #tpu.memory_space<vmem>>, vector<16xf32>,
    %swap3A_78 = arith.constant 2 : i32
    %swap3A_79 = arith.index_cast %swap3A_78 : i32 to index
    %swap3A_80 = arith.constant 0 : index
    %swap3A_81 = tpu.vector_load %arg6[%swap3A_79, %swap3A_80] {strides = array<i32>} : memref<8x80xf32, #tpu.memory_space<vmem>>, vector<16xf32>,
    tpu.vector_store %arg6[%swap3A_79, %swap3A_80], %max3A_66 {strides = array<i32>} : memref<8x80xf32, #tpu.memory_space<vmem>>, vector<16xf32>,
    %swap3A_82 = arith.constant 3 : i32
    %swap3A_83 = arith.index_cast %swap3A_82 : i32 to index
    %swap3A_84 = arith.constant 0 : index
    %swap3A_85 = tpu.vector_load %arg6[%swap3A_83, %swap3A_84] {strides = array<i32>} : memref<8x80xf32, #tpu.memory_space<vmem>>, vector<16xf32>,
    tpu.vector_store %arg6[%swap3A_83, %swap3A_84], %min3A_67 {strides = array<i32>} : memref<8x80xf32, #tpu.memory_space<vmem>>, vector<16xf32>,
    %swap3A_86 = arith.constant 4 : i32
    %swap3A_87 = arith.index_cast %swap3A_86 : i32 to index
    %swap3A_88 = arith.constant 0 : index
    %swap3A_89 = tpu.vector_load %arg6[%swap3A_87, %swap3A_88] {strides = array<i32>} : memref<8x80xf32, #tpu.memory_space<vmem>>, vector<16xf32>,
    tpu.vector_store %arg6[%swap3A_87, %swap3A_88], %max3A_68 {strides = array<i32>} : memref<8x80xf32, #tpu.memory_space<vmem>>, vector<16xf32>,
    %swap3A_90 = arith.constant 5 : i32
    %swap3A_91 = arith.index_cast %swap3A_90 : i32 to index
    %swap3A_92 = arith.constant 0 : index
    %swap3A_93 = tpu.vector_load %arg6[%swap3A_91, %swap3A_92] {strides = array<i32>} : memref<8x80xf32, #tpu.memory_space<vmem>>, vector<16xf32>,
    tpu.vector_store %arg6[%swap3A_91, %swap3A_92], %min3A_69 {strides = array<i32>} : memref<8x80xf32, #tpu.memory_space<vmem>>, vector<16xf32>,
    %swap3A_94 = arith.constant 6 : i32
    %swap3A_95 = arith.index_cast %swap3A_94 : i32 to index
    %swap3A_96 = arith.constant 0 : index
    %swap3A_97 = tpu.vector_load %arg6[%swap3A_95, %swap3A_96] {strides = array<i32>} : memref<8x80xf32, #tpu.memory_space<vmem>>, vector<16xf32>,
    tpu.vector_store %arg6[%swap3A_95, %swap3A_96], %max3A_70 {strides = array<i32>} : memref<8x80xf32, #tpu.memory_space<vmem>>, vector<16xf32>,
    %swap3A_98 = arith.constant 7 : i32
    %swap3A_99 = arith.index_cast %swap3A_98 : i32 to index
    %swap3A_100 = arith.constant 0 : index
    %swap3A_101 = tpu.vector_load %arg6[%swap3A_99, %swap3A_100] {strides = array<i32>} : memref<8x80xf32, #tpu.memory_space<vmem>>, vector<16xf32>,
    tpu.vector_store %arg6[%swap3A_99, %swap3A_100], %max3A_60 {strides = array<i32>} : memref<8x80xf32, #tpu.memory_space<vmem>>, vector<16xf32>,
    %add3A_102 = arith.addf %min3A_53, %min3A_65 : vector<16xf32>
    %mul3A_103 = arith.constant 5.000000e-01 : f32
    %mul3A_104 = vector.broadcast %mul3A_103 : f32 to vector<16xf32>
    %mul3A_105 = arith.mulf %add3A_102, %mul3A_104 : vector<16xf32>
    %swap3A_106 = arith.constant 0 : i32
    %swap3A_107 = arith.index_cast %swap3A_106 : i32 to index
    %swap3A_108 = arith.constant 0 : index
    %swap3A_109 = tpu.vector_load %arg7[%swap3A_107, %swap3A_108] {strides = array<i32>} : memref<7x80xf32, #tpu.memory_space<vmem>>, vector<16xf32>,
    tpu.vector_store %arg7[%swap3A_107, %swap3A_108], %mul3A_105 {strides = array<i32>} : memref<7x80xf32, #tpu.memory_space<vmem>>, vector<16xf32>,
    %add3A_110 = arith.addf %min3A_65, %max3A_66 : vector<16xf32>
    %mul3A_111 = arith.constant 5.000000e-01 : f32
    %mul3A_112 = vector.broadcast %mul3A_111 : f32 to vector<16xf32>
    %mul3A_113 = arith.mulf %add3A_110, %mul3A_112 : vector<16xf32>
    %swap3A_114 = arith.constant 1 : i32
    %swap3A_115 = arith.index_cast %swap3A_114 : i32 to index
    %swap3A_116 = arith.constant 0 : index
    %swap3A_117 = tpu.vector_load %arg7[%swap3A_115, %swap3A_116] {strides = array<i32>} : memref<7x80xf32, #tpu.memory_space<vmem>>, vector<16xf32>,
    tpu.vector_store %arg7[%swap3A_115, %swap3A_116], %mul3A_113 {strides = array<i32>} : memref<7x80xf32, #tpu.memory_space<vmem>>, vector<16xf32>,
    %add3A_118 = arith.addf %max3A_66, %min3A_67 : vector<16xf32>
    %mul3A_119 = arith.constant 5.000000e-01 : f32
    %mul3A_120 = vector.broadcast %mul3A_119 : f32 to vector<16xf32>
    %mul3A_121 = arith.mulf %add3A_118, %mul3A_120 : vector<16xf32>
    %swap3A_122 = arith.constant 2 : i32
    %swap3A_123 = arith.index_cast %swap3A_122 : i32 to index
    %swap3A_124 = arith.constant 0 : index
    %swap3A_125 = tpu.vector_load %arg7[%swap3A_123, %swap3A_124] {strides = array<i32>} : memref<7x80xf32, #tpu.memory_space<vmem>>, vector<16xf32>,
    tpu.vector_store %arg7[%swap3A_123, %swap3A_124], %mul3A_121 {strides = array<i32>} : memref<7x80xf32, #tpu.memory_space<vmem>>, vector<16xf32>,
    %add3A_126 = arith.addf %min3A_67, %max3A_68 : vector<16xf32>
    %mul3A_127 = arith.constant 5.000000e-01 : f32
    %mul3A_128 = vector.broadcast %mul3A_127 : f32 to vector<16xf32>
    %mul3A_129 = arith.mulf %add3A_126, %mul3A_128 : vector<16xf32>
    %swap3A_130 = arith.constant 3 : i32
    %swap3A_131 = arith.index_cast %swap3A_130 : i32 to index
    %swap3A_132 = arith.constant 0 : index
    %swap3A_133 = tpu.vector_load %arg7[%swap3A_131, %swap3A_132] {strides = array<i32>} : memref<7x80xf32, #tpu.memory_space<vmem>>, vector<16xf32>,
    tpu.vector_store %arg7[%swap3A_131, %swap3A_132], %mul3A_129 {strides = array<i32>} : memref<7x80xf32, #tpu.memory_space<vmem>>, vector<16xf32>,
    %add3A_134 = arith.addf %max3A_68, %min3A_69 : vector<16xf32>
    %mul3A_135 = arith.constant 5.000000e-01 : f32
    %mul3A_136 = vector.broadcast %mul3A_135 : f32 to vector<16xf32>
    %mul3A_137 = arith.mulf %add3A_134, %mul3A_136 : vector<16xf32>
    %swap3A_138 = arith.constant 4 : i32
    %swap3A_139 = arith.index_cast %swap3A_138 : i32 to index
    %swap3A_140 = arith.constant 0 : index
    %swap3A_141 = tpu.vector_load %arg7[%swap3A_139, %swap3A_140] {strides = array<i32>} : memref<7x80xf32, #tpu.memory_space<vmem>>, vector<16xf32>,
    tpu.vector_store %arg7[%swap3A_139, %swap3A_140], %mul3A_137 {strides = array<i32>} : memref<7x80xf32, #tpu.memory_space<vmem>>, vector<16xf32>,
    %add3A_142 = arith.addf %min3A_69, %max3A_70 : vector<16xf32>
    %mul3A_143 = arith.constant 5.000000e-01 : f32
    %mul3A_144 = vector.broadcast %mul3A_143 : f32 to vector<16xf32>
    %mul3A_145 = arith.mulf %add3A_142, %mul3A_144 : vector<16xf32>
    %swap3A_146 = arith.constant 5 : i32
    %swap3A_147 = arith.index_cast %swap3A_146 : i32 to index
    %swap3A_148 = arith.constant 0 : index
    %swap3A_149 = tpu.vector_load %arg7[%swap3A_147, %swap3A_148] {strides = array<i32>} : memref<7x80xf32, #tpu.memory_space<vmem>>, vector<16xf32>,
    tpu.vector_store %arg7[%swap3A_147, %swap3A_148], %mul3A_145 {strides = array<i32>} : memref<7x80xf32, #tpu.memory_space<vmem>>, vector<16xf32>,
    %add3A_150 = arith.addf %max3A_70, %max3A_60 : vector<16xf32>
    %mul3A_151 = arith.constant 5.000000e-01 : f32
    %mul3A_152 = vector.broadcast %mul3A_151 : f32 to vector<16xf32>
    %mul3A_153 = arith.mulf %add3A_150, %mul3A_152 : vector<16xf32>
    %swap3A_154 = arith.constant 6 : i32
    %swap3A_155 = arith.index_cast %swap3A_154 : i32 to index
    %swap3A_156 = arith.constant 0 : index
    %swap3A_157 = tpu.vector_load %arg7[%swap3A_155, %swap3A_156] {strides = array<i32>} : memref<7x80xf32, #tpu.memory_space<vmem>>, vector<16xf32>,
    tpu.vector_store %arg7[%swap3A_155, %swap3A_156], %mul3A_153 {strides = array<i32>} : memref<7x80xf32, #tpu.memory_space<vmem>>, vector<16xf32>,
    %get3A_158 = arith.constant 0 : i32
    %get3A_159 = arith.index_cast %get3A_158 : i32 to index
    %get3A_160 = arith.constant 16 : index
    %get3A_161 = tpu.vector_load %arg5[%get3A_159, %get3A_160] {strides = array<i32>} : memref<8x80xf32, #tpu.memory_space<vmem>>, vector<16xf32>,
    %get3A_162 = arith.constant 1 : i32
    %get3A_163 = arith.index_cast %get3A_162 : i32 to index
    %get3A_164 = arith.constant 16 : index
    %get3A_165 = tpu.vector_load %arg5[%get3A_163, %get3A_164] {strides = array<i32>} : memref<8x80xf32, #tpu.memory_space<vmem>>, vector<16xf32>,
    %get3A_166 = arith.constant 2 : i32
    %get3A_167 = arith.index_cast %get3A_166 : i32 to index
    %get3A_168 = arith.constant 16 : index
    %get3A_169 = tpu.vector_load %arg5[%get3A_167, %get3A_168] {strides = array<i32>} : memref<8x80xf32, #tpu.memory_space<vmem>>, vector<16xf32>,
    %get3A_170 = arith.constant 3 : i32
    %get3A_171 = arith.index_cast %get3A_170 : i32 to index
    %get3A_172 = arith.constant 16 : index
    %get3A_173 = tpu.vector_load %arg5[%get3A_171, %get3A_172] {strides = array<i32>} : memref<8x80xf32, #tpu.memory_space<vmem>>, vector<16xf32>,
    %get3A_174 = arith.constant 4 : i32
    %get3A_175 = arith.index_cast %get3A_174 : i32 to index
    %get3A_176 = arith.constant 16 : index
    %get3A_177 = tpu.vector_load %arg5[%get3A_175, %get3A_176] {strides = array<i32>} : memref<8x80xf32, #tpu.memory_space<vmem>>, vector<16xf32>,
    %get3A_178 = arith.constant 5 : i32
    %get3A_179 = arith.index_cast %get3A_178 : i32 to index
    %get3A_180 = arith.constant 16 : index
    %get3A_181 = tpu.vector_load %arg5[%get3A_179, %get3A_180] {strides = array<i32>} : memref<8x80xf32, #tpu.memory_space<vmem>>, vector<16xf32>,
    %get3A_182 = arith.constant 6 : i32
    %get3A_183 = arith.index_cast %get3A_182 : i32 to index
    %get3A_184 = arith.constant 16 : index
    %get3A_185 = tpu.vector_load %arg5[%get3A_183, %get3A_184] {strides = array<i32>} : memref<8x80xf32, #tpu.memory_space<vmem>>, vector<16xf32>,
    %get3A_186 = arith.constant 7 : i32
    %get3A_187 = arith.index_cast %get3A_186 : i32 to index
    %get3A_188 = arith.constant 16 : index
    %get3A_189 = tpu.vector_load %arg5[%get3A_187, %get3A_188] {strides = array<i32>} : memref<8x80xf32, #tpu.memory_space<vmem>>, vector<16xf32>,
    %min3A_190 = arith.minimumf %get3A_161, %get3A_165 : vector<16xf32>
    %max3A_191 = arith.maximumf %get3A_161, %get3A_165 : vector<16xf32>
    %min3A_192 = arith.minimumf %get3A_169, %get3A_173 : vector<16xf32>
    %max3A_193 = arith.maximumf %get3A_169, %get3A_173 : vector<16xf32>
    %min3A_194 = arith.minimumf %get3A_177, %get3A_181 : vector<16xf32>
    %max3A_195 = arith.maximumf %get3A_177, %get3A_181 : vector<16xf32>
    %min3A_196 = arith.minimumf %get3A_185, %get3A_189 : vector<16xf32>
    %max3A_197 = arith.maximumf %get3A_185, %get3A_189 : vector<16xf32>
    %min3A_198 = arith.minimumf %min3A_190, %min3A_192 : vector<16xf32>
    %max3A_199 = arith.maximumf %min3A_190, %min3A_192 : vector<16xf32>
    %min3A_200 = arith.minimumf %max3A_191, %max3A_193 : vector<16xf32>
    %max3A_201 = arith.maximumf %max3A_191, %max3A_193 : vector<16xf32>
    %min3A_202 = arith.minimumf %min3A_200, %max3A_199 : vector<16xf32>
    %max3A_203 = arith.maximumf %min3A_200, %max3A_199 : vector<16xf32>
    %min3A_204 = arith.minimumf %min3A_194, %min3A_196 : vector<16xf32>
    %max3A_205 = arith.maximumf %min3A_194, %min3A_196 : vector<16xf32>
    %min3A_206 = arith.minimumf %max3A_195, %max3A_197 : vector<16xf32>
    %max3A_207 = arith.maximumf %max3A_195, %max3A_197 : vector<16xf32>
    %min3A_208 = arith.minimumf %min3A_206, %max3A_205 : vector<16xf32>
    %max3A_209 = arith.maximumf %min3A_206, %max3A_205 : vector<16xf32>
    %min3A_210 = arith.minimumf %min3A_198, %min3A_204 : vector<16xf32>
    %max3A_211 = arith.maximumf %min3A_198, %min3A_204 : vector<16xf32>
    %min3A_212 = arith.minimumf %min3A_202, %min3A_208 : vector<16xf32>
    %max3A_213 = arith.maximumf %min3A_202, %min3A_208 : vector<16xf32>
    %min3A_214 = arith.minimumf %max3A_203, %max3A_209 : vector<16xf32>
    %max3A_215 = arith.maximumf %max3A_203, %max3A_209 : vector<16xf32>
    %min3A_216 = arith.minimumf %max3A_201, %max3A_207 : vector<16xf32>
    %max3A_217 = arith.maximumf %max3A_201, %max3A_207 : vector<16xf32>
    %min3A_218 = arith.minimumf %min3A_214, %max3A_211 : vector<16xf32>
    %max3A_219 = arith.maximumf %min3A_214, %max3A_211 : vector<16xf32>
    %min3A_220 = arith.minimumf %min3A_216, %max3A_213 : vector<16xf32>
    %max3A_221 = arith.maximumf %min3A_216, %max3A_213 : vector<16xf32>
    %min3A_222 = arith.minimumf %min3A_212, %min3A_218 : vector<16xf32>
    %max3A_223 = arith.maximumf %min3A_212, %min3A_218 : vector<16xf32>
    %min3A_224 = arith.minimumf %min3A_220, %max3A_219 : vector<16xf32>
    %max3A_225 = arith.maximumf %min3A_220, %max3A_219 : vector<16xf32>
    %min3A_226 = arith.minimumf %max3A_221, %max3A_215 : vector<16xf32>
    %max3A_227 = arith.maximumf %max3A_221, %max3A_215 : vector<16xf32>
    %swap3A_228 = arith.constant 0 : i32
    %swap3A_229 = arith.index_cast %swap3A_228 : i32 to index
    %swap3A_230 = arith.constant 16 : index
    %swap3A_231 = tpu.vector_load %arg6[%swap3A_229, %swap3A_230] {strides = array<i32>} : memref<8x80xf32, #tpu.memory_space<vmem>>, vector<16xf32>,
    tpu.vector_store %arg6[%swap3A_229, %swap3A_230], %min3A_210 {strides = array<i32>} : memref<8x80xf32, #tpu.memory_space<vmem>>, vector<16xf32>,
    %swap3A_232 = arith.constant 1 : i32
    %swap3A_233 = arith.index_cast %swap3A_232 : i32 to index
    %swap3A_234 = arith.constant 16 : index
    %swap3A_235 = tpu.vector_load %arg6[%swap3A_233, %swap3A_234] {strides = array<i32>} : memref<8x80xf32, #tpu.memory_space<vmem>>, vector<16xf32>,
    tpu.vector_store %arg6[%swap3A_233, %swap3A_234], %min3A_222 {strides = array<i32>} : memref<8x80xf32, #tpu.memory_space<vmem>>, vector<16xf32>,
    %swap3A_236 = arith.constant 2 : i32
    %swap3A_237 = arith.index_cast %swap3A_236 : i32 to index
    %swap3A_238 = arith.constant 16 : index
    %swap3A_239 = tpu.vector_load %arg6[%swap3A_237, %swap3A_238] {strides = array<i32>} : memref<8x80xf32, #tpu.memory_space<vmem>>, vector<16xf32>,
    tpu.vector_store %arg6[%swap3A_237, %swap3A_238], %max3A_223 {strides = array<i32>} : memref<8x80xf32, #tpu.memory_space<vmem>>, vector<16xf32>,
    %swap3A_240 = arith.constant 3 : i32
    %swap3A_241 = arith.index_cast %swap3A_240 : i32 to index
    %swap3A_242 = arith.constant 16 : index
    %swap3A_243 = tpu.vector_load %arg6[%swap3A_241, %swap3A_242] {strides = array<i32>} : memref<8x80xf32, #tpu.memory_space<vmem>>, vector<16xf32>,
    tpu.vector_store %arg6[%swap3A_241, %swap3A_242], %min3A_224 {strides = array<i32>} : memref<8x80xf32, #tpu.memory_space<vmem>>, vector<16xf32>,
    %swap3A_244 = arith.constant 4 : i32
    %swap3A_245 = arith.index_cast %swap3A_244 : i32 to index
    %swap3A_246 = arith.constant 16 : index
    %swap3A_247 = tpu.vector_load %arg6[%swap3A_245, %swap3A_246] {strides = array<i32>} : memref<8x80xf32, #tpu.memory_space<vmem>>, vector<16xf32>,
    tpu.vector_store %arg6[%swap3A_245, %swap3A_246], %max3A_225 {strides = array<i32>} : memref<8x80xf32, #tpu.memory_space<vmem>>, vector<16xf32>,
    %swap3A_248 = arith.constant 5 : i32
    %swap3A_249 = arith.index_cast %swap3A_248 : i32 to index
    %swap3A_250 = arith.constant 16 : index
    %swap3A_251 = tpu.vector_load %arg6[%swap3A_249, %swap3A_250] {strides = array<i32>} : memref<8x80xf32, #tpu.memory_space<vmem>>, vector<16xf32>,
    tpu.vector_store %arg6[%swap3A_249, %swap3A_250], %min3A_226 {strides = array<i32>} : memref<8x80xf32, #tpu.memory_space<vmem>>, vector<16xf32>,
    %swap3A_252 = arith.constant 6 : i32
    %swap3A_253 = arith.index_cast %swap3A_252 : i32 to index
    %swap3A_254 = arith.constant 16 : index
    %swap3A_255 = tpu.vector_load %arg6[%swap3A_253, %swap3A_254] {strides = array<i32>} : memref<8x80xf32, #tpu.memory_space<vmem>>, vector<16xf32>,
    tpu.vector_store %arg6[%swap3A_253, %swap3A_254], %max3A_227 {strides = array<i32>} : memref<8x80xf32, #tpu.memory_space<vmem>>, vector<16xf32>,
    %swap3A_256 = arith.constant 7 : i32
    %swap3A_257 = arith.index_cast %swap3A_256 : i32 to index
    %swap3A_258 = arith.constant 16 : index
    %swap3A_259 = tpu.vector_load %arg6[%swap3A_257, %swap3A_258] {strides = array<i32>} : memref<8x80xf32, #tpu.memory_space<vmem>>, vector<16xf32>,
    tpu.vector_store %arg6[%swap3A_257, %swap3A_258], %max3A_217 {strides = array<i32>} : memref<8x80xf32, #tpu.memory_space<vmem>>, vector<16xf32>,
    %add3A_260 = arith.addf %min3A_210, %min3A_222 : vector<16xf32>
    %mul3A_261 = arith.constant 5.000000e-01 : f32
    %mul3A_262 = vector.broadcast %mul3A_261 : f32 to vector<16xf32>
    %mul3A_263 = arith.mulf %add3A_260, %mul3A_262 : vector<16xf32>
    %swap3A_264 = arith.constant 0 : i32
    %swap3A_265 = arith.index_cast %swap3A_264 : i32 to index
    %swap3A_266 = arith.constant 16 : index
    %swap3A_267 = tpu.vector_load %arg7[%swap3A_265, %swap3A_266] {strides = array<i32>} : memref<7x80xf32, #tpu.memory_space<vmem>>, vector<16xf32>,
    tpu.vector_store %arg7[%swap3A_265, %swap3A_266], %mul3A_263 {strides = array<i32>} : memref<7x80xf32, #tpu.memory_space<vmem>>, vector<16xf32>,
    %add3A_268 = arith.addf %min3A_222, %max3A_223 : vector<16xf32>
    %mul3A_269 = arith.constant 5.000000e-01 : f32
    %mul3A_270 = vector.broadcast %mul3A_269 : f32 to vector<16xf32>
    %mul3A_271 = arith.mulf %add3A_268, %mul3A_270 : vector<16xf32>
    %swap3A_272 = arith.constant 1 : i32
    %swap3A_273 = arith.index_cast %swap3A_272 : i32 to index
    %swap3A_274 = arith.constant 16 : index
    %swap3A_275 = tpu.vector_load %arg7[%swap3A_273, %swap3A_274] {strides = array<i32>} : memref<7x80xf32, #tpu.memory_space<vmem>>, vector<16xf32>,
    tpu.vector_store %arg7[%swap3A_273, %swap3A_274], %mul3A_271 {strides = array<i32>} : memref<7x80xf32, #tpu.memory_space<vmem>>, vector<16xf32>,
    %add3A_276 = arith.addf %max3A_223, %min3A_224 : vector<16xf32>
    %mul3A_277 = arith.constant 5.000000e-01 : f32
    %mul3A_278 = vector.broadcast %mul3A_277 : f32 to vector<16xf32>
    %mul3A_279 = arith.mulf %add3A_276, %mul3A_278 : vector<16xf32>
    %swap3A_280 = arith.constant 2 : i32
    %swap3A_281 = arith.index_cast %swap3A_280 : i32 to index
    %swap3A_282 = arith.constant 16 : index
    %swap3A_283 = tpu.vector_load %arg7[%swap3A_281, %swap3A_282] {strides = array<i32>} : memref<7x80xf32, #tpu.memory_space<vmem>>, vector<16xf32>,
    tpu.vector_store %arg7[%swap3A_281, %swap3A_282], %mul3A_279 {strides = array<i32>} : memref<7x80xf32, #tpu.memory_space<vmem>>, vector<16xf32>,
    %add3A_284 = arith.addf %min3A_224, %max3A_225 : vector<16xf32>
    %mul3A_285 = arith.constant 5.000000e-01 : f32
    %mul3A_286 = vector.broadcast %mul3A_285 : f32 to vector<16xf32>
    %mul3A_287 = arith.mulf %add3A_284, %mul3A_286 : vector<16xf32>
    %swap3A_288 = arith.constant 3 : i32
    %swap3A_289 = arith.index_cast %swap3A_288 : i32 to index
    %swap3A_290 = arith.constant 16 : index
    %swap3A_291 = tpu.vector_load %arg7[%swap3A_289, %swap3A_290] {strides = array<i32>} : memref<7x80xf32, #tpu.memory_space<vmem>>, vector<16xf32>,
    tpu.vector_store %arg7[%swap3A_289, %swap3A_290], %mul3A_287 {strides = array<i32>} : memref<7x80xf32, #tpu.memory_space<vmem>>, vector<16xf32>,
    %add3A_292 = arith.addf %max3A_225, %min3A_226 : vector<16xf32>
    %mul3A_293 = arith.constant 5.000000e-01 : f32
    %mul3A_294 = vector.broadcast %mul3A_293 : f32 to vector<16xf32>
    %mul3A_295 = arith.mulf %add3A_292, %mul3A_294 : vector<16xf32>
    %swap3A_296 = arith.constant 4 : i32
    %swap3A_297 = arith.index_cast %swap3A_296 : i32 to index
    %swap3A_298 = arith.constant 16 : index
    %swap3A_299 = tpu.vector_load %arg7[%swap3A_297, %swap3A_298] {strides = array<i32>} : memref<7x80xf32, #tpu.memory_space<vmem>>, vector<16xf32>,
    tpu.vector_store %arg7[%swap3A_297, %swap3A_298], %mul3A_295 {strides = array<i32>} : memref<7x80xf32, #tpu.memory_space<vmem>>, vector<16xf32>,
    %add3A_300 = arith.addf %min3A_226, %max3A_227 : vector<16xf32>
    %mul3A_301 = arith.constant 5.000000e-01 : f32
    %mul3A_302 = vector.broadcast %mul3A_301 : f32 to vector<16xf32>
    %mul3A_303 = arith.mulf %add3A_300, %mul3A_302 : vector<16xf32>
    %swap3A_304 = arith.constant 5 : i32
    %swap3A_305 = arith.index_cast %swap3A_304 : i32 to index
    %swap3A_306 = arith.constant 16 : index
    %swap3A_307 = tpu.vector_load %arg7[%swap3A_305, %swap3A_306] {strides = array<i32>} : memref<7x80xf32, #tpu.memory_space<vmem>>, vector<16xf32>,
    tpu.vector_store %arg7[%swap3A_305, %swap3A_306], %mul3A_303 {strides = array<i32>} : memref<7x80xf32, #tpu.memory_space<vmem>>, vector<16xf32>,
    %add3A_308 = arith.addf %max3A_227, %max3A_217 : vector<16xf32>
    %mul3A_309 = arith.constant 5.000000e-01 : f32
    %mul3A_310 = vector.broadcast %mul3A_309 : f32 to vector<16xf32>
    %mul3A_311 = arith.mulf %add3A_308, %mul3A_310 : vector<16xf32>
    %swap3A_312 = arith.constant 6 : i32
    %swap3A_313 = arith.index_cast %swap3A_312 : i32 to index
    %swap3A_314 = arith.constant 16 : index
    %swap3A_315 = tpu.vector_load %arg7[%swap3A_313, %swap3A_314] {strides = array<i32>} : memref<7x80xf32, #tpu.memory_space<vmem>>, vector<16xf32>,
    tpu.vector_store %arg7[%swap3A_313, %swap3A_314], %mul3A_311 {strides = array<i32>} : memref<7x80xf32, #tpu.memory_space<vmem>>, vector<16xf32>,
    %get3A_316 = arith.constant 0 : i32
    %get3A_317 = arith.index_cast %get3A_316 : i32 to index
    %get3A_318 = arith.constant 32 : index
    %get3A_319 = tpu.vector_load %arg5[%get3A_317, %get3A_318] {strides = array<i32>} : memref<8x80xf32, #tpu.memory_space<vmem>>, vector<16xf32>,
    %get3A_320 = arith.constant 1 : i32
    %get3A_321 = arith.index_cast %get3A_320 : i32 to index
    %get3A_322 = arith.constant 32 : index
    %get3A_323 = tpu.vector_load %arg5[%get3A_321, %get3A_322] {strides = array<i32>} : memref<8x80xf32, #tpu.memory_space<vmem>>, vector<16xf32>,
    %get3A_324 = arith.constant 2 : i32
    %get3A_325 = arith.index_cast %get3A_324 : i32 to index
    %get3A_326 = arith.constant 32 : index
    %get3A_327 = tpu.vector_load %arg5[%get3A_325, %get3A_326] {strides = array<i32>} : memref<8x80xf32, #tpu.memory_space<vmem>>, vector<16xf32>,
    %get3A_328 = arith.constant 3 : i32
    %get3A_329 = arith.index_cast %get3A_328 : i32 to index
    %get3A_330 = arith.constant 32 : index
    %get3A_331 = tpu.vector_load %arg5[%get3A_329, %get3A_330] {strides = array<i32>} : memref<8x80xf32, #tpu.memory_space<vmem>>, vector<16xf32>,
    %get3A_332 = arith.constant 4 : i32
    %get3A_333 = arith.index_cast %get3A_332 : i32 to index
    %get3A_334 = arith.constant 32 : index
    %get3A_335 = tpu.vector_load %arg5[%get3A_333, %get3A_334] {strides = array<i32>} : memref<8x80xf32, #tpu.memory_space<vmem>>, vector<16xf32>,
    %get3A_336 = arith.constant 5 : i32
    %get3A_337 = arith.index_cast %get3A_336 : i32 to index
    %get3A_338 = arith.constant 32 : index
    %get3A_339 = tpu.vector_load %arg5[%get3A_337, %get3A_338] {strides = array<i32>} : memref<8x80xf32, #tpu.memory_space<vmem>>, vector<16xf32>,
    %get3A_340 = arith.constant 6 : i32
    %get3A_341 = arith.index_cast %get3A_340 : i32 to index
    %get3A_342 = arith.constant 32 : index
    %get3A_343 = tpu.vector_load %arg5[%get3A_341, %get3A_342] {strides = array<i32>} : memref<8x80xf32, #tpu.memory_space<vmem>>, vector<16xf32>,
    %get3A_344 = arith.constant 7 : i32
    %get3A_345 = arith.index_cast %get3A_344 : i32 to index
    %get3A_346 = arith.constant 32 : index
    %get3A_347 = tpu.vector_load %arg5[%get3A_345, %get3A_346] {strides = array<i32>} : memref<8x80xf32, #tpu.memory_space<vmem>>, vector<16xf32>,
    %min3A_348 = arith.minimumf %get3A_319, %get3A_323 : vector<16xf32>
    %max3A_349 = arith.maximumf %get3A_319, %get3A_323 : vector<16xf32>
    %min3A_350 = arith.minimumf %get3A_327, %get3A_331 : vector<16xf32>
    %max3A_351 = arith.maximumf %get3A_327, %get3A_331 : vector<16xf32>
    %min3A_352 = arith.minimumf %get3A_335, %get3A_339 : vector<16xf32>
    %max3A_353 = arith.maximumf %get3A_335, %get3A_339 : vector<16xf32>
    %min3A_354 = arith.minimumf %get3A_343, %get3A_347 : vector<16xf32>
    %max3A_355 = arith.maximumf %get3A_343, %get3A_347 : vector<16xf32>
    %min3A_356 = arith.minimumf %min3A_348, %min3A_350 : vector<16xf32>
    %max3A_357 = arith.maximumf %min3A_348, %min3A_350 : vector<16xf32>
    %min3A_358 = arith.minimumf %max3A_349, %max3A_351 : vector<16xf32>
    %max3A_359 = arith.maximumf %max3A_349, %max3A_351 : vector<16xf32>
    %min3A_360 = arith.minimumf %min3A_358, %max3A_357 : vector<16xf32>
    %max3A_361 = arith.maximumf %min3A_358, %max3A_357 : vector<16xf32>
    %min3A_362 = arith.minimumf %min3A_352, %min3A_354 : vector<16xf32>
    %max3A_363 = arith.maximumf %min3A_352, %min3A_354 : vector<16xf32>
    %min3A_364 = arith.minimumf %max3A_353, %max3A_355 : vector<16xf32>
    %max3A_365 = arith.maximumf %max3A_353, %max3A_355 : vector<16xf32>
    %min3A_366 = arith.minimumf %min3A_364, %max3A_363 : vector<16xf32>
    %max3A_367 = arith.maximumf %min3A_364, %max3A_363 : vector<16xf32>
    %min3A_368 = arith.minimumf %min3A_356, %min3A_362 : vector<16xf32>
    %max3A_369 = arith.maximumf %min3A_356, %min3A_362 : vector<16xf32>
    %min3A_370 = arith.minimumf %min3A_360, %min3A_366 : vector<16xf32>
    %max3A_371 = arith.maximumf %min3A_360, %min3A_366 : vector<16xf32>
    %min3A_372 = arith.minimumf %max3A_361, %max3A_367 : vector<16xf32>
    %max3A_373 = arith.maximumf %max3A_361, %max3A_367 : vector<16xf32>
    %min3A_374 = arith.minimumf %max3A_359, %max3A_365 : vector<16xf32>
    %max3A_375 = arith.maximumf %max3A_359, %max3A_365 : vector<16xf32>
    %min3A_376 = arith.minimumf %min3A_372, %max3A_369 : vector<16xf32>
    %max3A_377 = arith.maximumf %min3A_372, %max3A_369 : vector<16xf32>
    %min3A_378 = arith.minimumf %min3A_374, %max3A_371 : vector<16xf32>
    %max3A_379 = arith.maximumf %min3A_374, %max3A_371 : vector<16xf32>
    %min3A_380 = arith.minimumf %min3A_370, %min3A_376 : vector<16xf32>
    %max3A_381 = arith.maximumf %min3A_370, %min3A_376 : vector<16xf32>
    %min3A_382 = arith.minimumf %min3A_378, %max3A_377 : vector<16xf32>
    %max3A_383 = arith.maximumf %min3A_378, %max3A_377 : vector<16xf32>
    %min3A_384 = arith.minimumf %max3A_379, %max3A_373 : vector<16xf32>
    %max3A_385 = arith.maximumf %max3A_379, %max3A_373 : vector<16xf32>
    %swap3A_386 = arith.constant 0 : i32
    %swap3A_387 = arith.index_cast %swap3A_386 : i32 to index
    %swap3A_388 = arith.constant 32 : index
    %swap3A_389 = tpu.vector_load %arg6[%swap3A_387, %swap3A_388] {strides = array<i32>} : memref<8x80xf32, #tpu.memory_space<vmem>>, vector<16xf32>,
    tpu.vector_store %arg6[%swap3A_387, %swap3A_388], %min3A_368 {strides = array<i32>} : memref<8x80xf32, #tpu.memory_space<vmem>>, vector<16xf32>,
    %swap3A_390 = arith.constant 1 : i32
    %swap3A_391 = arith.index_cast %swap3A_390 : i32 to index
    %swap3A_392 = arith.constant 32 : index
    %swap3A_393 = tpu.vector_load %arg6[%swap3A_391, %swap3A_392] {strides = array<i32>} : memref<8x80xf32, #tpu.memory_space<vmem>>, vector<16xf32>,
    tpu.vector_store %arg6[%swap3A_391, %swap3A_392], %min3A_380 {strides = array<i32>} : memref<8x80xf32, #tpu.memory_space<vmem>>, vector<16xf32>,
    %swap3A_394 = arith.constant 2 : i32
    %swap3A_395 = arith.index_cast %swap3A_394 : i32 to index
    %swap3A_396 = arith.constant 32 : index
    %swap3A_397 = tpu.vector_load %arg6[%swap3A_395, %swap3A_396] {strides = array<i32>} : memref<8x80xf32, #tpu.memory_space<vmem>>, vector<16xf32>,
    tpu.vector_store %arg6[%swap3A_395, %swap3A_396], %max3A_381 {strides = array<i32>} : memref<8x80xf32, #tpu.memory_space<vmem>>, vector<16xf32>,
    %swap3A_398 = arith.constant 3 : i32
    %swap3A_399 = arith.index_cast %swap3A_398 : i32 to index
    %swap3A_400 = arith.constant 32 : index
    %swap3A_401 = tpu.vector_load %arg6[%swap3A_399, %swap3A_400] {strides = array<i32>} : memref<8x80xf32, #tpu.memory_space<vmem>>, vector<16xf32>,
    tpu.vector_store %arg6[%swap3A_399, %swap3A_400], %min3A_382 {strides = array<i32>} : memref<8x80xf32, #tpu.memory_space<vmem>>, vector<16xf32>,
    %swap3A_402 = arith.constant 4 : i32
    %swap3A_403 = arith.index_cast %swap3A_402 : i32 to index
    %swap3A_404 = arith.constant 32 : index
    %swap3A_405 = tpu.vector_load %arg6[%swap3A_403, %swap3A_404] {strides = array<i32>} : memref<8x80xf32, #tpu.memory_space<vmem>>, vector<16xf32>,
    tpu.vector_store %arg6[%swap3A_403, %swap3A_404], %max3A_383 {strides = array<i32>} : memref<8x80xf32, #tpu.memory_space<vmem>>, vector<16xf32>,
    %swap3A_406 = arith.constant 5 : i32
    %swap3A_407 = arith.index_cast %swap3A_406 : i32 to index
    %swap3A_408 = arith.constant 32 : index
    %swap3A_409 = tpu.vector_load %arg6[%swap3A_407, %swap3A_408] {strides = array<i32>} : memref<8x80xf32, #tpu.memory_space<vmem>>, vector<16xf32>,
    tpu.vector_store %arg6[%swap3A_407, %swap3A_408], %min3A_384 {strides = array<i32>} : memref<8x80xf32, #tpu.memory_space<vmem>>, vector<16xf32>,
    %swap3A_410 = arith.constant 6 : i32
    %swap3A_411 = arith.index_cast %swap3A_410 : i32 to index
    %swap3A_412 = arith.constant 32 : index
    %swap3A_413 = tpu.vector_load %arg6[%swap3A_411, %swap3A_412] {strides = array<i32>} : memref<8x80xf32, #tpu.memory_space<vmem>>, vector<16xf32>,
    tpu.vector_store %arg6[%swap3A_411, %swap3A_412], %max3A_385 {strides = array<i32>} : memref<8x80xf32, #tpu.memory_space<vmem>>, vector<16xf32>,
    %swap3A_414 = arith.constant 7 : i32
    %swap3A_415 = arith.index_cast %swap3A_414 : i32 to index
    %swap3A_416 = arith.constant 32 : index
    %swap3A_417 = tpu.vector_load %arg6[%swap3A_415, %swap3A_416] {strides = array<i32>} : memref<8x80xf32, #tpu.memory_space<vmem>>, vector<16xf32>,
    tpu.vector_store %arg6[%swap3A_415, %swap3A_416], %max3A_375 {strides = array<i32>} : memref<8x80xf32, #tpu.memory_space<vmem>>, vector<16xf32>,
    %add3A_418 = arith.addf %min3A_368, %min3A_380 : vector<16xf32>
    %mul3A_419 = arith.constant 5.000000e-01 : f32
    %mul3A_420 = vector.broadcast %mul3A_419 : f32 to vector<16xf32>
    %mul3A_421 = arith.mulf %add3A_418, %mul3A_420 : vector<16xf32>
    %swap3A_422 = arith.constant 0 : i32
    %swap3A_423 = arith.index_cast %swap3A_422 : i32 to index
    %swap3A_424 = arith.constant 32 : index
    %swap3A_425 = tpu.vector_load %arg7[%swap3A_423, %swap3A_424] {strides = array<i32>} : memref<7x80xf32, #tpu.memory_space<vmem>>, vector<16xf32>,
    tpu.vector_store %arg7[%swap3A_423, %swap3A_424], %mul3A_421 {strides = array<i32>} : memref<7x80xf32, #tpu.memory_space<vmem>>, vector<16xf32>,
    %add3A_426 = arith.addf %min3A_380, %max3A_381 : vector<16xf32>
    %mul3A_427 = arith.constant 5.000000e-01 : f32
    %mul3A_428 = vector.broadcast %mul3A_427 : f32 to vector<16xf32>
    %mul3A_429 = arith.mulf %add3A_426, %mul3A_428 : vector<16xf32>
    %swap3A_430 = arith.constant 1 : i32
    %swap3A_431 = arith.index_cast %swap3A_430 : i32 to index
    %swap3A_432 = arith.constant 32 : index
    %swap3A_433 = tpu.vector_load %arg7[%swap3A_431, %swap3A_432] {strides = array<i32>} : memref<7x80xf32, #tpu.memory_space<vmem>>, vector<16xf32>,
    tpu.vector_store %arg7[%swap3A_431, %swap3A_432], %mul3A_429 {strides = array<i32>} : memref<7x80xf32, #tpu.memory_space<vmem>>, vector<16xf32>,
    %add3A_434 = arith.addf %max3A_381, %min3A_382 : vector<16xf32>
    %mul3A_435 = arith.constant 5.000000e-01 : f32
    %mul3A_436 = vector.broadcast %mul3A_435 : f32 to vector<16xf32>
    %mul3A_437 = arith.mulf %add3A_434, %mul3A_436 : vector<16xf32>
    %swap3A_438 = arith.constant 2 : i32
    %swap3A_439 = arith.index_cast %swap3A_438 : i32 to index
    %swap3A_440 = arith.constant 32 : index
    %swap3A_441 = tpu.vector_load %arg7[%swap3A_439, %swap3A_440] {strides = array<i32>} : memref<7x80xf32, #tpu.memory_space<vmem>>, vector<16xf32>,
    tpu.vector_store %arg7[%swap3A_439, %swap3A_440], %mul3A_437 {strides = array<i32>} : memref<7x80xf32, #tpu.memory_space<vmem>>, vector<16xf32>,
    %add3A_442 = arith.addf %min3A_382, %max3A_383 : vector<16xf32>
    %mul3A_443 = arith.constant 5.000000e-01 : f32
    %mul3A_444 = vector.broadcast %mul3A_443 : f32 to vector<16xf32>
    %mul3A_445 = arith.mulf %add3A_442, %mul3A_444 : vector<16xf32>
    %swap3A_446 = arith.constant 3 : i32
    %swap3A_447 = arith.index_cast %swap3A_446 : i32 to index
    %swap3A_448 = arith.constant 32 : index
    %swap3A_449 = tpu.vector_load %arg7[%swap3A_447, %swap3A_448] {strides = array<i32>} : memref<7x80xf32, #tpu.memory_space<vmem>>, vector<16xf32>,
    tpu.vector_store %arg7[%swap3A_447, %swap3A_448], %mul3A_445 {strides = array<i32>} : memref<7x80xf32, #tpu.memory_space<vmem>>, vector<16xf32>,
    %add3A_450 = arith.addf %max3A_383, %min3A_384 : vector<16xf32>
    %mul3A_451 = arith.constant 5.000000e-01 : f32
    %mul3A_452 = vector.broadcast %mul3A_451 : f32 to vector<16xf32>
    %mul3A_453 = arith.mulf %add3A_450, %mul3A_452 : vector<16xf32>
    %swap3A_454 = arith.constant 4 : i32
    %swap3A_455 = arith.index_cast %swap3A_454 : i32 to index
    %swap3A_456 = arith.constant 32 : index
    %swap3A_457 = tpu.vector_load %arg7[%swap3A_455, %swap3A_456] {strides = array<i32>} : memref<7x80xf32, #tpu.memory_space<vmem>>, vector<16xf32>,
    tpu.vector_store %arg7[%swap3A_455, %swap3A_456], %mul3A_453 {strides = array<i32>} : memref<7x80xf32, #tpu.memory_space<vmem>>, vector<16xf32>,
    %add3A_458 = arith.addf %min3A_384, %max3A_385 : vector<16xf32>
    %mul3A_459 = arith.constant 5.000000e-01 : f32
    %mul3A_460 = vector.broadcast %mul3A_459 : f32 to vector<16xf32>
    %mul3A_461 = arith.mulf %add3A_458, %mul3A_460 : vector<16xf32>
    %swap3A_462 = arith.constant 5 : i32
    %swap3A_463 = arith.index_cast %swap3A_462 : i32 to index
    %swap3A_464 = arith.constant 32 : index
    %swap3A_465 = tpu.vector_load %arg7[%swap3A_463, %swap3A_464] {strides = array<i32>} : memref<7x80xf32, #tpu.memory_space<vmem>>, vector<16xf32>,
    tpu.vector_store %arg7[%swap3A_463, %swap3A_464], %mul3A_461 {strides = array<i32>} : memref<7x80xf32, #tpu.memory_space<vmem>>, vector<16xf32>,
    %add3A_466 = arith.addf %max3A_385, %max3A_375 : vector<16xf32>
    %mul3A_467 = arith.constant 5.000000e-01 : f32
    %mul3A_468 = vector.broadcast %mul3A_467 : f32 to vector<16xf32>
    %mul3A_469 = arith.mulf %add3A_466, %mul3A_468 : vector<16xf32>
    %swap3A_470 = arith.constant 6 : i32
    %swap3A_471 = arith.index_cast %swap3A_470 : i32 to index
    %swap3A_472 = arith.constant 32 : index
    %swap3A_473 = tpu.vector_load %arg7[%swap3A_471, %swap3A_472] {strides = array<i32>} : memref<7x80xf32, #tpu.memory_space<vmem>>, vector<16xf32>,
    tpu.vector_store %arg7[%swap3A_471, %swap3A_472], %mul3A_469 {strides = array<i32>} : memref<7x80xf32, #tpu.memory_space<vmem>>, vector<16xf32>,
    %get3A_474 = arith.constant 0 : i32
    %get3A_475 = arith.index_cast %get3A_474 : i32 to index
    %get3A_476 = arith.constant 48 : index
    %get3A_477 = tpu.vector_load %arg5[%get3A_475, %get3A_476] {strides = array<i32>} : memref<8x80xf32, #tpu.memory_space<vmem>>, vector<16xf32>,
    %get3A_478 = arith.constant 1 : i32
    %get3A_479 = arith.index_cast %get3A_478 : i32 to index
    %get3A_480 = arith.constant 48 : index
    %get3A_481 = tpu.vector_load %arg5[%get3A_479, %get3A_480] {strides = array<i32>} : memref<8x80xf32, #tpu.memory_space<vmem>>, vector<16xf32>,
    %get3A_482 = arith.constant 2 : i32
    %get3A_483 = arith.index_cast %get3A_482 : i32 to index
    %get3A_484 = arith.constant 48 : index
    %get3A_485 = tpu.vector_load %arg5[%get3A_483, %get3A_484] {strides = array<i32>} : memref<8x80xf32, #tpu.memory_space<vmem>>, vector<16xf32>,
    %get3A_486 = arith.constant 3 : i32
    %get3A_487 = arith.index_cast %get3A_486 : i32 to index
    %get3A_488 = arith.constant 48 : index
    %get3A_489 = tpu.vector_load %arg5[%get3A_487, %get3A_488] {strides = array<i32>} : memref<8x80xf32, #tpu.memory_space<vmem>>, vector<16xf32>,
    %get3A_490 = arith.constant 4 : i32
    %get3A_491 = arith.index_cast %get3A_490 : i32 to index
    %get3A_492 = arith.constant 48 : index
    %get3A_493 = tpu.vector_load %arg5[%get3A_491, %get3A_492] {strides = array<i32>} : memref<8x80xf32, #tpu.memory_space<vmem>>, vector<16xf32>,
    %get3A_494 = arith.constant 5 : i32
    %get3A_495 = arith.index_cast %get3A_494 : i32 to index
    %get3A_496 = arith.constant 48 : index
    %get3A_497 = tpu.vector_load %arg5[%get3A_495, %get3A_496] {strides = array<i32>} : memref<8x80xf32, #tpu.memory_space<vmem>>, vector<16xf32>,
    %get3A_498 = arith.constant 6 : i32
    %get3A_499 = arith.index_cast %get3A_498 : i32 to index
    %get3A_500 = arith.constant 48 : index
    %get3A_501 = tpu.vector_load %arg5[%get3A_499, %get3A_500] {strides = array<i32>} : memref<8x80xf32, #tpu.memory_space<vmem>>, vector<16xf32>,
    %get3A_502 = arith.constant 7 : i32
    %get3A_503 = arith.index_cast %get3A_502 : i32 to index
    %get3A_504 = arith.constant 48 : index
    %get3A_505 = tpu.vector_load %arg5[%get3A_503, %get3A_504] {strides = array<i32>} : memref<8x80xf32, #tpu.memory_space<vmem>>, vector<16xf32>,
    %min3A_506 = arith.minimumf %get3A_477, %get3A_481 : vector<16xf32>
    %max3A_507 = arith.maximumf %get3A_477, %get3A_481 : vector<16xf32>
    %min3A_508 = arith.minimumf %get3A_485, %get3A_489 : vector<16xf32>
    %max3A_509 = arith.maximumf %get3A_485, %get3A_489 : vector<16xf32>
    %min3A_510 = arith.minimumf %get3A_493, %get3A_497 : vector<16xf32>
    %max3A_511 = arith.maximumf %get3A_493, %get3A_497 : vector<16xf32>
    %min3A_512 = arith.minimumf %get3A_501, %get3A_505 : vector<16xf32>
    %max3A_513 = arith.maximumf %get3A_501, %get3A_505 : vector<16xf32>
    %min3A_514 = arith.minimumf %min3A_506, %min3A_508 : vector<16xf32>
    %max3A_515 = arith.maximumf %min3A_506, %min3A_508 : vector<16xf32>
    %min3A_516 = arith.minimumf %max3A_507, %max3A_509 : vector<16xf32>
    %max3A_517 = arith.maximumf %max3A_507, %max3A_509 : vector<16xf32>
    %min3A_518 = arith.minimumf %min3A_516, %max3A_515 : vector<16xf32>
    %max3A_519 = arith.maximumf %min3A_516, %max3A_515 : vector<16xf32>
    %min3A_520 = arith.minimumf %min3A_510, %min3A_512 : vector<16xf32>
    %max3A_521 = arith.maximumf %min3A_510, %min3A_512 : vector<16xf32>
    %min3A_522 = arith.minimumf %max3A_511, %max3A_513 : vector<16xf32>
    %max3A_523 = arith.maximumf %max3A_511, %max3A_513 : vector<16xf32>
    %min3A_524 = arith.minimumf %min3A_522, %max3A_521 : vector<16xf32>
    %max3A_525 = arith.maximumf %min3A_522, %max3A_521 : vector<16xf32>
    %min3A_526 = arith.minimumf %min3A_514, %min3A_520 : vector<16xf32>
    %max3A_527 = arith.maximumf %min3A_514, %min3A_520 : vector<16xf32>
    %min3A_528 = arith.minimumf %min3A_518, %min3A_524 : vector<16xf32>
    %max3A_529 = arith.maximumf %min3A_518, %min3A_524 : vector<16xf32>
    %min3A_530 = arith.minimumf %max3A_519, %max3A_525 : vector<16xf32>
    %max3A_531 = arith.maximumf %max3A_519, %max3A_525 : vector<16xf32>
    %min3A_532 = arith.minimumf %max3A_517, %max3A_523 : vector<16xf32>
    %max3A_533 = arith.maximumf %max3A_517, %max3A_523 : vector<16xf32>
    %min3A_534 = arith.minimumf %min3A_530, %max3A_527 : vector<16xf32>
    %max3A_535 = arith.maximumf %min3A_530, %max3A_527 : vector<16xf32>
    %min3A_536 = arith.minimumf %min3A_532, %max3A_529 : vector<16xf32>
    %max3A_537 = arith.maximumf %min3A_532, %max3A_529 : vector<16xf32>
    %min3A_538 = arith.minimumf %min3A_528, %min3A_534 : vector<16xf32>
    %max3A_539 = arith.maximumf %min3A_528, %min3A_534 : vector<16xf32>
    %min3A_540 = arith.minimumf %min3A_536, %max3A_535 : vector<16xf32>
    %max3A_541 = arith.maximumf %min3A_536, %max3A_535 : vector<16xf32>
    %min3A_542 = arith.minimumf %max3A_537, %max3A_531 : vector<16xf32>
    %max3A_543 = arith.maximumf %max3A_537, %max3A_531 : vector<16xf32>
    %swap3A_544 = arith.constant 0 : i32
    %swap3A_545 = arith.index_cast %swap3A_544 : i32 to index
    %swap3A_546 = arith.constant 48 : index
    %swap3A_547 = tpu.vector_load %arg6[%swap3A_545, %swap3A_546] {strides = array<i32>} : memref<8x80xf32, #tpu.memory_space<vmem>>, vector<16xf32>,
    tpu.vector_store %arg6[%swap3A_545, %swap3A_546], %min3A_526 {strides = array<i32>} : memref<8x80xf32, #tpu.memory_space<vmem>>, vector<16xf32>,
    %swap3A_548 = arith.constant 1 : i32
    %swap3A_549 = arith.index_cast %swap3A_548 : i32 to index
    %swap3A_550 = arith.constant 48 : index
    %swap3A_551 = tpu.vector_load %arg6[%swap3A_549, %swap3A_550] {strides = array<i32>} : memref<8x80xf32, #tpu.memory_space<vmem>>, vector<16xf32>,
    tpu.vector_store %arg6[%swap3A_549, %swap3A_550], %min3A_538 {strides = array<i32>} : memref<8x80xf32, #tpu.memory_space<vmem>>, vector<16xf32>,
    %swap3A_552 = arith.constant 2 : i32
    %swap3A_553 = arith.index_cast %swap3A_552 : i32 to index
    %swap3A_554 = arith.constant 48 : index
    %swap3A_555 = tpu.vector_load %arg6[%swap3A_553, %swap3A_554] {strides = array<i32>} : memref<8x80xf32, #tpu.memory_space<vmem>>, vector<16xf32>,
    tpu.vector_store %arg6[%swap3A_553, %swap3A_554], %max3A_539 {strides = array<i32>} : memref<8x80xf32, #tpu.memory_space<vmem>>, vector<16xf32>,
    %swap3A_556 = arith.constant 3 : i32
    %swap3A_557 = arith.index_cast %swap3A_556 : i32 to index
    %swap3A_558 = arith.constant 48 : index
    %swap3A_559 = tpu.vector_load %arg6[%swap3A_557, %swap3A_558] {strides = array<i32>} : memref<8x80xf32, #tpu.memory_space<vmem>>, vector<16xf32>,
    tpu.vector_store %arg6[%swap3A_557, %swap3A_558], %min3A_540 {strides = array<i32>} : memref<8x80xf32, #tpu.memory_space<vmem>>, vector<16xf32>,
    %swap3A_560 = arith.constant 4 : i32
    %swap3A_561 = arith.index_cast %swap3A_560 : i32 to index
    %swap3A_562 = arith.constant 48 : index
    %swap3A_563 = tpu.vector_load %arg6[%swap3A_561, %swap3A_562] {strides = array<i32>} : memref<8x80xf32, #tpu.memory_space<vmem>>, vector<16xf32>,
    tpu.vector_store %arg6[%swap3A_561, %swap3A_562], %max3A_541 {strides = array<i32>} : memref<8x80xf32, #tpu.memory_space<vmem>>, vector<16xf32>,
    %swap3A_564 = arith.constant 5 : i32
    %swap3A_565 = arith.index_cast %swap3A_564 : i32 to index
    %swap3A_566 = arith.constant 48 : index
    %swap3A_567 = tpu.vector_load %arg6[%swap3A_565, %swap3A_566] {strides = array<i32>} : memref<8x80xf32, #tpu.memory_space<vmem>>, vector<16xf32>,
    tpu.vector_store %arg6[%swap3A_565, %swap3A_566], %min3A_542 {strides = array<i32>} : memref<8x80xf32, #tpu.memory_space<vmem>>, vector<16xf32>,
    %swap3A_568 = arith.constant 6 : i32
    %swap3A_569 = arith.index_cast %swap3A_568 : i32 to index
    %swap3A_570 = arith.constant 48 : index
    %swap3A_571 = tpu.vector_load %arg6[%swap3A_569, %swap3A_570] {strides = array<i32>} : memref<8x80xf32, #tpu.memory_space<vmem>>, vector<16xf32>,
    tpu.vector_store %arg6[%swap3A_569, %swap3A_570], %max3A_543 {strides = array<i32>} : memref<8x80xf32, #tpu.memory_space<vmem>>, vector<16xf32>,
    %swap3A_572 = arith.constant 7 : i32
    %swap3A_573 = arith.index_cast %swap3A_572 : i32 to index
    %swap3A_574 = arith.constant 48 : index
    %swap3A_575 = tpu.vector_load %arg6[%swap3A_573, %swap3A_574] {strides = array<i32>} : memref<8x80xf32, #tpu.memory_space<vmem>>, vector<16xf32>,
    tpu.vector_store %arg6[%swap3A_573, %swap3A_574], %max3A_533 {strides = array<i32>} : memref<8x80xf32, #tpu.memory_space<vmem>>, vector<16xf32>,
    %add3A_576 = arith.addf %min3A_526, %min3A_538 : vector<16xf32>
    %mul3A_577 = arith.constant 5.000000e-01 : f32
    %mul3A_578 = vector.broadcast %mul3A_577 : f32 to vector<16xf32>
    %mul3A_579 = arith.mulf %add3A_576, %mul3A_578 : vector<16xf32>
    %swap3A_580 = arith.constant 0 : i32
    %swap3A_581 = arith.index_cast %swap3A_580 : i32 to index
    %swap3A_582 = arith.constant 48 : index
    %swap3A_583 = tpu.vector_load %arg7[%swap3A_581, %swap3A_582] {strides = array<i32>} : memref<7x80xf32, #tpu.memory_space<vmem>>, vector<16xf32>,
    tpu.vector_store %arg7[%swap3A_581, %swap3A_582], %mul3A_579 {strides = array<i32>} : memref<7x80xf32, #tpu.memory_space<vmem>>, vector<16xf32>,
    %add3A_584 = arith.addf %min3A_538, %max3A_539 : vector<16xf32>
    %mul3A_585 = arith.constant 5.000000e-01 : f32
    %mul3A_586 = vector.broadcast %mul3A_585 : f32 to vector<16xf32>
    %mul3A_587 = arith.mulf %add3A_584, %mul3A_586 : vector<16xf32>
    %swap3A_588 = arith.constant 1 : i32
    %swap3A_589 = arith.index_cast %swap3A_588 : i32 to index
    %swap3A_590 = arith.constant 48 : index
    %swap3A_591 = tpu.vector_load %arg7[%swap3A_589, %swap3A_590] {strides = array<i32>} : memref<7x80xf32, #tpu.memory_space<vmem>>, vector<16xf32>,
    tpu.vector_store %arg7[%swap3A_589, %swap3A_590], %mul3A_587 {strides = array<i32>} : memref<7x80xf32, #tpu.memory_space<vmem>>, vector<16xf32>,
    %add3A_592 = arith.addf %max3A_539, %min3A_540 : vector<16xf32>
    %mul3A_593 = arith.constant 5.000000e-01 : f32
    %mul3A_594 = vector.broadcast %mul3A_593 : f32 to vector<16xf32>
    %mul3A_595 = arith.mulf %add3A_592, %mul3A_594 : vector<16xf32>
    %swap3A_596 = arith.constant 2 : i32
    %swap3A_597 = arith.index_cast %swap3A_596 : i32 to index
    %swap3A_598 = arith.constant 48 : index
    %swap3A_599 = tpu.vector_load %arg7[%swap3A_597, %swap3A_598] {strides = array<i32>} : memref<7x80xf32, #tpu.memory_space<vmem>>, vector<16xf32>,
    tpu.vector_store %arg7[%swap3A_597, %swap3A_598], %mul3A_595 {strides = array<i32>} : memref<7x80xf32, #tpu.memory_space<vmem>>, vector<16xf32>,
    %add3A_600 = arith.addf %min3A_540, %max3A_541 : vector<16xf32>
    %mul3A_601 = arith.constant 5.000000e-01 : f32
    %mul3A_602 = vector.broadcast %mul3A_601 : f32 to vector<16xf32>
    %mul3A_603 = arith.mulf %add3A_600, %mul3A_602 : vector<16xf32>
    %swap3A_604 = arith.constant 3 : i32
    %swap3A_605 = arith.index_cast %swap3A_604 : i32 to index
    %swap3A_606 = arith.constant 48 : index
    %swap3A_607 = tpu.vector_load %arg7[%swap3A_605, %swap3A_606] {strides = array<i32>} : memref<7x80xf32, #tpu.memory_space<vmem>>, vector<16xf32>,
    tpu.vector_store %arg7[%swap3A_605, %swap3A_606], %mul3A_603 {strides = array<i32>} : memref<7x80xf32, #tpu.memory_space<vmem>>, vector<16xf32>,
    %add3A_608 = arith.addf %max3A_541, %min3A_542 : vector<16xf32>
    %mul3A_609 = arith.constant 5.000000e-01 : f32
    %mul3A_610 = vector.broadcast %mul3A_609 : f32 to vector<16xf32>
    %mul3A_611 = arith.mulf %add3A_608, %mul3A_610 : vector<16xf32>
    %swap3A_612 = arith.constant 4 : i32
    %swap3A_613 = arith.index_cast %swap3A_612 : i32 to index
    %swap3A_614 = arith.constant 48 : index
    %swap3A_615 = tpu.vector_load %arg7[%swap3A_613, %swap3A_614] {strides = array<i32>} : memref<7x80xf32, #tpu.memory_space<vmem>>, vector<16xf32>,
    tpu.vector_store %arg7[%swap3A_613, %swap3A_614], %mul3A_611 {strides = array<i32>} : memref<7x80xf32, #tpu.memory_space<vmem>>, vector<16xf32>,
    %add3A_616 = arith.addf %min3A_542, %max3A_543 : vector<16xf32>
    %mul3A_617 = arith.constant 5.000000e-01 : f32
    %mul3A_618 = vector.broadcast %mul3A_617 : f32 to vector<16xf32>
    %mul3A_619 = arith.mulf %add3A_616, %mul3A_618 : vector<16xf32>
    %swap3A_620 = arith.constant 5 : i32
    %swap3A_621 = arith.index_cast %swap3A_620 : i32 to index
    %swap3A_622 = arith.constant 48 : index
    %swap3A_623 = tpu.vector_load %arg7[%swap3A_621, %swap3A_622] {strides = array<i32>} : memref<7x80xf32, #tpu.memory_space<vmem>>, vector<16xf32>,
    tpu.vector_store %arg7[%swap3A_621, %swap3A_622], %mul3A_619 {strides = array<i32>} : memref<7x80xf32, #tpu.memory_space<vmem>>, vector<16xf32>,
    %add3A_624 = arith.addf %max3A_543, %max3A_533 : vector<16xf32>
    %mul3A_625 = arith.constant 5.000000e-01 : f32
    %mul3A_626 = vector.broadcast %mul3A_625 : f32 to vector<16xf32>
    %mul3A_627 = arith.mulf %add3A_624, %mul3A_626 : vector<16xf32>
    %swap3A_628 = arith.constant 6 : i32
    %swap3A_629 = arith.index_cast %swap3A_628 : i32 to index
    %swap3A_630 = arith.constant 48 : index
    %swap3A_631 = tpu.vector_load %arg7[%swap3A_629, %swap3A_630] {strides = array<i32>} : memref<7x80xf32, #tpu.memory_space<vmem>>, vector<16xf32>,
    tpu.vector_store %arg7[%swap3A_629, %swap3A_630], %mul3A_627 {strides = array<i32>} : memref<7x80xf32, #tpu.memory_space<vmem>>, vector<16xf32>,
    %get3A_632 = arith.constant 0 : i32
    %get3A_633 = arith.index_cast %get3A_632 : i32 to index
    %get3A_634 = arith.constant 64 : index
    %get3A_635 = tpu.vector_load %arg5[%get3A_633, %get3A_634] {strides = array<i32>} : memref<8x80xf32, #tpu.memory_space<vmem>>, vector<16xf32>,
    %get3A_636 = arith.constant 1 : i32
    %get3A_637 = arith.index_cast %get3A_636 : i32 to index
    %get3A_638 = arith.constant 64 : index
    %get3A_639 = tpu.vector_load %arg5[%get3A_637, %get3A_638] {strides = array<i32>} : memref<8x80xf32, #tpu.memory_space<vmem>>, vector<16xf32>,
    %get3A_640 = arith.constant 2 : i32
    %get3A_641 = arith.index_cast %get3A_640 : i32 to index
    %get3A_642 = arith.constant 64 : index
    %get3A_643 = tpu.vector_load %arg5[%get3A_641, %get3A_642] {strides = array<i32>} : memref<8x80xf32, #tpu.memory_space<vmem>>, vector<16xf32>,
    %get3A_644 = arith.constant 3 : i32
    %get3A_645 = arith.index_cast %get3A_644 : i32 to index
    %get3A_646 = arith.constant 64 : index
    %get3A_647 = tpu.vector_load %arg5[%get3A_645, %get3A_646] {strides = array<i32>} : memref<8x80xf32, #tpu.memory_space<vmem>>, vector<16xf32>,
    %get3A_648 = arith.constant 4 : i32
    %get3A_649 = arith.index_cast %get3A_648 : i32 to index
    %get3A_650 = arith.constant 64 : index
    %get3A_651 = tpu.vector_load %arg5[%get3A_649, %get3A_650] {strides = array<i32>} : memref<8x80xf32, #tpu.memory_space<vmem>>, vector<16xf32>,
    %get3A_652 = arith.constant 5 : i32
    %get3A_653 = arith.index_cast %get3A_652 : i32 to index
    %get3A_654 = arith.constant 64 : index
    %get3A_655 = tpu.vector_load %arg5[%get3A_653, %get3A_654] {strides = array<i32>} : memref<8x80xf32, #tpu.memory_space<vmem>>, vector<16xf32>,
    %get3A_656 = arith.constant 6 : i32
    %get3A_657 = arith.index_cast %get3A_656 : i32 to index
    %get3A_658 = arith.constant 64 : index
    %get3A_659 = tpu.vector_load %arg5[%get3A_657, %get3A_658] {strides = array<i32>} : memref<8x80xf32, #tpu.memory_space<vmem>>, vector<16xf32>,
    %get3A_660 = arith.constant 7 : i32
    %get3A_661 = arith.index_cast %get3A_660 : i32 to index
    %get3A_662 = arith.constant 64 : index
    %get3A_663 = tpu.vector_load %arg5[%get3A_661, %get3A_662] {strides = array<i32>} : memref<8x80xf32, #tpu.memory_space<vmem>>, vector<16xf32>,
    %min3A_664 = arith.minimumf %get3A_635, %get3A_639 : vector<16xf32>
    %max3A_665 = arith.maximumf %get3A_635, %get3A_639 : vector<16xf32>
    %min3A_666 = arith.minimumf %get3A_643, %get3A_647 : vector<16xf32>
    %max3A_667 = arith.maximumf %get3A_643, %get3A_647 : vector<16xf32>
    %min3A_668 = arith.minimumf %get3A_651, %get3A_655 : vector<16xf32>
    %max3A_669 = arith.maximumf %get3A_651, %get3A_655 : vector<16xf32>
    %min3A_670 = arith.minimumf %get3A_659, %get3A_663 : vector<16xf32>
    %max3A_671 = arith.maximumf %get3A_659, %get3A_663 : vector<16xf32>
    %min3A_672 = arith.minimumf %min3A_664, %min3A_666 : vector<16xf32>
    %max3A_673 = arith.maximumf %min3A_664, %min3A_666 : vector<16xf32>
    %min3A_674 = arith.minimumf %max3A_665, %max3A_667 : vector<16xf32>
    %max3A_675 = arith.maximumf %max3A_665, %max3A_667 : vector<16xf32>
    %min3A_676 = arith.minimumf %min3A_674, %max3A_673 : vector<16xf32>
    %max3A_677 = arith.maximumf %min3A_674, %max3A_673 : vector<16xf32>
    %min3A_678 = arith.minimumf %min3A_668, %min3A_670 : vector<16xf32>
    %max3A_679 = arith.maximumf %min3A_668, %min3A_670 : vector<16xf32>
    %min3A_680 = arith.minimumf %max3A_669, %max3A_671 : vector<16xf32>
    %max3A_681 = arith.maximumf %max3A_669, %max3A_671 : vector<16xf32>
    %min3A_682 = arith.minimumf %min3A_680, %max3A_679 : vector<16xf32>
    %max3A_683 = arith.maximumf %min3A_680, %max3A_679 : vector<16xf32>
    %min3A_684 = arith.minimumf %min3A_672, %min3A_678 : vector<16xf32>
    %max3A_685 = arith.maximumf %min3A_672, %min3A_678 : vector<16xf32>
    %min3A_686 = arith.minimumf %min3A_676, %min3A_682 : vector<16xf32>
    %max3A_687 = arith.maximumf %min3A_676, %min3A_682 : vector<16xf32>
    %min3A_688 = arith.minimumf %max3A_677, %max3A_683 : vector<16xf32>
    %max3A_689 = arith.maximumf %max3A_677, %max3A_683 : vector<16xf32>
    %min3A_690 = arith.minimumf %max3A_675, %max3A_681 : vector<16xf32>
    %max3A_691 = arith.maximumf %max3A_675, %max3A_681 : vector<16xf32>
    %min3A_692 = arith.minimumf %min3A_688, %max3A_685 : vector<16xf32>
    %max3A_693 = arith.maximumf %min3A_688, %max3A_685 : vector<16xf32>
    %min3A_694 = arith.minimumf %min3A_690, %max3A_687 : vector<16xf32>
    %max3A_695 = arith.maximumf %min3A_690, %max3A_687 : vector<16xf32>
    %min3A_696 = arith.minimumf %min3A_686, %min3A_692 : vector<16xf32>
    %max3A_697 = arith.maximumf %min3A_686, %min3A_692 : vector<16xf32>
    %min3A_698 = arith.minimumf %min3A_694, %max3A_693 : vector<16xf32>
    %max3A_699 = arith.maximumf %min3A_694, %max3A_693 : vector<16xf32>
    %min3A_700 = arith.minimumf %max3A_695, %max3A_689 : vector<16xf32>
    %max3A_701 = arith.maximumf %max3A_695, %max3A_689 : vector<16xf32>
    %swap3A_702 = arith.constant 0 : i32
    %swap3A_703 = arith.index_cast %swap3A_702 : i32 to index
    %swap3A_704 = arith.constant 64 : index
    %swap3A_705 = tpu.vector_load %arg6[%swap3A_703, %swap3A_704] {strides = array<i32>} : memref<8x80xf32, #tpu.memory_space<vmem>>, vector<16xf32>,
    tpu.vector_store %arg6[%swap3A_703, %swap3A_704], %min3A_684 {strides = array<i32>} : memref<8x80xf32, #tpu.memory_space<vmem>>, vector<16xf32>,
    %swap3A_706 = arith.constant 1 : i32
    %swap3A_707 = arith.index_cast %swap3A_706 : i32 to index
    %swap3A_708 = arith.constant 64 : index
    %swap3A_709 = tpu.vector_load %arg6[%swap3A_707, %swap3A_708] {strides = array<i32>} : memref<8x80xf32, #tpu.memory_space<vmem>>, vector<16xf32>,
    tpu.vector_store %arg6[%swap3A_707, %swap3A_708], %min3A_696 {strides = array<i32>} : memref<8x80xf32, #tpu.memory_space<vmem>>, vector<16xf32>,
    %swap3A_710 = arith.constant 2 : i32
    %swap3A_711 = arith.index_cast %swap3A_710 : i32 to index
    %swap3A_712 = arith.constant 64 : index
    %swap3A_713 = tpu.vector_load %arg6[%swap3A_711, %swap3A_712] {strides = array<i32>} : memref<8x80xf32, #tpu.memory_space<vmem>>, vector<16xf32>,
    tpu.vector_store %arg6[%swap3A_711, %swap3A_712], %max3A_697 {strides = array<i32>} : memref<8x80xf32, #tpu.memory_space<vmem>>, vector<16xf32>,
    %swap3A_714 = arith.constant 3 : i32
    %swap3A_715 = arith.index_cast %swap3A_714 : i32 to index
    %swap3A_716 = arith.constant 64 : index
    %swap3A_717 = tpu.vector_load %arg6[%swap3A_715, %swap3A_716] {strides = array<i32>} : memref<8x80xf32, #tpu.memory_space<vmem>>, vector<16xf32>,
    tpu.vector_store %arg6[%swap3A_715, %swap3A_716], %min3A_698 {strides = array<i32>} : memref<8x80xf32, #tpu.memory_space<vmem>>, vector<16xf32>,
    %swap3A_718 = arith.constant 4 : i32
    %swap3A_719 = arith.index_cast %swap3A_718 : i32 to index
    %swap3A_720 = arith.constant 64 : index
    %swap3A_721 = tpu.vector_load %arg6[%swap3A_719, %swap3A_720] {strides = array<i32>} : memref<8x80xf32, #tpu.memory_space<vmem>>, vector<16xf32>,
    tpu.vector_store %arg6[%swap3A_719, %swap3A_720], %max3A_699 {strides = array<i32>} : memref<8x80xf32, #tpu.memory_space<vmem>>, vector<16xf32>,
    %swap3A_722 = arith.constant 5 : i32
    %swap3A_723 = arith.index_cast %swap3A_722 : i32 to index
    %swap3A_724 = arith.constant 64 : index
    %swap3A_725 = tpu.vector_load %arg6[%swap3A_723, %swap3A_724] {strides = array<i32>} : memref<8x80xf32, #tpu.memory_space<vmem>>, vector<16xf32>,
    tpu.vector_store %arg6[%swap3A_723, %swap3A_724], %min3A_700 {strides = array<i32>} : memref<8x80xf32, #tpu.memory_space<vmem>>, vector<16xf32>,
    %swap3A_726 = arith.constant 6 : i32
    %swap3A_727 = arith.index_cast %swap3A_726 : i32 to index
    %swap3A_728 = arith.constant 64 : index
    %swap3A_729 = tpu.vector_load %arg6[%swap3A_727, %swap3A_728] {strides = array<i32>} : memref<8x80xf32, #tpu.memory_space<vmem>>, vector<16xf32>,
    tpu.vector_store %arg6[%swap3A_727, %swap3A_728], %max3A_701 {strides = array<i32>} : memref<8x80xf32, #tpu.memory_space<vmem>>, vector<16xf32>,
    %swap3A_730 = arith.constant 7 : i32
    %swap3A_731 = arith.index_cast %swap3A_730 : i32 to index
    %swap3A_732 = arith.constant 64 : index
    %swap3A_733 = tpu.vector_load %arg6[%swap3A_731, %swap3A_732] {strides = array<i32>} : memref<8x80xf32, #tpu.memory_space<vmem>>, vector<16xf32>,
    tpu.vector_store %arg6[%swap3A_731, %swap3A_732], %max3A_691 {strides = array<i32>} : memref<8x80xf32, #tpu.memory_space<vmem>>, vector<16xf32>,
    %add3A_734 = arith.addf %min3A_684, %min3A_696 : vector<16xf32>
    %mul3A_735 = arith.constant 5.000000e-01 : f32
    %mul3A_736 = vector.broadcast %mul3A_735 : f32 to vector<16xf32>
    %mul3A_737 = arith.mulf %add3A_734, %mul3A_736 : vector<16xf32>
    %swap3A_738 = arith.constant 0 : i32
    %swap3A_739 = arith.index_cast %swap3A_738 : i32 to index
    %swap3A_740 = arith.constant 64 : index
    %swap3A_741 = tpu.vector_load %arg7[%swap3A_739, %swap3A_740] {strides = array<i32>} : memref<7x80xf32, #tpu.memory_space<vmem>>, vector<16xf32>,
    tpu.vector_store %arg7[%swap3A_739, %swap3A_740], %mul3A_737 {strides = array<i32>} : memref<7x80xf32, #tpu.memory_space<vmem>>, vector<16xf32>,
    %add3A_742 = arith.addf %min3A_696, %max3A_697 : vector<16xf32>
    %mul3A_743 = arith.constant 5.000000e-01 : f32
    %mul3A_744 = vector.broadcast %mul3A_743 : f32 to vector<16xf32>
    %mul3A_745 = arith.mulf %add3A_742, %mul3A_744 : vector<16xf32>
    %swap3A_746 = arith.constant 1 : i32
    %swap3A_747 = arith.index_cast %swap3A_746 : i32 to index
    %swap3A_748 = arith.constant 64 : index
    %swap3A_749 = tpu.vector_load %arg7[%swap3A_747, %swap3A_748] {strides = array<i32>} : memref<7x80xf32, #tpu.memory_space<vmem>>, vector<16xf32>,
    tpu.vector_store %arg7[%swap3A_747, %swap3A_748], %mul3A_745 {strides = array<i32>} : memref<7x80xf32, #tpu.memory_space<vmem>>, vector<16xf32>,
    %add3A_750 = arith.addf %max3A_697, %min3A_698 : vector<16xf32>
    %mul3A_751 = arith.constant 5.000000e-01 : f32
    %mul3A_752 = vector.broadcast %mul3A_751 : f32 to vector<16xf32>
    %mul3A_753 = arith.mulf %add3A_750, %mul3A_752 : vector<16xf32>
    %swap3A_754 = arith.constant 2 : i32
    %swap3A_755 = arith.index_cast %swap3A_754 : i32 to index
    %swap3A_756 = arith.constant 64 : index
    %swap3A_757 = tpu.vector_load %arg7[%swap3A_755, %swap3A_756] {strides = array<i32>} : memref<7x80xf32, #tpu.memory_space<vmem>>, vector<16xf32>,
    tpu.vector_store %arg7[%swap3A_755, %swap3A_756], %mul3A_753 {strides = array<i32>} : memref<7x80xf32, #tpu.memory_space<vmem>>, vector<16xf32>,
    %add3A_758 = arith.addf %min3A_698, %max3A_699 : vector<16xf32>
    %mul3A_759 = arith.constant 5.000000e-01 : f32
    %mul3A_760 = vector.broadcast %mul3A_759 : f32 to vector<16xf32>
    %mul3A_761 = arith.mulf %add3A_758, %mul3A_760 : vector<16xf32>
    %swap3A_762 = arith.constant 3 : i32
    %swap3A_763 = arith.index_cast %swap3A_762 : i32 to index
    %swap3A_764 = arith.constant 64 : index
    %swap3A_765 = tpu.vector_load %arg7[%swap3A_763, %swap3A_764] {strides = array<i32>} : memref<7x80xf32, #tpu.memory_space<vmem>>, vector<16xf32>,
    tpu.vector_store %arg7[%swap3A_763, %swap3A_764], %mul3A_761 {strides = array<i32>} : memref<7x80xf32, #tpu.memory_space<vmem>>, vector<16xf32>,
    %add3A_766 = arith.addf %max3A_699, %min3A_700 : vector<16xf32>
    %mul3A_767 = arith.constant 5.000000e-01 : f32
    %mul3A_768 = vector.broadcast %mul3A_767 : f32 to vector<16xf32>
    %mul3A_769 = arith.mulf %add3A_766, %mul3A_768 : vector<16xf32>
    %swap3A_770 = arith.constant 4 : i32
    %swap3A_771 = arith.index_cast %swap3A_770 : i32 to index
    %swap3A_772 = arith.constant 64 : index
    %swap3A_773 = tpu.vector_load %arg7[%swap3A_771, %swap3A_772] {strides = array<i32>} : memref<7x80xf32, #tpu.memory_space<vmem>>, vector<16xf32>,
    tpu.vector_store %arg7[%swap3A_771, %swap3A_772], %mul3A_769 {strides = array<i32>} : memref<7x80xf32, #tpu.memory_space<vmem>>, vector<16xf32>,
    %add3A_774 = arith.addf %min3A_700, %max3A_701 : vector<16xf32>
    %mul3A_775 = arith.constant 5.000000e-01 : f32
    %mul3A_776 = vector.broadcast %mul3A_775 : f32 to vector<16xf32>
    %mul3A_777 = arith.mulf %add3A_774, %mul3A_776 : vector<16xf32>
    %swap3A_778 = arith.constant 5 : i32
    %swap3A_779 = arith.index_cast %swap3A_778 : i32 to index
    %swap3A_780 = arith.constant 64 : index
    %swap3A_781 = tpu.vector_load %arg7[%swap3A_779, %swap3A_780] {strides = array<i32>} : memref<7x80xf32, #tpu.memory_space<vmem>>, vector<16xf32>,
    tpu.vector_store %arg7[%swap3A_779, %swap3A_780], %mul3A_777 {strides = array<i32>} : memref<7x80xf32, #tpu.memory_space<vmem>>, vector<16xf32>,
    %add3A_782 = arith.addf %max3A_701, %max3A_691 : vector<16xf32>
    %mul3A_783 = arith.constant 5.000000e-01 : f32
    %mul3A_784 = vector.broadcast %mul3A_783 : f32 to vector<16xf32>
    %mul3A_785 = arith.mulf %add3A_782, %mul3A_784 : vector<16xf32>
    %swap3A_786 = arith.constant 6 : i32
    %swap3A_787 = arith.index_cast %swap3A_786 : i32 to index
    %swap3A_788 = arith.constant 64 : index
    %swap3A_789 = tpu.vector_load %arg7[%swap3A_787, %swap3A_788] {strides = array<i32>} : memref<7x80xf32, #tpu.memory_space<vmem>>, vector<16xf32>,
    tpu.vector_store %arg7[%swap3A_787, %swap3A_788], %mul3A_785 {strides = array<i32>} : memref<7x80xf32, #tpu.memory_space<vmem>>, vector<16xf32>,
    %add3A_790 = arith.constant 0 : i32
    %add3A_791 = arith.addi %mul3A_2, %add3A_790 : i32
    %dma_start3A = arith.constant 0 : i32
    %dma_start3A_792 = tpu.memref_slice %arg2[%add3A_791, %dma_start3A] : memref<2560x2048xf32, #tpu.memory_space<hbm>> -> memref<8x2048xf32, #tpu.memory_space<hbm>>
    %dma_start3A_793 = arith.constant 0 : i32
    %dma_start3A_794 = tpu.memref_slice %arg2[%add3A_791, %dma_start3A_793] : memref<2560x2048xf32, #tpu.memory_space<hbm>> -> memref<8x2048xf32, #tpu.memory_space<hbm>>
    tpu.enqueue_dma source(%dma_start3A_794 : memref<8x2048xf32, #tpu.memory_space<hbm>>) target(%arg8 : memref<8x2048xf32, #tpu.memory_space<vmem>>) target_semaphore(%arg12 : memref<!tpu.dma_semaphore, #tpu.memory_space<semaphore_mem>>)
    %add3A_795 = arith.constant 8 : i32
    %add3A_796 = arith.addi %mul3A_2, %add3A_795 : i32
    %dma_start3A_797 = arith.constant 0 : i32
    %dma_start3A_798 = tpu.memref_slice %arg2[%add3A_796, %dma_start3A_797] : memref<2560x2048xf32, #tpu.memory_space<hbm>> -> memref<8x2048xf32, #tpu.memory_space<hbm>>
    %dma_start3A_799 = arith.constant 0 : i32
    %dma_start3A_800 = tpu.memref_slice %arg2[%add3A_796, %dma_start3A_799] : memref<2560x2048xf32, #tpu.memory_space<hbm>> -> memref<8x2048xf32, #tpu.memory_space<hbm>>
    tpu.enqueue_dma source(%dma_start3A_800 : memref<8x2048xf32, #tpu.memory_space<hbm>>) target(%arg9 : memref<8x2048xf32, #tpu.memory_space<vmem>>) target_semaphore(%arg13 : memref<!tpu.dma_semaphore, #tpu.memory_space<semaphore_mem>>)
    %dma_wait3A = arith.constant 0 : i32
    %dma_wait3A_801 = tpu.memref_slice %arg2[%add3A_791, %dma_wait3A] : memref<2560x2048xf32, #tpu.memory_space<hbm>> -> memref<8x2048xf32, #tpu.memory_space<hbm>>
    %dma_wait3A_802 = arith.constant 0 : i32
    %dma_wait3A_803 = tpu.memref_slice %arg2[%add3A_791, %dma_wait3A_802] : memref<2560x2048xf32, #tpu.memory_space<hbm>> -> memref<8x2048xf32, #tpu.memory_space<hbm>>
    tpu.wait_dma2 semaphore(%arg12 : memref<!tpu.dma_semaphore, #tpu.memory_space<semaphore_mem>>) src(%dma_wait3A_803 : memref<8x2048xf32, #tpu.memory_space<hbm>>) dst(%arg8 : memref<8x2048xf32, #tpu.memory_space<vmem>>)
    %scan3A = arith.constant 0 : i32
    %scan3A_804 = arith.constant 8 : i32
    %scan3A_805 = arith.addi %scan3A, %scan3A_804 : i32
    %scan3A_806 = arith.constant 1 : i32
    scf.for %scan3A_862 = %scan3A to %scan3A_805 step %scan3A_806  : i32 {
      %mul3A_863 = arith.constant 1 : i32
      %mul3A_864 = arith.muli %scan3A_862, %mul3A_863 : i32
      %add3A_865 = arith.constant 0 : i32
      %add3A_866 = arith.addi %add3A_865, %mul3A_864 : i32
      %add3A_867 = arith.constant 0 : i32
      %add3A_868 = arith.addi %rem3A_3, %add3A_867 : i32
      %add3A_869 = arith.addi %add3A_868, %add3A_866 : i32
      %rem3A_870 = arith.constant 80 : i32
      %rem3A_871 = arith.remsi %add3A_869, %rem3A_870 : i32
      %broadcast_in_dim3A = vector.broadcast %rem3A_871 : i32 to vector<16xi32>
      %broadcast_in_dim3A_872 = arith.constant 0 : i32
      %broadcast_in_dim3A_873 = vector.broadcast %broadcast_in_dim3A_872 : i32 to vector<16xi32>
      %gather3A = tpu.vector_load_idx %arg6[%broadcast_in_dim3A_873, %broadcast_in_dim3A] : memref<8x80xf32, #tpu.memory_space<vmem>>[vector<16xi32>, vector<16xi32>], vector<16xf32>,
      %broadcast_in_dim3A_874 = arith.constant 1 : i32
      %broadcast_in_dim3A_875 = vector.broadcast %broadcast_in_dim3A_874 : i32 to vector<16xi32>
      %gather3A_876 = tpu.vector_load_idx %arg6[%broadcast_in_dim3A_875, %broadcast_in_dim3A] : memref<8x80xf32, #tpu.memory_space<vmem>>[vector<16xi32>, vector<16xi32>], vector<16xf32>,
      %broadcast_in_dim3A_877 = arith.constant 2 : i32
      %broadcast_in_dim3A_878 = vector.broadcast %broadcast_in_dim3A_877 : i32 to vector<16xi32>
      %gather3A_879 = tpu.vector_load_idx %arg6[%broadcast_in_dim3A_878, %broadcast_in_dim3A] : memref<8x80xf32, #tpu.memory_space<vmem>>[vector<16xi32>, vector<16xi32>], vector<16xf32>,
      %broadcast_in_dim3A_880 = arith.constant 3 : i32
      %broadcast_in_dim3A_881 = vector.broadcast %broadcast_in_dim3A_880 : i32 to vector<16xi32>
      %gather3A_882 = tpu.vector_load_idx %arg6[%broadcast_in_dim3A_881, %broadcast_in_dim3A] : memref<8x80xf32, #tpu.memory_space<vmem>>[vector<16xi32>, vector<16xi32>], vector<16xf32>,
      %broadcast_in_dim3A_883 = arith.constant 4 : i32
      %broadcast_in_dim3A_884 = vector.broadcast %broadcast_in_dim3A_883 : i32 to vector<16xi32>
      %gather3A_885 = tpu.vector_load_idx %arg6[%broadcast_in_dim3A_884, %broadcast_in_dim3A] : memref<8x80xf32, #tpu.memory_space<vmem>>[vector<16xi32>, vector<16xi32>], vector<16xf32>,
      %broadcast_in_dim3A_886 = arith.constant 5 : i32
      %broadcast_in_dim3A_887 = vector.broadcast %broadcast_in_dim3A_886 : i32 to vector<16xi32>
      %gather3A_888 = tpu.vector_load_idx %arg6[%broadcast_in_dim3A_887, %broadcast_in_dim3A] : memref<8x80xf32, #tpu.memory_space<vmem>>[vector<16xi32>, vector<16xi32>], vector<16xf32>,
      %broadcast_in_dim3A_889 = arith.constant 6 : i32
      %broadcast_in_dim3A_890 = vector.broadcast %broadcast_in_dim3A_889 : i32 to vector<16xi32>
      %gather3A_891 = tpu.vector_load_idx %arg6[%broadcast_in_dim3A_890, %broadcast_in_dim3A] : memref<8x80xf32, #tpu.memory_space<vmem>>[vector<16xi32>, vector<16xi32>], vector<16xf32>,
      %broadcast_in_dim3A_892 = arith.constant 7 : i32
      %broadcast_in_dim3A_893 = vector.broadcast %broadcast_in_dim3A_892 : i32 to vector<16xi32>
      %gather3A_894 = tpu.vector_load_idx %arg6[%broadcast_in_dim3A_893, %broadcast_in_dim3A] : memref<8x80xf32, #tpu.memory_space<vmem>>[vector<16xi32>, vector<16xi32>], vector<16xf32>,
      %broadcast_in_dim3A_895 = arith.constant 0 : i32
      %broadcast_in_dim3A_896 = vector.broadcast %broadcast_in_dim3A_895 : i32 to vector<16xi32>
      %gather3A_897 = tpu.vector_load_idx %arg7[%broadcast_in_dim3A_896, %broadcast_in_dim3A] : memref<7x80xf32, #tpu.memory_space<vmem>>[vector<16xi32>, vector<16xi32>], vector<16xf32>,
      %broadcast_in_dim3A_898 = arith.constant 1 : i32
      %broadcast_in_dim3A_899 = vector.broadcast %broadcast_in_dim3A_898 : i32 to vector<16xi32>
      %gather3A_900 = tpu.vector_load_idx %arg7[%broadcast_in_dim3A_899, %broadcast_in_dim3A] : memref<7x80xf32, #tpu.memory_space<vmem>>[vector<16xi32>, vector<16xi32>], vector<16xf32>,
      %broadcast_in_dim3A_901 = arith.constant 2 : i32
      %broadcast_in_dim3A_902 = vector.broadcast %broadcast_in_dim3A_901 : i32 to vector<16xi32>
      %gather3A_903 = tpu.vector_load_idx %arg7[%broadcast_in_dim3A_902, %broadcast_in_dim3A] : memref<7x80xf32, #tpu.memory_space<vmem>>[vector<16xi32>, vector<16xi32>], vector<16xf32>,
      %broadcast_in_dim3A_904 = arith.constant 3 : i32
      %broadcast_in_dim3A_905 = vector.broadcast %broadcast_in_dim3A_904 : i32 to vector<16xi32>
      %gather3A_906 = tpu.vector_load_idx %arg7[%broadcast_in_dim3A_905, %broadcast_in_dim3A] : memref<7x80xf32, #tpu.memory_space<vmem>>[vector<16xi32>, vector<16xi32>], vector<16xf32>,
      %broadcast_in_dim3A_907 = arith.constant 4 : i32
      %broadcast_in_dim3A_908 = vector.broadcast %broadcast_in_dim3A_907 : i32 to vector<16xi32>
      %gather3A_909 = tpu.vector_load_idx %arg7[%broadcast_in_dim3A_908, %broadcast_in_dim3A] : memref<7x80xf32, #tpu.memory_space<vmem>>[vector<16xi32>, vector<16xi32>], vector<16xf32>,
      %broadcast_in_dim3A_910 = arith.constant 5 : i32
      %broadcast_in_dim3A_911 = vector.broadcast %broadcast_in_dim3A_910 : i32 to vector<16xi32>
      %gather3A_912 = tpu.vector_load_idx %arg7[%broadcast_in_dim3A_911, %broadcast_in_dim3A] : memref<7x80xf32, #tpu.memory_space<vmem>>[vector<16xi32>, vector<16xi32>], vector<16xf32>,
      %broadcast_in_dim3A_913 = arith.constant 6 : i32
      %broadcast_in_dim3A_914 = vector.broadcast %broadcast_in_dim3A_913 : i32 to vector<16xi32>
      %gather3A_915 = tpu.vector_load_idx %arg7[%broadcast_in_dim3A_914, %broadcast_in_dim3A] : memref<7x80xf32, #tpu.memory_space<vmem>>[vector<16xi32>, vector<16xi32>], vector<16xf32>,
      %parallel_loop3A = arith.constant 0 : i32
      %parallel_loop3A_916 = arith.constant 2048 : i32
      %parallel_loop3A_917 = arith.constant 64 : i32
      scf.for %parallel_loop3A_918 = %parallel_loop3A to %parallel_loop3A_916 step %parallel_loop3A_917  : i32 {
        %parallel_loop3A_919 = arith.constant 0 : i32
        %parallel_loop3A_920 = arith.addi %parallel_loop3A_918, %parallel_loop3A_919 : i32
        %parallel_loop3A_921 = arith.index_cast %add3A_866 : i32 to index
        %parallel_loop3A_922 = arith.index_cast %parallel_loop3A_920 : i32 to index
        %parallel_loop3A_923 = tpu.vector_load %arg8[%parallel_loop3A_921, %parallel_loop3A_922] {strides = array<i32>} : memref<8x2048xf32, #tpu.memory_space<vmem>>, vector<16xf32>,
        %parallel_loop3A_924 = arith.cmpf ogt, %parallel_loop3A_923, %gather3A_897 : vector<16xf32>
        %parallel_loop3A_925 = arith.select %parallel_loop3A_924, %gather3A_876, %gather3A : vector<16xi1>, vector<16xf32>
        %parallel_loop3A_926 = arith.cmpf ogt, %parallel_loop3A_923, %gather3A_900 : vector<16xf32>
        %parallel_loop3A_927 = arith.select %parallel_loop3A_926, %gather3A_879, %parallel_loop3A_925 : vector<16xi1>, vector<16xf32>
        %parallel_loop3A_928 = arith.cmpf ogt, %parallel_loop3A_923, %gather3A_903 : vector<16xf32>
        %parallel_loop3A_929 = arith.select %parallel_loop3A_928, %gather3A_882, %parallel_loop3A_927 : vector<16xi1>, vector<16xf32>
        %parallel_loop3A_930 = arith.cmpf ogt, %parallel_loop3A_923, %gather3A_906 : vector<16xf32>
        %parallel_loop3A_931 = arith.select %parallel_loop3A_930, %gather3A_885, %parallel_loop3A_929 : vector<16xi1>, vector<16xf32>
        %parallel_loop3A_932 = arith.cmpf ogt, %parallel_loop3A_923, %gather3A_909 : vector<16xf32>
        %parallel_loop3A_933 = arith.select %parallel_loop3A_932, %gather3A_888, %parallel_loop3A_931 : vector<16xi1>, vector<16xf32>
        %parallel_loop3A_934 = arith.cmpf ogt, %parallel_loop3A_923, %gather3A_912 : vector<16xf32>
        %parallel_loop3A_935 = arith.select %parallel_loop3A_934, %gather3A_891, %parallel_loop3A_933 : vector<16xi1>, vector<16xf32>
        %parallel_loop3A_936 = arith.cmpf ogt, %parallel_loop3A_923, %gather3A_915 : vector<16xf32>
        %parallel_loop3A_937 = arith.select %parallel_loop3A_936, %gather3A_894, %parallel_loop3A_935 : vector<16xi1>, vector<16xf32>
        %parallel_loop3A_938 = arith.index_cast %add3A_866 : i32 to index
        %parallel_loop3A_939 = arith.index_cast %parallel_loop3A_920 : i32 to index
        %parallel_loop3A_940 = tpu.vector_load %arg10[%parallel_loop3A_938, %parallel_loop3A_939] {strides = array<i32>} : memref<8x2048xf32, #tpu.memory_space<vmem>>, vector<16xf32>,
        tpu.vector_store %arg10[%parallel_loop3A_938, %parallel_loop3A_939], %parallel_loop3A_937 {strides = array<i32>} : memref<8x2048xf32, #tpu.memory_space<vmem>>, vector<16xf32>,
        %parallel_loop3A_941 = arith.constant 16 : i32
        %parallel_loop3A_942 = arith.addi %parallel_loop3A_918, %parallel_loop3A_941 : i32
        %parallel_loop3A_943 = arith.index_cast %add3A_866 : i32 to index
        %parallel_loop3A_944 = arith.index_cast %parallel_loop3A_942 : i32 to index
        %parallel_loop3A_945 = tpu.vector_load %arg8[%parallel_loop3A_943, %parallel_loop3A_944] {strides = array<i32>} : memref<8x2048xf32, #tpu.memory_space<vmem>>, vector<16xf32>,
        %parallel_loop3A_946 = arith.cmpf ogt, %parallel_loop3A_945, %gather3A_897 : vector<16xf32>
        %parallel_loop3A_947 = arith.select %parallel_loop3A_946, %gather3A_876, %gather3A : vector<16xi1>, vector<16xf32>
        %parallel_loop3A_948 = arith.cmpf ogt, %parallel_loop3A_945, %gather3A_900 : vector<16xf32>
        %parallel_loop3A_949 = arith.select %parallel_loop3A_948, %gather3A_879, %parallel_loop3A_947 : vector<16xi1>, vector<16xf32>
        %parallel_loop3A_950 = arith.cmpf ogt, %parallel_loop3A_945, %gather3A_903 : vector<16xf32>
        %parallel_loop3A_951 = arith.select %parallel_loop3A_950, %gather3A_882, %parallel_loop3A_949 : vector<16xi1>, vector<16xf32>
        %parallel_loop3A_952 = arith.cmpf ogt, %parallel_loop3A_945, %gather3A_906 : vector<16xf32>
        %parallel_loop3A_953 = arith.select %parallel_loop3A_952, %gather3A_885, %parallel_loop3A_951 : vector<16xi1>, vector<16xf32>
        %parallel_loop3A_954 = arith.cmpf ogt, %parallel_loop3A_945, %gather3A_909 : vector<16xf32>
        %parallel_loop3A_955 = arith.select %parallel_loop3A_954, %gather3A_888, %parallel_loop3A_953 : vector<16xi1>, vector<16xf32>
        %parallel_loop3A_956 = arith.cmpf ogt, %parallel_loop3A_945, %gather3A_912 : vector<16xf32>
        %parallel_loop3A_957 = arith.select %parallel_loop3A_956, %gather3A_891, %parallel_loop3A_955 : vector<16xi1>, vector<16xf32>
        %parallel_loop3A_958 = arith.cmpf ogt, %parallel_loop3A_945, %gather3A_915 : vector<16xf32>
        %parallel_loop3A_959 = arith.select %parallel_loop3A_958, %gather3A_894, %parallel_loop3A_957 : vector<16xi1>, vector<16xf32>
        %parallel_loop3A_960 = arith.index_cast %add3A_866 : i32 to index
        %parallel_loop3A_961 = arith.index_cast %parallel_loop3A_942 : i32 to index
        %parallel_loop3A_962 = tpu.vector_load %arg10[%parallel_loop3A_960, %parallel_loop3A_961] {strides = array<i32>} : memref<8x2048xf32, #tpu.memory_space<vmem>>, vector<16xf32>,
        tpu.vector_store %arg10[%parallel_loop3A_960, %parallel_loop3A_961], %parallel_loop3A_959 {strides = array<i32>} : memref<8x2048xf32, #tpu.memory_space<vmem>>, vector<16xf32>,
        %parallel_loop3A_963 = arith.constant 32 : i32
        %parallel_loop3A_964 = arith.addi %parallel_loop3A_918, %parallel_loop3A_963 : i32
        %parallel_loop3A_965 = arith.index_cast %add3A_866 : i32 to index
        %parallel_loop3A_966 = arith.index_cast %parallel_loop3A_964 : i32 to index
        %parallel_loop3A_967 = tpu.vector_load %arg8[%parallel_loop3A_965, %parallel_loop3A_966] {strides = array<i32>} : memref<8x2048xf32, #tpu.memory_space<vmem>>, vector<16xf32>,
        %parallel_loop3A_968 = arith.cmpf ogt, %parallel_loop3A_967, %gather3A_897 : vector<16xf32>
        %parallel_loop3A_969 = arith.select %parallel_loop3A_968, %gather3A_876, %gather3A : vector<16xi1>, vector<16xf32>
        %parallel_loop3A_970 = arith.cmpf ogt, %parallel_loop3A_967, %gather3A_900 : vector<16xf32>
        %parallel_loop3A_971 = arith.select %parallel_loop3A_970, %gather3A_879, %parallel_loop3A_969 : vector<16xi1>, vector<16xf32>
        %parallel_loop3A_972 = arith.cmpf ogt, %parallel_loop3A_967, %gather3A_903 : vector<16xf32>
        %parallel_loop3A_973 = arith.select %parallel_loop3A_972, %gather3A_882, %parallel_loop3A_971 : vector<16xi1>, vector<16xf32>
        %parallel_loop3A_974 = arith.cmpf ogt, %parallel_loop3A_967, %gather3A_906 : vector<16xf32>
        %parallel_loop3A_975 = arith.select %parallel_loop3A_974, %gather3A_885, %parallel_loop3A_973 : vector<16xi1>, vector<16xf32>
        %parallel_loop3A_976 = arith.cmpf ogt, %parallel_loop3A_967, %gather3A_909 : vector<16xf32>
        %parallel_loop3A_977 = arith.select %parallel_loop3A_976, %gather3A_888, %parallel_loop3A_975 : vector<16xi1>, vector<16xf32>
        %parallel_loop3A_978 = arith.cmpf ogt, %parallel_loop3A_967, %gather3A_912 : vector<16xf32>
        %parallel_loop3A_979 = arith.select %parallel_loop3A_978, %gather3A_891, %parallel_loop3A_977 : vector<16xi1>, vector<16xf32>
        %parallel_loop3A_980 = arith.cmpf ogt, %parallel_loop3A_967, %gather3A_915 : vector<16xf32>
        %parallel_loop3A_981 = arith.select %parallel_loop3A_980, %gather3A_894, %parallel_loop3A_979 : vector<16xi1>, vector<16xf32>
        %parallel_loop3A_982 = arith.index_cast %add3A_866 : i32 to index
        %parallel_loop3A_983 = arith.index_cast %parallel_loop3A_964 : i32 to index
        %parallel_loop3A_984 = tpu.vector_load %arg10[%parallel_loop3A_982, %parallel_loop3A_983] {strides = array<i32>} : memref<8x2048xf32, #tpu.memory_space<vmem>>, vector<16xf32>,
        tpu.vector_store %arg10[%parallel_loop3A_982, %parallel_loop3A_983], %parallel_loop3A_981 {strides = array<i32>} : memref<8x2048xf32, #tpu.memory_space<vmem>>, vector<16xf32>,
        %parallel_loop3A_985 = arith.constant 48 : i32
        %parallel_loop3A_986 = arith.addi %parallel_loop3A_918, %parallel_loop3A_985 : i32
        %parallel_loop3A_987 = arith.index_cast %add3A_866 : i32 to index
        %parallel_loop3A_988 = arith.index_cast %parallel_loop3A_986 : i32 to index
        %parallel_loop3A_989 = tpu.vector_load %arg8[%parallel_loop3A_987, %parallel_loop3A_988] {strides = array<i32>} : memref<8x2048xf32, #tpu.memory_space<vmem>>, vector<16xf32>,
        %parallel_loop3A_990 = arith.cmpf ogt, %parallel_loop3A_989, %gather3A_897 : vector<16xf32>
        %parallel_loop3A_991 = arith.select %parallel_loop3A_990, %gather3A_876, %gather3A : vector<16xi1>, vector<16xf32>
        %parallel_loop3A_992 = arith.cmpf ogt, %parallel_loop3A_989, %gather3A_900 : vector<16xf32>
        %parallel_loop3A_993 = arith.select %parallel_loop3A_992, %gather3A_879, %parallel_loop3A_991 : vector<16xi1>, vector<16xf32>
        %parallel_loop3A_994 = arith.cmpf ogt, %parallel_loop3A_989, %gather3A_903 : vector<16xf32>
        %parallel_loop3A_995 = arith.select %parallel_loop3A_994, %gather3A_882, %parallel_loop3A_993 : vector<16xi1>, vector<16xf32>
        %parallel_loop3A_996 = arith.cmpf ogt, %parallel_loop3A_989, %gather3A_906 : vector<16xf32>
        %parallel_loop3A_997 = arith.select %parallel_loop3A_996, %gather3A_885, %parallel_loop3A_995 : vector<16xi1>, vector<16xf32>
        %parallel_loop3A_998 = arith.cmpf ogt, %parallel_loop3A_989, %gather3A_909 : vector<16xf32>
        %parallel_loop3A_999 = arith.select %parallel_loop3A_998, %gather3A_888, %parallel_loop3A_997 : vector<16xi1>, vector<16xf32>
        %parallel_loop3A_1000 = arith.cmpf ogt, %parallel_loop3A_989, %gather3A_912 : vector<16xf32>
        %parallel_loop3A_1001 = arith.select %parallel_loop3A_1000, %gather3A_891, %parallel_loop3A_999 : vector<16xi1>, vector<16xf32>
        %parallel_loop3A_1002 = arith.cmpf ogt, %parallel_loop3A_989, %gather3A_915 : vector<16xf32>
        %parallel_loop3A_1003 = arith.select %parallel_loop3A_1002, %gather3A_894, %parallel_loop3A_1001 : vector<16xi1>, vector<16xf32>
        %parallel_loop3A_1004 = arith.index_cast %add3A_866 : i32 to index
        %parallel_loop3A_1005 = arith.index_cast %parallel_loop3A_986 : i32 to index
        %parallel_loop3A_1006 = tpu.vector_load %arg10[%parallel_loop3A_1004, %parallel_loop3A_1005] {strides = array<i32>} : memref<8x2048xf32, #tpu.memory_space<vmem>>, vector<16xf32>,
        tpu.vector_store %arg10[%parallel_loop3A_1004, %parallel_loop3A_1005], %parallel_loop3A_1003 {strides = array<i32>} : memref<8x2048xf32, #tpu.memory_space<vmem>>, vector<16xf32>,
      } {sc.loop_unroll_factor = 2 : i64, sc.parallel_access}
    }
    %scan3A_807 = arith.constant 8 : i32
    %add3A_808 = arith.constant 0 : i32
    %add3A_809 = arith.addi %mul3A_2, %add3A_808 : i32
    %dma_start3A_810 = arith.constant 0 : i32
    %dma_start3A_811 = tpu.memref_slice %arg4[%add3A_809, %dma_start3A_810] : memref<768x2048xf32, #tpu.memory_space<hbm>> -> memref<8x2048xf32, #tpu.memory_space<hbm>>
    %dma_start3A_812 = arith.constant 0 : i32
    %dma_start3A_813 = tpu.memref_slice %arg4[%add3A_809, %dma_start3A_812] : memref<768x2048xf32, #tpu.memory_space<hbm>> -> memref<8x2048xf32, #tpu.memory_space<hbm>>
    tpu.enqueue_dma source(%arg10 : memref<8x2048xf32, #tpu.memory_space<vmem>>) target(%dma_start3A_813 : memref<8x2048xf32, #tpu.memory_space<hbm>>) target_semaphore(%arg14 : memref<!tpu.dma_semaphore, #tpu.memory_space<semaphore_mem>>)
    %dma_wait3A_814 = arith.constant 0 : i32
    %dma_wait3A_815 = tpu.memref_slice %arg4[%add3A_809, %dma_wait3A_814] : memref<768x2048xf32, #tpu.memory_space<hbm>> -> memref<8x2048xf32, #tpu.memory_space<hbm>>
    %dma_wait3A_816 = arith.constant 0 : i32
    %dma_wait3A_817 = tpu.memref_slice %arg4[%add3A_809, %dma_wait3A_816] : memref<768x2048xf32, #tpu.memory_space<hbm>> -> memref<8x2048xf32, #tpu.memory_space<hbm>>
    tpu.wait_dma2 semaphore(%arg14 : memref<!tpu.dma_semaphore, #tpu.memory_space<semaphore_mem>>) src(%arg10 : memref<8x2048xf32, #tpu.memory_space<vmem>>) dst(%dma_wait3A_817 : memref<8x2048xf32, #tpu.memory_space<hbm>>)
    %add3A_818 = arith.constant 16 : i32
    %add3A_819 = arith.addi %mul3A_2, %add3A_818 : i32
    %dma_start3A_820 = arith.constant 0 : i32
    %dma_start3A_821 = tpu.memref_slice %arg2[%add3A_819, %dma_start3A_820] : memref<2560x2048xf32, #tpu.memory_space<hbm>> -> memref<8x2048xf32, #tpu.memory_space<hbm>>
    %dma_start3A_822 = arith.constant 0 : i32
    %dma_start3A_823 = tpu.memref_slice %arg2[%add3A_819, %dma_start3A_822] : memref<2560x2048xf32, #tpu.memory_space<hbm>> -> memref<8x2048xf32, #tpu.memory_space<hbm>>
    tpu.enqueue_dma source(%dma_start3A_823 : memref<8x2048xf32, #tpu.memory_space<hbm>>) target(%arg8 : memref<8x2048xf32, #tpu.memory_space<vmem>>) target_semaphore(%arg12 : memref<!tpu.dma_semaphore, #tpu.memory_space<semaphore_mem>>)
    %dma_wait3A_824 = arith.constant 0 : i32
    %dma_wait3A_825 = tpu.memref_slice %arg2[%add3A_796, %dma_wait3A_824] : memref<2560x2048xf32, #tpu.memory_space<hbm>> -> memref<8x2048xf32, #tpu.memory_space<hbm>>
    %dma_wait3A_826 = arith.constant 0 : i32
    %dma_wait3A_827 = tpu.memref_slice %arg2[%add3A_796, %dma_wait3A_826] : memref<2560x2048xf32, #tpu.memory_space<hbm>> -> memref<8x2048xf32, #tpu.memory_space<hbm>>
    tpu.wait_dma2 semaphore(%arg13 : memref<!tpu.dma_semaphore, #tpu.memory_space<semaphore_mem>>) src(%dma_wait3A_827 : memref<8x2048xf32, #tpu.memory_space<hbm>>) dst(%arg9 : memref<8x2048xf32, #tpu.memory_space<vmem>>)
    %scan3A_828 = arith.constant 0 : i32
    %scan3A_829 = arith.constant 8 : i32
    %scan3A_830 = arith.addi %scan3A_828, %scan3A_829 : i32
    %scan3A_831 = arith.constant 1 : i32
    scf.for %scan3A_862 = %scan3A_828 to %scan3A_830 step %scan3A_831  : i32 {
      %mul3A_863 = arith.constant 1 : i32
      %mul3A_864 = arith.muli %scan3A_862, %mul3A_863 : i32
      %add3A_865 = arith.constant 0 : i32
      %add3A_866 = arith.addi %add3A_865, %mul3A_864 : i32
      %add3A_867 = arith.constant 8 : i32
      %add3A_868 = arith.addi %rem3A_3, %add3A_867 : i32
      %add3A_869 = arith.addi %add3A_868, %add3A_866 : i32
      %rem3A_870 = arith.constant 80 : i32
      %rem3A_871 = arith.remsi %add3A_869, %rem3A_870 : i32
      %broadcast_in_dim3A = vector.broadcast %rem3A_871 : i32 to vector<16xi32>
      %broadcast_in_dim3A_872 = arith.constant 0 : i32
      %broadcast_in_dim3A_873 = vector.broadcast %broadcast_in_dim3A_872 : i32 to vector<16xi32>
      %gather3A = tpu.vector_load_idx %arg6[%broadcast_in_dim3A_873, %broadcast_in_dim3A] : memref<8x80xf32, #tpu.memory_space<vmem>>[vector<16xi32>, vector<16xi32>], vector<16xf32>,
      %broadcast_in_dim3A_874 = arith.constant 1 : i32
      %broadcast_in_dim3A_875 = vector.broadcast %broadcast_in_dim3A_874 : i32 to vector<16xi32>
      %gather3A_876 = tpu.vector_load_idx %arg6[%broadcast_in_dim3A_875, %broadcast_in_dim3A] : memref<8x80xf32, #tpu.memory_space<vmem>>[vector<16xi32>, vector<16xi32>], vector<16xf32>,
      %broadcast_in_dim3A_877 = arith.constant 2 : i32
      %broadcast_in_dim3A_878 = vector.broadcast %broadcast_in_dim3A_877 : i32 to vector<16xi32>
      %gather3A_879 = tpu.vector_load_idx %arg6[%broadcast_in_dim3A_878, %broadcast_in_dim3A] : memref<8x80xf32, #tpu.memory_space<vmem>>[vector<16xi32>, vector<16xi32>], vector<16xf32>,
      %broadcast_in_dim3A_880 = arith.constant 3 : i32
      %broadcast_in_dim3A_881 = vector.broadcast %broadcast_in_dim3A_880 : i32 to vector<16xi32>
      %gather3A_882 = tpu.vector_load_idx %arg6[%broadcast_in_dim3A_881, %broadcast_in_dim3A] : memref<8x80xf32, #tpu.memory_space<vmem>>[vector<16xi32>, vector<16xi32>], vector<16xf32>,
      %broadcast_in_dim3A_883 = arith.constant 4 : i32
      %broadcast_in_dim3A_884 = vector.broadcast %broadcast_in_dim3A_883 : i32 to vector<16xi32>
      %gather3A_885 = tpu.vector_load_idx %arg6[%broadcast_in_dim3A_884, %broadcast_in_dim3A] : memref<8x80xf32, #tpu.memory_space<vmem>>[vector<16xi32>, vector<16xi32>], vector<16xf32>,
      %broadcast_in_dim3A_886 = arith.constant 5 : i32
      %broadcast_in_dim3A_887 = vector.broadcast %broadcast_in_dim3A_886 : i32 to vector<16xi32>
      %gather3A_888 = tpu.vector_load_idx %arg6[%broadcast_in_dim3A_887, %broadcast_in_dim3A] : memref<8x80xf32, #tpu.memory_space<vmem>>[vector<16xi32>, vector<16xi32>], vector<16xf32>,
      %broadcast_in_dim3A_889 = arith.constant 6 : i32
      %broadcast_in_dim3A_890 = vector.broadcast %broadcast_in_dim3A_889 : i32 to vector<16xi32>
      %gather3A_891 = tpu.vector_load_idx %arg6[%broadcast_in_dim3A_890, %broadcast_in_dim3A] : memref<8x80xf32, #tpu.memory_space<vmem>>[vector<16xi32>, vector<16xi32>], vector<16xf32>,
      %broadcast_in_dim3A_892 = arith.constant 7 : i32
      %broadcast_in_dim3A_893 = vector.broadcast %broadcast_in_dim3A_892 : i32 to vector<16xi32>
      %gather3A_894 = tpu.vector_load_idx %arg6[%broadcast_in_dim3A_893, %broadcast_in_dim3A] : memref<8x80xf32, #tpu.memory_space<vmem>>[vector<16xi32>, vector<16xi32>], vector<16xf32>,
      %broadcast_in_dim3A_895 = arith.constant 0 : i32
      %broadcast_in_dim3A_896 = vector.broadcast %broadcast_in_dim3A_895 : i32 to vector<16xi32>
      %gather3A_897 = tpu.vector_load_idx %arg7[%broadcast_in_dim3A_896, %broadcast_in_dim3A] : memref<7x80xf32, #tpu.memory_space<vmem>>[vector<16xi32>, vector<16xi32>], vector<16xf32>,
      %broadcast_in_dim3A_898 = arith.constant 1 : i32
      %broadcast_in_dim3A_899 = vector.broadcast %broadcast_in_dim3A_898 : i32 to vector<16xi32>
      %gather3A_900 = tpu.vector_load_idx %arg7[%broadcast_in_dim3A_899, %broadcast_in_dim3A] : memref<7x80xf32, #tpu.memory_space<vmem>>[vector<16xi32>, vector<16xi32>], vector<16xf32>,
      %broadcast_in_dim3A_901 = arith.constant 2 : i32
      %broadcast_in_dim3A_902 = vector.broadcast %broadcast_in_dim3A_901 : i32 to vector<16xi32>
      %gather3A_903 = tpu.vector_load_idx %arg7[%broadcast_in_dim3A_902, %broadcast_in_dim3A] : memref<7x80xf32, #tpu.memory_space<vmem>>[vector<16xi32>, vector<16xi32>], vector<16xf32>,
      %broadcast_in_dim3A_904 = arith.constant 3 : i32
      %broadcast_in_dim3A_905 = vector.broadcast %broadcast_in_dim3A_904 : i32 to vector<16xi32>
      %gather3A_906 = tpu.vector_load_idx %arg7[%broadcast_in_dim3A_905, %broadcast_in_dim3A] : memref<7x80xf32, #tpu.memory_space<vmem>>[vector<16xi32>, vector<16xi32>], vector<16xf32>,
      %broadcast_in_dim3A_907 = arith.constant 4 : i32
      %broadcast_in_dim3A_908 = vector.broadcast %broadcast_in_dim3A_907 : i32 to vector<16xi32>
      %gather3A_909 = tpu.vector_load_idx %arg7[%broadcast_in_dim3A_908, %broadcast_in_dim3A] : memref<7x80xf32, #tpu.memory_space<vmem>>[vector<16xi32>, vector<16xi32>], vector<16xf32>,
      %broadcast_in_dim3A_910 = arith.constant 5 : i32
      %broadcast_in_dim3A_911 = vector.broadcast %broadcast_in_dim3A_910 : i32 to vector<16xi32>
      %gather3A_912 = tpu.vector_load_idx %arg7[%broadcast_in_dim3A_911, %broadcast_in_dim3A] : memref<7x80xf32, #tpu.memory_space<vmem>>[vector<16xi32>, vector<16xi32>], vector<16xf32>,
      %broadcast_in_dim3A_913 = arith.constant 6 : i32
      %broadcast_in_dim3A_914 = vector.broadcast %broadcast_in_dim3A_913 : i32 to vector<16xi32>
      %gather3A_915 = tpu.vector_load_idx %arg7[%broadcast_in_dim3A_914, %broadcast_in_dim3A] : memref<7x80xf32, #tpu.memory_space<vmem>>[vector<16xi32>, vector<16xi32>], vector<16xf32>,
      %parallel_loop3A = arith.constant 0 : i32
      %parallel_loop3A_916 = arith.constant 2048 : i32
      %parallel_loop3A_917 = arith.constant 64 : i32
      scf.for %parallel_loop3A_918 = %parallel_loop3A to %parallel_loop3A_916 step %parallel_loop3A_917  : i32 {
        %parallel_loop3A_919 = arith.constant 0 : i32
        %parallel_loop3A_920 = arith.addi %parallel_loop3A_918, %parallel_loop3A_919 : i32
        %parallel_loop3A_921 = arith.index_cast %add3A_866 : i32 to index
        %parallel_loop3A_922 = arith.index_cast %parallel_loop3A_920 : i32 to index
        %parallel_loop3A_923 = tpu.vector_load %arg9[%parallel_loop3A_921, %parallel_loop3A_922] {strides = array<i32>} : memref<8x2048xf32, #tpu.memory_space<vmem>>, vector<16xf32>,
        %parallel_loop3A_924 = arith.cmpf ogt, %parallel_loop3A_923, %gather3A_897 : vector<16xf32>
        %parallel_loop3A_925 = arith.select %parallel_loop3A_924, %gather3A_876, %gather3A : vector<16xi1>, vector<16xf32>
        %parallel_loop3A_926 = arith.cmpf ogt, %parallel_loop3A_923, %gather3A_900 : vector<16xf32>
        %parallel_loop3A_927 = arith.select %parallel_loop3A_926, %gather3A_879, %parallel_loop3A_925 : vector<16xi1>, vector<16xf32>
        %parallel_loop3A_928 = arith.cmpf ogt, %parallel_loop3A_923, %gather3A_903 : vector<16xf32>
        %parallel_loop3A_929 = arith.select %parallel_loop3A_928, %gather3A_882, %parallel_loop3A_927 : vector<16xi1>, vector<16xf32>
        %parallel_loop3A_930 = arith.cmpf ogt, %parallel_loop3A_923, %gather3A_906 : vector<16xf32>
        %parallel_loop3A_931 = arith.select %parallel_loop3A_930, %gather3A_885, %parallel_loop3A_929 : vector<16xi1>, vector<16xf32>
        %parallel_loop3A_932 = arith.cmpf ogt, %parallel_loop3A_923, %gather3A_909 : vector<16xf32>
        %parallel_loop3A_933 = arith.select %parallel_loop3A_932, %gather3A_888, %parallel_loop3A_931 : vector<16xi1>, vector<16xf32>
        %parallel_loop3A_934 = arith.cmpf ogt, %parallel_loop3A_923, %gather3A_912 : vector<16xf32>
        %parallel_loop3A_935 = arith.select %parallel_loop3A_934, %gather3A_891, %parallel_loop3A_933 : vector<16xi1>, vector<16xf32>
        %parallel_loop3A_936 = arith.cmpf ogt, %parallel_loop3A_923, %gather3A_915 : vector<16xf32>
        %parallel_loop3A_937 = arith.select %parallel_loop3A_936, %gather3A_894, %parallel_loop3A_935 : vector<16xi1>, vector<16xf32>
        %parallel_loop3A_938 = arith.index_cast %add3A_866 : i32 to index
        %parallel_loop3A_939 = arith.index_cast %parallel_loop3A_920 : i32 to index
        %parallel_loop3A_940 = tpu.vector_load %arg11[%parallel_loop3A_938, %parallel_loop3A_939] {strides = array<i32>} : memref<8x2048xf32, #tpu.memory_space<vmem>>, vector<16xf32>,
        tpu.vector_store %arg11[%parallel_loop3A_938, %parallel_loop3A_939], %parallel_loop3A_937 {strides = array<i32>} : memref<8x2048xf32, #tpu.memory_space<vmem>>, vector<16xf32>,
        %parallel_loop3A_941 = arith.constant 16 : i32
        %parallel_loop3A_942 = arith.addi %parallel_loop3A_918, %parallel_loop3A_941 : i32
        %parallel_loop3A_943 = arith.index_cast %add3A_866 : i32 to index
        %parallel_loop3A_944 = arith.index_cast %parallel_loop3A_942 : i32 to index
        %parallel_loop3A_945 = tpu.vector_load %arg9[%parallel_loop3A_943, %parallel_loop3A_944] {strides = array<i32>} : memref<8x2048xf32, #tpu.memory_space<vmem>>, vector<16xf32>,
        %parallel_loop3A_946 = arith.cmpf ogt, %parallel_loop3A_945, %gather3A_897 : vector<16xf32>
        %parallel_loop3A_947 = arith.select %parallel_loop3A_946, %gather3A_876, %gather3A : vector<16xi1>, vector<16xf32>
        %parallel_loop3A_948 = arith.cmpf ogt, %parallel_loop3A_945, %gather3A_900 : vector<16xf32>
        %parallel_loop3A_949 = arith.select %parallel_loop3A_948, %gather3A_879, %parallel_loop3A_947 : vector<16xi1>, vector<16xf32>
        %parallel_loop3A_950 = arith.cmpf ogt, %parallel_loop3A_945, %gather3A_903 : vector<16xf32>
        %parallel_loop3A_951 = arith.select %parallel_loop3A_950, %gather3A_882, %parallel_loop3A_949 : vector<16xi1>, vector<16xf32>
        %parallel_loop3A_952 = arith.cmpf ogt, %parallel_loop3A_945, %gather3A_906 : vector<16xf32>
        %parallel_loop3A_953 = arith.select %parallel_loop3A_952, %gather3A_885, %parallel_loop3A_951 : vector<16xi1>, vector<16xf32>
        %parallel_loop3A_954 = arith.cmpf ogt, %parallel_loop3A_945, %gather3A_909 : vector<16xf32>
        %parallel_loop3A_955 = arith.select %parallel_loop3A_954, %gather3A_888, %parallel_loop3A_953 : vector<16xi1>, vector<16xf32>
        %parallel_loop3A_956 = arith.cmpf ogt, %parallel_loop3A_945, %gather3A_912 : vector<16xf32>
        %parallel_loop3A_957 = arith.select %parallel_loop3A_956, %gather3A_891, %parallel_loop3A_955 : vector<16xi1>, vector<16xf32>
        %parallel_loop3A_958 = arith.cmpf ogt, %parallel_loop3A_945, %gather3A_915 : vector<16xf32>
        %parallel_loop3A_959 = arith.select %parallel_loop3A_958, %gather3A_894, %parallel_loop3A_957 : vector<16xi1>, vector<16xf32>
        %parallel_loop3A_960 = arith.index_cast %add3A_866 : i32 to index
        %parallel_loop3A_961 = arith.index_cast %parallel_loop3A_942 : i32 to index
        %parallel_loop3A_962 = tpu.vector_load %arg11[%parallel_loop3A_960, %parallel_loop3A_961] {strides = array<i32>} : memref<8x2048xf32, #tpu.memory_space<vmem>>, vector<16xf32>,
        tpu.vector_store %arg11[%parallel_loop3A_960, %parallel_loop3A_961], %parallel_loop3A_959 {strides = array<i32>} : memref<8x2048xf32, #tpu.memory_space<vmem>>, vector<16xf32>,
        %parallel_loop3A_963 = arith.constant 32 : i32
        %parallel_loop3A_964 = arith.addi %parallel_loop3A_918, %parallel_loop3A_963 : i32
        %parallel_loop3A_965 = arith.index_cast %add3A_866 : i32 to index
        %parallel_loop3A_966 = arith.index_cast %parallel_loop3A_964 : i32 to index
        %parallel_loop3A_967 = tpu.vector_load %arg9[%parallel_loop3A_965, %parallel_loop3A_966] {strides = array<i32>} : memref<8x2048xf32, #tpu.memory_space<vmem>>, vector<16xf32>,
        %parallel_loop3A_968 = arith.cmpf ogt, %parallel_loop3A_967, %gather3A_897 : vector<16xf32>
        %parallel_loop3A_969 = arith.select %parallel_loop3A_968, %gather3A_876, %gather3A : vector<16xi1>, vector<16xf32>
        %parallel_loop3A_970 = arith.cmpf ogt, %parallel_loop3A_967, %gather3A_900 : vector<16xf32>
        %parallel_loop3A_971 = arith.select %parallel_loop3A_970, %gather3A_879, %parallel_loop3A_969 : vector<16xi1>, vector<16xf32>
        %parallel_loop3A_972 = arith.cmpf ogt, %parallel_loop3A_967, %gather3A_903 : vector<16xf32>
        %parallel_loop3A_973 = arith.select %parallel_loop3A_972, %gather3A_882, %parallel_loop3A_971 : vector<16xi1>, vector<16xf32>
        %parallel_loop3A_974 = arith.cmpf ogt, %parallel_loop3A_967, %gather3A_906 : vector<16xf32>
        %parallel_loop3A_975 = arith.select %parallel_loop3A_974, %gather3A_885, %parallel_loop3A_973 : vector<16xi1>, vector<16xf32>
        %parallel_loop3A_976 = arith.cmpf ogt, %parallel_loop3A_967, %gather3A_909 : vector<16xf32>
        %parallel_loop3A_977 = arith.select %parallel_loop3A_976, %gather3A_888, %parallel_loop3A_975 : vector<16xi1>, vector<16xf32>
        %parallel_loop3A_978 = arith.cmpf ogt, %parallel_loop3A_967, %gather3A_912 : vector<16xf32>
        %parallel_loop3A_979 = arith.select %parallel_loop3A_978, %gather3A_891, %parallel_loop3A_977 : vector<16xi1>, vector<16xf32>
        %parallel_loop3A_980 = arith.cmpf ogt, %parallel_loop3A_967, %gather3A_915 : vector<16xf32>
        %parallel_loop3A_981 = arith.select %parallel_loop3A_980, %gather3A_894, %parallel_loop3A_979 : vector<16xi1>, vector<16xf32>
        %parallel_loop3A_982 = arith.index_cast %add3A_866 : i32 to index
        %parallel_loop3A_983 = arith.index_cast %parallel_loop3A_964 : i32 to index
        %parallel_loop3A_984 = tpu.vector_load %arg11[%parallel_loop3A_982, %parallel_loop3A_983] {strides = array<i32>} : memref<8x2048xf32, #tpu.memory_space<vmem>>, vector<16xf32>,
        tpu.vector_store %arg11[%parallel_loop3A_982, %parallel_loop3A_983], %parallel_loop3A_981 {strides = array<i32>} : memref<8x2048xf32, #tpu.memory_space<vmem>>, vector<16xf32>,
        %parallel_loop3A_985 = arith.constant 48 : i32
        %parallel_loop3A_986 = arith.addi %parallel_loop3A_918, %parallel_loop3A_985 : i32
        %parallel_loop3A_987 = arith.index_cast %add3A_866 : i32 to index
        %parallel_loop3A_988 = arith.index_cast %parallel_loop3A_986 : i32 to index
        %parallel_loop3A_989 = tpu.vector_load %arg9[%parallel_loop3A_987, %parallel_loop3A_988] {strides = array<i32>} : memref<8x2048xf32, #tpu.memory_space<vmem>>, vector<16xf32>,
        %parallel_loop3A_990 = arith.cmpf ogt, %parallel_loop3A_989, %gather3A_897 : vector<16xf32>
        %parallel_loop3A_991 = arith.select %parallel_loop3A_990, %gather3A_876, %gather3A : vector<16xi1>, vector<16xf32>
        %parallel_loop3A_992 = arith.cmpf ogt, %parallel_loop3A_989, %gather3A_900 : vector<16xf32>
        %parallel_loop3A_993 = arith.select %parallel_loop3A_992, %gather3A_879, %parallel_loop3A_991 : vector<16xi1>, vector<16xf32>
        %parallel_loop3A_994 = arith.cmpf ogt, %parallel_loop3A_989, %gather3A_903 : vector<16xf32>
        %parallel_loop3A_995 = arith.select %parallel_loop3A_994, %gather3A_882, %parallel_loop3A_993 : vector<16xi1>, vector<16xf32>
        %parallel_loop3A_996 = arith.cmpf ogt, %parallel_loop3A_989, %gather3A_906 : vector<16xf32>
        %parallel_loop3A_997 = arith.select %parallel_loop3A_996, %gather3A_885, %parallel_loop3A_995 : vector<16xi1>, vector<16xf32>
        %parallel_loop3A_998 = arith.cmpf ogt, %parallel_loop3A_989, %gather3A_909 : vector<16xf32>
        %parallel_loop3A_999 = arith.select %parallel_loop3A_998, %gather3A_888, %parallel_loop3A_997 : vector<16xi1>, vector<16xf32>
        %parallel_loop3A_1000 = arith.cmpf ogt, %parallel_loop3A_989, %gather3A_912 : vector<16xf32>
        %parallel_loop3A_1001 = arith.select %parallel_loop3A_1000, %gather3A_891, %parallel_loop3A_999 : vector<16xi1>, vector<16xf32>
        %parallel_loop3A_1002 = arith.cmpf ogt, %parallel_loop3A_989, %gather3A_915 : vector<16xf32>
        %parallel_loop3A_1003 = arith.select %parallel_loop3A_1002, %gather3A_894, %parallel_loop3A_1001 : vector<16xi1>, vector<16xf32>
        %parallel_loop3A_1004 = arith.index_cast %add3A_866 : i32 to index
        %parallel_loop3A_1005 = arith.index_cast %parallel_loop3A_986 : i32 to index
        %parallel_loop3A_1006 = tpu.vector_load %arg11[%parallel_loop3A_1004, %parallel_loop3A_1005] {strides = array<i32>} : memref<8x2048xf32, #tpu.memory_space<vmem>>, vector<16xf32>,
        tpu.vector_store %arg11[%parallel_loop3A_1004, %parallel_loop3A_1005], %parallel_loop3A_1003 {strides = array<i32>} : memref<8x2048xf32, #tpu.memory_space<vmem>>, vector<16xf32>,
      } {sc.loop_unroll_factor = 2 : i64, sc.parallel_access}
    }
    %scan3A_832 = arith.constant 8 : i32
    %add3A_833 = arith.constant 8 : i32
    %add3A_834 = arith.addi %mul3A_2, %add3A_833 : i32
    %dma_start3A_835 = arith.constant 0 : i32
    %dma_start3A_836 = tpu.memref_slice %arg4[%add3A_834, %dma_start3A_835] : memref<768x2048xf32, #tpu.memory_space<hbm>> -> memref<8x2048xf32, #tpu.memory_space<hbm>>
    %dma_start3A_837 = arith.constant 0 : i32
    %dma_start3A_838 = tpu.memref_slice %arg4[%add3A_834, %dma_start3A_837] : memref<768x2048xf32, #tpu.memory_space<hbm>> -> memref<8x2048xf32, #tpu.memory_space<hbm>>
    tpu.enqueue_dma source(%arg11 : memref<8x2048xf32, #tpu.memory_space<vmem>>) target(%dma_start3A_838 : memref<8x2048xf32, #tpu.memory_space<hbm>>) target_semaphore(%arg15 : memref<!tpu.dma_semaphore, #tpu.memory_space<semaphore_mem>>)
    %dma_wait3A_839 = arith.constant 0 : i32
    %dma_wait3A_840 = tpu.memref_slice %arg2[%add3A_819, %dma_wait3A_839] : memref<2560x2048xf32, #tpu.memory_space<hbm>> -> memref<8x2048xf32, #tpu.memory_space<hbm>>
    %dma_wait3A_841 = arith.constant 0 : i32
    %dma_wait3A_842 = tpu.memref_slice %arg2[%add3A_819, %dma_wait3A_841] : memref<2560x2048xf32, #tpu.memory_space<hbm>> -> memref<8x2048xf32, #tpu.memory_space<hbm>>
    tpu.wait_dma2 semaphore(%arg12 : memref<!tpu.dma_semaphore, #tpu.memory_space<semaphore_mem>>) src(%dma_wait3A_842 : memref<8x2048xf32, #tpu.memory_space<hbm>>) dst(%arg8 : memref<8x2048xf32, #tpu.memory_space<vmem>>)
    %scan3A_843 = arith.constant 0 : i32
    %scan3A_844 = arith.constant 8 : i32
    %scan3A_845 = arith.addi %scan3A_843, %scan3A_844 : i32
    %scan3A_846 = arith.constant 1 : i32
    scf.for %scan3A_862 = %scan3A_843 to %scan3A_845 step %scan3A_846  : i32 {
      %mul3A_863 = arith.constant 1 : i32
      %mul3A_864 = arith.muli %scan3A_862, %mul3A_863 : i32
      %add3A_865 = arith.constant 0 : i32
      %add3A_866 = arith.addi %add3A_865, %mul3A_864 : i32
      %add3A_867 = arith.constant 16 : i32
      %add3A_868 = arith.addi %rem3A_3, %add3A_867 : i32
      %add3A_869 = arith.addi %add3A_868, %add3A_866 : i32
      %rem3A_870 = arith.constant 80 : i32
      %rem3A_871 = arith.remsi %add3A_869, %rem3A_870 : i32
      %broadcast_in_dim3A = vector.broadcast %rem3A_871 : i32 to vector<16xi32>
      %broadcast_in_dim3A_872 = arith.constant 0 : i32
      %broadcast_in_dim3A_873 = vector.broadcast %broadcast_in_dim3A_872 : i32 to vector<16xi32>
      %gather3A = tpu.vector_load_idx %arg6[%broadcast_in_dim3A_873, %broadcast_in_dim3A] : memref<8x80xf32, #tpu.memory_space<vmem>>[vector<16xi32>, vector<16xi32>], vector<16xf32>,
      %broadcast_in_dim3A_874 = arith.constant 1 : i32
      %broadcast_in_dim3A_875 = vector.broadcast %broadcast_in_dim3A_874 : i32 to vector<16xi32>
      %gather3A_876 = tpu.vector_load_idx %arg6[%broadcast_in_dim3A_875, %broadcast_in_dim3A] : memref<8x80xf32, #tpu.memory_space<vmem>>[vector<16xi32>, vector<16xi32>], vector<16xf32>,
      %broadcast_in_dim3A_877 = arith.constant 2 : i32
      %broadcast_in_dim3A_878 = vector.broadcast %broadcast_in_dim3A_877 : i32 to vector<16xi32>
      %gather3A_879 = tpu.vector_load_idx %arg6[%broadcast_in_dim3A_878, %broadcast_in_dim3A] : memref<8x80xf32, #tpu.memory_space<vmem>>[vector<16xi32>, vector<16xi32>], vector<16xf32>,
      %broadcast_in_dim3A_880 = arith.constant 3 : i32
      %broadcast_in_dim3A_881 = vector.broadcast %broadcast_in_dim3A_880 : i32 to vector<16xi32>
      %gather3A_882 = tpu.vector_load_idx %arg6[%broadcast_in_dim3A_881, %broadcast_in_dim3A] : memref<8x80xf32, #tpu.memory_space<vmem>>[vector<16xi32>, vector<16xi32>], vector<16xf32>,
      %broadcast_in_dim3A_883 = arith.constant 4 : i32
      %broadcast_in_dim3A_884 = vector.broadcast %broadcast_in_dim3A_883 : i32 to vector<16xi32>
      %gather3A_885 = tpu.vector_load_idx %arg6[%broadcast_in_dim3A_884, %broadcast_in_dim3A] : memref<8x80xf32, #tpu.memory_space<vmem>>[vector<16xi32>, vector<16xi32>], vector<16xf32>,
      %broadcast_in_dim3A_886 = arith.constant 5 : i32
      %broadcast_in_dim3A_887 = vector.broadcast %broadcast_in_dim3A_886 : i32 to vector<16xi32>
      %gather3A_888 = tpu.vector_load_idx %arg6[%broadcast_in_dim3A_887, %broadcast_in_dim3A] : memref<8x80xf32, #tpu.memory_space<vmem>>[vector<16xi32>, vector<16xi32>], vector<16xf32>,
      %broadcast_in_dim3A_889 = arith.constant 6 : i32
      %broadcast_in_dim3A_890 = vector.broadcast %broadcast_in_dim3A_889 : i32 to vector<16xi32>
      %gather3A_891 = tpu.vector_load_idx %arg6[%broadcast_in_dim3A_890, %broadcast_in_dim3A] : memref<8x80xf32, #tpu.memory_space<vmem>>[vector<16xi32>, vector<16xi32>], vector<16xf32>,
      %broadcast_in_dim3A_892 = arith.constant 7 : i32
      %broadcast_in_dim3A_893 = vector.broadcast %broadcast_in_dim3A_892 : i32 to vector<16xi32>
      %gather3A_894 = tpu.vector_load_idx %arg6[%broadcast_in_dim3A_893, %broadcast_in_dim3A] : memref<8x80xf32, #tpu.memory_space<vmem>>[vector<16xi32>, vector<16xi32>], vector<16xf32>,
      %broadcast_in_dim3A_895 = arith.constant 0 : i32
      %broadcast_in_dim3A_896 = vector.broadcast %broadcast_in_dim3A_895 : i32 to vector<16xi32>
      %gather3A_897 = tpu.vector_load_idx %arg7[%broadcast_in_dim3A_896, %broadcast_in_dim3A] : memref<7x80xf32, #tpu.memory_space<vmem>>[vector<16xi32>, vector<16xi32>], vector<16xf32>,
      %broadcast_in_dim3A_898 = arith.constant 1 : i32
      %broadcast_in_dim3A_899 = vector.broadcast %broadcast_in_dim3A_898 : i32 to vector<16xi32>
      %gather3A_900 = tpu.vector_load_idx %arg7[%broadcast_in_dim3A_899, %broadcast_in_dim3A] : memref<7x80xf32, #tpu.memory_space<vmem>>[vector<16xi32>, vector<16xi32>], vector<16xf32>,
      %broadcast_in_dim3A_901 = arith.constant 2 : i32
      %broadcast_in_dim3A_902 = vector.broadcast %broadcast_in_dim3A_901 : i32 to vector<16xi32>
      %gather3A_903 = tpu.vector_load_idx %arg7[%broadcast_in_dim3A_902, %broadcast_in_dim3A] : memref<7x80xf32, #tpu.memory_space<vmem>>[vector<16xi32>, vector<16xi32>], vector<16xf32>,
      %broadcast_in_dim3A_904 = arith.constant 3 : i32
      %broadcast_in_dim3A_905 = vector.broadcast %broadcast_in_dim3A_904 : i32 to vector<16xi32>
      %gather3A_906 = tpu.vector_load_idx %arg7[%broadcast_in_dim3A_905, %broadcast_in_dim3A] : memref<7x80xf32, #tpu.memory_space<vmem>>[vector<16xi32>, vector<16xi32>], vector<16xf32>,
      %broadcast_in_dim3A_907 = arith.constant 4 : i32
      %broadcast_in_dim3A_908 = vector.broadcast %broadcast_in_dim3A_907 : i32 to vector<16xi32>
      %gather3A_909 = tpu.vector_load_idx %arg7[%broadcast_in_dim3A_908, %broadcast_in_dim3A] : memref<7x80xf32, #tpu.memory_space<vmem>>[vector<16xi32>, vector<16xi32>], vector<16xf32>,
      %broadcast_in_dim3A_910 = arith.constant 5 : i32
      %broadcast_in_dim3A_911 = vector.broadcast %broadcast_in_dim3A_910 : i32 to vector<16xi32>
      %gather3A_912 = tpu.vector_load_idx %arg7[%broadcast_in_dim3A_911, %broadcast_in_dim3A] : memref<7x80xf32, #tpu.memory_space<vmem>>[vector<16xi32>, vector<16xi32>], vector<16xf32>,
      %broadcast_in_dim3A_913 = arith.constant 6 : i32
      %broadcast_in_dim3A_914 = vector.broadcast %broadcast_in_dim3A_913 : i32 to vector<16xi32>
      %gather3A_915 = tpu.vector_load_idx %arg7[%broadcast_in_dim3A_914, %broadcast_in_dim3A] : memref<7x80xf32, #tpu.memory_space<vmem>>[vector<16xi32>, vector<16xi32>], vector<16xf32>,
      %parallel_loop3A = arith.constant 0 : i32
      %parallel_loop3A_916 = arith.constant 2048 : i32
      %parallel_loop3A_917 = arith.constant 64 : i32
      scf.for %parallel_loop3A_918 = %parallel_loop3A to %parallel_loop3A_916 step %parallel_loop3A_917  : i32 {
        %parallel_loop3A_919 = arith.constant 0 : i32
        %parallel_loop3A_920 = arith.addi %parallel_loop3A_918, %parallel_loop3A_919 : i32
        %parallel_loop3A_921 = arith.index_cast %add3A_866 : i32 to index
        %parallel_loop3A_922 = arith.index_cast %parallel_loop3A_920 : i32 to index
        %parallel_loop3A_923 = tpu.vector_load %arg8[%parallel_loop3A_921, %parallel_loop3A_922] {strides = array<i32>} : memref<8x2048xf32, #tpu.memory_space<vmem>>, vector<16xf32>,
        %parallel_loop3A_924 = arith.cmpf ogt, %parallel_loop3A_923, %gather3A_897 : vector<16xf32>
        %parallel_loop3A_925 = arith.select %parallel_loop3A_924, %gather3A_876, %gather3A : vector<16xi1>, vector<16xf32>
        %parallel_loop3A_926 = arith.cmpf ogt, %parallel_loop3A_923, %gather3A_900 : vector<16xf32>
        %parallel_loop3A_927 = arith.select %parallel_loop3A_926, %gather3A_879, %parallel_loop3A_925 : vector<16xi1>, vector<16xf32>
        %parallel_loop3A_928 = arith.cmpf ogt, %parallel_loop3A_923, %gather3A_903 : vector<16xf32>
        %parallel_loop3A_929 = arith.select %parallel_loop3A_928, %gather3A_882, %parallel_loop3A_927 : vector<16xi1>, vector<16xf32>
        %parallel_loop3A_930 = arith.cmpf ogt, %parallel_loop3A_923, %gather3A_906 : vector<16xf32>
        %parallel_loop3A_931 = arith.select %parallel_loop3A_930, %gather3A_885, %parallel_loop3A_929 : vector<16xi1>, vector<16xf32>
        %parallel_loop3A_932 = arith.cmpf ogt, %parallel_loop3A_923, %gather3A_909 : vector<16xf32>
        %parallel_loop3A_933 = arith.select %parallel_loop3A_932, %gather3A_888, %parallel_loop3A_931 : vector<16xi1>, vector<16xf32>
        %parallel_loop3A_934 = arith.cmpf ogt, %parallel_loop3A_923, %gather3A_912 : vector<16xf32>
        %parallel_loop3A_935 = arith.select %parallel_loop3A_934, %gather3A_891, %parallel_loop3A_933 : vector<16xi1>, vector<16xf32>
        %parallel_loop3A_936 = arith.cmpf ogt, %parallel_loop3A_923, %gather3A_915 : vector<16xf32>
        %parallel_loop3A_937 = arith.select %parallel_loop3A_936, %gather3A_894, %parallel_loop3A_935 : vector<16xi1>, vector<16xf32>
        %parallel_loop3A_938 = arith.index_cast %add3A_866 : i32 to index
        %parallel_loop3A_939 = arith.index_cast %parallel_loop3A_920 : i32 to index
        %parallel_loop3A_940 = tpu.vector_load %arg10[%parallel_loop3A_938, %parallel_loop3A_939] {strides = array<i32>} : memref<8x2048xf32, #tpu.memory_space<vmem>>, vector<16xf32>,
        tpu.vector_store %arg10[%parallel_loop3A_938, %parallel_loop3A_939], %parallel_loop3A_937 {strides = array<i32>} : memref<8x2048xf32, #tpu.memory_space<vmem>>, vector<16xf32>,
        %parallel_loop3A_941 = arith.constant 16 : i32
        %parallel_loop3A_942 = arith.addi %parallel_loop3A_918, %parallel_loop3A_941 : i32
        %parallel_loop3A_943 = arith.index_cast %add3A_866 : i32 to index
        %parallel_loop3A_944 = arith.index_cast %parallel_loop3A_942 : i32 to index
        %parallel_loop3A_945 = tpu.vector_load %arg8[%parallel_loop3A_943, %parallel_loop3A_944] {strides = array<i32>} : memref<8x2048xf32, #tpu.memory_space<vmem>>, vector<16xf32>,
        %parallel_loop3A_946 = arith.cmpf ogt, %parallel_loop3A_945, %gather3A_897 : vector<16xf32>
        %parallel_loop3A_947 = arith.select %parallel_loop3A_946, %gather3A_876, %gather3A : vector<16xi1>, vector<16xf32>
        %parallel_loop3A_948 = arith.cmpf ogt, %parallel_loop3A_945, %gather3A_900 : vector<16xf32>
        %parallel_loop3A_949 = arith.select %parallel_loop3A_948, %gather3A_879, %parallel_loop3A_947 : vector<16xi1>, vector<16xf32>
        %parallel_loop3A_950 = arith.cmpf ogt, %parallel_loop3A_945, %gather3A_903 : vector<16xf32>
        %parallel_loop3A_951 = arith.select %parallel_loop3A_950, %gather3A_882, %parallel_loop3A_949 : vector<16xi1>, vector<16xf32>
        %parallel_loop3A_952 = arith.cmpf ogt, %parallel_loop3A_945, %gather3A_906 : vector<16xf32>
        %parallel_loop3A_953 = arith.select %parallel_loop3A_952, %gather3A_885, %parallel_loop3A_951 : vector<16xi1>, vector<16xf32>
        %parallel_loop3A_954 = arith.cmpf ogt, %parallel_loop3A_945, %gather3A_909 : vector<16xf32>
        %parallel_loop3A_955 = arith.select %parallel_loop3A_954, %gather3A_888, %parallel_loop3A_953 : vector<16xi1>, vector<16xf32>
        %parallel_loop3A_956 = arith.cmpf ogt, %parallel_loop3A_945, %gather3A_912 : vector<16xf32>
        %parallel_loop3A_957 = arith.select %parallel_loop3A_956, %gather3A_891, %parallel_loop3A_955 : vector<16xi1>, vector<16xf32>
        %parallel_loop3A_958 = arith.cmpf ogt, %parallel_loop3A_945, %gather3A_915 : vector<16xf32>
        %parallel_loop3A_959 = arith.select %parallel_loop3A_958, %gather3A_894, %parallel_loop3A_957 : vector<16xi1>, vector<16xf32>
        %parallel_loop3A_960 = arith.index_cast %add3A_866 : i32 to index
        %parallel_loop3A_961 = arith.index_cast %parallel_loop3A_942 : i32 to index
        %parallel_loop3A_962 = tpu.vector_load %arg10[%parallel_loop3A_960, %parallel_loop3A_961] {strides = array<i32>} : memref<8x2048xf32, #tpu.memory_space<vmem>>, vector<16xf32>,
        tpu.vector_store %arg10[%parallel_loop3A_960, %parallel_loop3A_961], %parallel_loop3A_959 {strides = array<i32>} : memref<8x2048xf32, #tpu.memory_space<vmem>>, vector<16xf32>,
        %parallel_loop3A_963 = arith.constant 32 : i32
        %parallel_loop3A_964 = arith.addi %parallel_loop3A_918, %parallel_loop3A_963 : i32
        %parallel_loop3A_965 = arith.index_cast %add3A_866 : i32 to index
        %parallel_loop3A_966 = arith.index_cast %parallel_loop3A_964 : i32 to index
        %parallel_loop3A_967 = tpu.vector_load %arg8[%parallel_loop3A_965, %parallel_loop3A_966] {strides = array<i32>} : memref<8x2048xf32, #tpu.memory_space<vmem>>, vector<16xf32>,
        %parallel_loop3A_968 = arith.cmpf ogt, %parallel_loop3A_967, %gather3A_897 : vector<16xf32>
        %parallel_loop3A_969 = arith.select %parallel_loop3A_968, %gather3A_876, %gather3A : vector<16xi1>, vector<16xf32>
        %parallel_loop3A_970 = arith.cmpf ogt, %parallel_loop3A_967, %gather3A_900 : vector<16xf32>
        %parallel_loop3A_971 = arith.select %parallel_loop3A_970, %gather3A_879, %parallel_loop3A_969 : vector<16xi1>, vector<16xf32>
        %parallel_loop3A_972 = arith.cmpf ogt, %parallel_loop3A_967, %gather3A_903 : vector<16xf32>
        %parallel_loop3A_973 = arith.select %parallel_loop3A_972, %gather3A_882, %parallel_loop3A_971 : vector<16xi1>, vector<16xf32>
        %parallel_loop3A_974 = arith.cmpf ogt, %parallel_loop3A_967, %gather3A_906 : vector<16xf32>
        %parallel_loop3A_975 = arith.select %parallel_loop3A_974, %gather3A_885, %parallel_loop3A_973 : vector<16xi1>, vector<16xf32>
        %parallel_loop3A_976 = arith.cmpf ogt, %parallel_loop3A_967, %gather3A_909 : vector<16xf32>
        %parallel_loop3A_977 = arith.select %parallel_loop3A_976, %gather3A_888, %parallel_loop3A_975 : vector<16xi1>, vector<16xf32>
        %parallel_loop3A_978 = arith.cmpf ogt, %parallel_loop3A_967, %gather3A_912 : vector<16xf32>
        %parallel_loop3A_979 = arith.select %parallel_loop3A_978, %gather3A_891, %parallel_loop3A_977 : vector<16xi1>, vector<16xf32>
        %parallel_loop3A_980 = arith.cmpf ogt, %parallel_loop3A_967, %gather3A_915 : vector<16xf32>
        %parallel_loop3A_981 = arith.select %parallel_loop3A_980, %gather3A_894, %parallel_loop3A_979 : vector<16xi1>, vector<16xf32>
        %parallel_loop3A_982 = arith.index_cast %add3A_866 : i32 to index
        %parallel_loop3A_983 = arith.index_cast %parallel_loop3A_964 : i32 to index
        %parallel_loop3A_984 = tpu.vector_load %arg10[%parallel_loop3A_982, %parallel_loop3A_983] {strides = array<i32>} : memref<8x2048xf32, #tpu.memory_space<vmem>>, vector<16xf32>,
        tpu.vector_store %arg10[%parallel_loop3A_982, %parallel_loop3A_983], %parallel_loop3A_981 {strides = array<i32>} : memref<8x2048xf32, #tpu.memory_space<vmem>>, vector<16xf32>,
        %parallel_loop3A_985 = arith.constant 48 : i32
        %parallel_loop3A_986 = arith.addi %parallel_loop3A_918, %parallel_loop3A_985 : i32
        %parallel_loop3A_987 = arith.index_cast %add3A_866 : i32 to index
        %parallel_loop3A_988 = arith.index_cast %parallel_loop3A_986 : i32 to index
        %parallel_loop3A_989 = tpu.vector_load %arg8[%parallel_loop3A_987, %parallel_loop3A_988] {strides = array<i32>} : memref<8x2048xf32, #tpu.memory_space<vmem>>, vector<16xf32>,
        %parallel_loop3A_990 = arith.cmpf ogt, %parallel_loop3A_989, %gather3A_897 : vector<16xf32>
        %parallel_loop3A_991 = arith.select %parallel_loop3A_990, %gather3A_876, %gather3A : vector<16xi1>, vector<16xf32>
        %parallel_loop3A_992 = arith.cmpf ogt, %parallel_loop3A_989, %gather3A_900 : vector<16xf32>
        %parallel_loop3A_993 = arith.select %parallel_loop3A_992, %gather3A_879, %parallel_loop3A_991 : vector<16xi1>, vector<16xf32>
        %parallel_loop3A_994 = arith.cmpf ogt, %parallel_loop3A_989, %gather3A_903 : vector<16xf32>
        %parallel_loop3A_995 = arith.select %parallel_loop3A_994, %gather3A_882, %parallel_loop3A_993 : vector<16xi1>, vector<16xf32>
        %parallel_loop3A_996 = arith.cmpf ogt, %parallel_loop3A_989, %gather3A_906 : vector<16xf32>
        %parallel_loop3A_997 = arith.select %parallel_loop3A_996, %gather3A_885, %parallel_loop3A_995 : vector<16xi1>, vector<16xf32>
        %parallel_loop3A_998 = arith.cmpf ogt, %parallel_loop3A_989, %gather3A_909 : vector<16xf32>
        %parallel_loop3A_999 = arith.select %parallel_loop3A_998, %gather3A_888, %parallel_loop3A_997 : vector<16xi1>, vector<16xf32>
        %parallel_loop3A_1000 = arith.cmpf ogt, %parallel_loop3A_989, %gather3A_912 : vector<16xf32>
        %parallel_loop3A_1001 = arith.select %parallel_loop3A_1000, %gather3A_891, %parallel_loop3A_999 : vector<16xi1>, vector<16xf32>
        %parallel_loop3A_1002 = arith.cmpf ogt, %parallel_loop3A_989, %gather3A_915 : vector<16xf32>
        %parallel_loop3A_1003 = arith.select %parallel_loop3A_1002, %gather3A_894, %parallel_loop3A_1001 : vector<16xi1>, vector<16xf32>
        %parallel_loop3A_1004 = arith.index_cast %add3A_866 : i32 to index
        %parallel_loop3A_1005 = arith.index_cast %parallel_loop3A_986 : i32 to index
        %parallel_loop3A_1006 = tpu.vector_load %arg10[%parallel_loop3A_1004, %parallel_loop3A_1005] {strides = array<i32>} : memref<8x2048xf32, #tpu.memory_space<vmem>>, vector<16xf32>,
        tpu.vector_store %arg10[%parallel_loop3A_1004, %parallel_loop3A_1005], %parallel_loop3A_1003 {strides = array<i32>} : memref<8x2048xf32, #tpu.memory_space<vmem>>, vector<16xf32>,
      } {sc.loop_unroll_factor = 2 : i64, sc.parallel_access}
    }
    %scan3A_847 = arith.constant 8 : i32
    %add3A_848 = arith.constant 16 : i32
    %add3A_849 = arith.addi %mul3A_2, %add3A_848 : i32
    %dma_start3A_850 = arith.constant 0 : i32
    %dma_start3A_851 = tpu.memref_slice %arg4[%add3A_849, %dma_start3A_850] : memref<768x2048xf32, #tpu.memory_space<hbm>> -> memref<8x2048xf32, #tpu.memory_space<hbm>>
    %dma_start3A_852 = arith.constant 0 : i32
    %dma_start3A_853 = tpu.memref_slice %arg4[%add3A_849, %dma_start3A_852] : memref<768x2048xf32, #tpu.memory_space<hbm>> -> memref<8x2048xf32, #tpu.memory_space<hbm>>
    tpu.enqueue_dma source(%arg10 : memref<8x2048xf32, #tpu.memory_space<vmem>>) target(%dma_start3A_853 : memref<8x2048xf32, #tpu.memory_space<hbm>>) target_semaphore(%arg14 : memref<!tpu.dma_semaphore, #tpu.memory_space<semaphore_mem>>)
    %dma_wait3A_854 = arith.constant 0 : i32
    %dma_wait3A_855 = tpu.memref_slice %arg4[%add3A_849, %dma_wait3A_854] : memref<768x2048xf32, #tpu.memory_space<hbm>> -> memref<8x2048xf32, #tpu.memory_space<hbm>>
    %dma_wait3A_856 = arith.constant 0 : i32
    %dma_wait3A_857 = tpu.memref_slice %arg4[%add3A_849, %dma_wait3A_856] : memref<768x2048xf32, #tpu.memory_space<hbm>> -> memref<8x2048xf32, #tpu.memory_space<hbm>>
    tpu.wait_dma2 semaphore(%arg14 : memref<!tpu.dma_semaphore, #tpu.memory_space<semaphore_mem>>) src(%arg10 : memref<8x2048xf32, #tpu.memory_space<vmem>>) dst(%dma_wait3A_857 : memref<8x2048xf32, #tpu.memory_space<hbm>>)
    %dma_wait3A_858 = arith.constant 0 : i32
    %dma_wait3A_859 = tpu.memref_slice %arg4[%add3A_834, %dma_wait3A_858] : memref<768x2048xf32, #tpu.memory_space<hbm>> -> memref<8x2048xf32, #tpu.memory_space<hbm>>
    %dma_wait3A_860 = arith.constant 0 : i32
    %dma_wait3A_861 = tpu.memref_slice %arg4[%add3A_834, %dma_wait3A_860] : memref<768x2048xf32, #tpu.memory_space<hbm>> -> memref<8x2048xf32, #tpu.memory_space<hbm>>
    tpu.wait_dma2 semaphore(%arg15 : memref<!tpu.dma_semaphore, #tpu.memory_space<semaphore_mem>>) src(%arg11 : memref<8x2048xf32, #tpu.memory_space<vmem>>) dst(%dma_wait3A_861 : memref<8x2048xf32, #tpu.memory_space<hbm>>)
    return
  }
}

module attributes {stable_mosaic.version = 14 : i64} {
  func.func @body(%arg0: i32, %arg1: memref<256x2048xf32, #tpu.memory_space<vmem>>, %arg2: memref<256x8xf32, #tpu.memory_space<vmem>>, %arg3: memref<256x2048xf32, #tpu.memory_space<vmem>>) attributes {dimension_semantics = [#tpu.dimension_semantics<arbitrary>], iteration_bounds = array<i64: 7>, scalar_prefetch = 0 : i64, scratch_operands = 0 : i64, tpu.core_type = #tpu.core_type<tc>, window_params = [{transform_indices = @transform_0, window_bounds = array<i64: 256, 2048>}, {transform_indices = @transform_1, window_bounds = array<i64: 256, 8>}, {transform_indices = @transform_2, window_bounds = array<i64: 256, 2048>}]} {
    %get3A = arith.constant 0 : index
    %get3A_0 = arith.constant 0 : index
    %get3A_1 = vector.load %arg2[%get3A, %get3A_0] : memref<256x8xf32, #tpu.memory_space<vmem>>, vector<256x1xf32>
    %get3A_2 = arith.constant 0 : index
    %get3A_3 = arith.constant 1 : index
    %get3A_4 = vector.load %arg2[%get3A_2, %get3A_3] : memref<256x8xf32, #tpu.memory_space<vmem>>, vector<256x1xf32>
    %get3A_5 = arith.constant 0 : index
    %get3A_6 = arith.constant 2 : index
    %get3A_7 = vector.load %arg2[%get3A_5, %get3A_6] : memref<256x8xf32, #tpu.memory_space<vmem>>, vector<256x1xf32>
    %get3A_8 = arith.constant 0 : index
    %get3A_9 = arith.constant 3 : index
    %get3A_10 = vector.load %arg2[%get3A_8, %get3A_9] : memref<256x8xf32, #tpu.memory_space<vmem>>, vector<256x1xf32>
    %get3A_11 = arith.constant 0 : index
    %get3A_12 = arith.constant 4 : index
    %get3A_13 = vector.load %arg2[%get3A_11, %get3A_12] : memref<256x8xf32, #tpu.memory_space<vmem>>, vector<256x1xf32>
    %get3A_14 = arith.constant 0 : index
    %get3A_15 = arith.constant 5 : index
    %get3A_16 = vector.load %arg2[%get3A_14, %get3A_15] : memref<256x8xf32, #tpu.memory_space<vmem>>, vector<256x1xf32>
    %get3A_17 = arith.constant 0 : index
    %get3A_18 = arith.constant 6 : index
    %get3A_19 = vector.load %arg2[%get3A_17, %get3A_18] : memref<256x8xf32, #tpu.memory_space<vmem>>, vector<256x1xf32>
    %get3A_20 = arith.constant 0 : index
    %get3A_21 = arith.constant 7 : index
    %get3A_22 = vector.load %arg2[%get3A_20, %get3A_21] : memref<256x8xf32, #tpu.memory_space<vmem>>, vector<256x1xf32>
    %min3A = arith.minimumf %get3A_1, %get3A_4 : vector<256x1xf32>
    %max3A = arith.maximumf %get3A_1, %get3A_4 : vector<256x1xf32>
    %min3A_23 = arith.minimumf %get3A_7, %get3A_10 : vector<256x1xf32>
    %max3A_24 = arith.maximumf %get3A_7, %get3A_10 : vector<256x1xf32>
    %min3A_25 = arith.minimumf %get3A_13, %get3A_16 : vector<256x1xf32>
    %max3A_26 = arith.maximumf %get3A_13, %get3A_16 : vector<256x1xf32>
    %min3A_27 = arith.minimumf %get3A_19, %get3A_22 : vector<256x1xf32>
    %max3A_28 = arith.maximumf %get3A_19, %get3A_22 : vector<256x1xf32>
    %min3A_29 = arith.minimumf %min3A, %min3A_23 : vector<256x1xf32>
    %max3A_30 = arith.maximumf %min3A, %min3A_23 : vector<256x1xf32>
    %min3A_31 = arith.minimumf %max3A, %max3A_24 : vector<256x1xf32>
    %max3A_32 = arith.maximumf %max3A, %max3A_24 : vector<256x1xf32>
    %min3A_33 = arith.minimumf %min3A_31, %max3A_30 : vector<256x1xf32>
    %max3A_34 = arith.maximumf %min3A_31, %max3A_30 : vector<256x1xf32>
    %min3A_35 = arith.minimumf %min3A_25, %min3A_27 : vector<256x1xf32>
    %max3A_36 = arith.maximumf %min3A_25, %min3A_27 : vector<256x1xf32>
    %min3A_37 = arith.minimumf %max3A_26, %max3A_28 : vector<256x1xf32>
    %max3A_38 = arith.maximumf %max3A_26, %max3A_28 : vector<256x1xf32>
    %min3A_39 = arith.minimumf %min3A_37, %max3A_36 : vector<256x1xf32>
    %max3A_40 = arith.maximumf %min3A_37, %max3A_36 : vector<256x1xf32>
    %min3A_41 = arith.minimumf %min3A_29, %min3A_35 : vector<256x1xf32>
    %max3A_42 = arith.maximumf %min3A_29, %min3A_35 : vector<256x1xf32>
    %min3A_43 = arith.minimumf %min3A_33, %min3A_39 : vector<256x1xf32>
    %max3A_44 = arith.maximumf %min3A_33, %min3A_39 : vector<256x1xf32>
    %min3A_45 = arith.minimumf %max3A_34, %max3A_40 : vector<256x1xf32>
    %max3A_46 = arith.maximumf %max3A_34, %max3A_40 : vector<256x1xf32>
    %min3A_47 = arith.minimumf %max3A_32, %max3A_38 : vector<256x1xf32>
    %max3A_48 = arith.maximumf %max3A_32, %max3A_38 : vector<256x1xf32>
    %min3A_49 = arith.minimumf %min3A_45, %max3A_42 : vector<256x1xf32>
    %max3A_50 = arith.maximumf %min3A_45, %max3A_42 : vector<256x1xf32>
    %min3A_51 = arith.minimumf %min3A_47, %max3A_44 : vector<256x1xf32>
    %max3A_52 = arith.maximumf %min3A_47, %max3A_44 : vector<256x1xf32>
    %min3A_53 = arith.minimumf %min3A_43, %min3A_49 : vector<256x1xf32>
    %max3A_54 = arith.maximumf %min3A_43, %min3A_49 : vector<256x1xf32>
    %min3A_55 = arith.minimumf %min3A_51, %max3A_50 : vector<256x1xf32>
    %max3A_56 = arith.maximumf %min3A_51, %max3A_50 : vector<256x1xf32>
    %min3A_57 = arith.minimumf %max3A_52, %max3A_46 : vector<256x1xf32>
    %max3A_58 = arith.maximumf %max3A_52, %max3A_46 : vector<256x1xf32>
    %add3A = arith.addf %min3A_41, %min3A_53 : vector<256x1xf32>
    %mul3A = arith.constant 5.000000e-01 : f32
    %mul3A_59 = vector.broadcast %mul3A : f32 to vector<256x1xf32>
    %mul3A_60 = arith.mulf %add3A, %mul3A_59 : vector<256x1xf32>
    %add3A_61 = arith.addf %min3A_53, %max3A_54 : vector<256x1xf32>
    %mul3A_62 = arith.constant 5.000000e-01 : f32
    %mul3A_63 = vector.broadcast %mul3A_62 : f32 to vector<256x1xf32>
    %mul3A_64 = arith.mulf %add3A_61, %mul3A_63 : vector<256x1xf32>
    %add3A_65 = arith.addf %max3A_54, %min3A_55 : vector<256x1xf32>
    %mul3A_66 = arith.constant 5.000000e-01 : f32
    %mul3A_67 = vector.broadcast %mul3A_66 : f32 to vector<256x1xf32>
    %mul3A_68 = arith.mulf %add3A_65, %mul3A_67 : vector<256x1xf32>
    %add3A_69 = arith.addf %min3A_55, %max3A_56 : vector<256x1xf32>
    %mul3A_70 = arith.constant 5.000000e-01 : f32
    %mul3A_71 = vector.broadcast %mul3A_70 : f32 to vector<256x1xf32>
    %mul3A_72 = arith.mulf %add3A_69, %mul3A_71 : vector<256x1xf32>
    %add3A_73 = arith.addf %max3A_56, %min3A_57 : vector<256x1xf32>
    %mul3A_74 = arith.constant 5.000000e-01 : f32
    %mul3A_75 = vector.broadcast %mul3A_74 : f32 to vector<256x1xf32>
    %mul3A_76 = arith.mulf %add3A_73, %mul3A_75 : vector<256x1xf32>
    %add3A_77 = arith.addf %min3A_57, %max3A_58 : vector<256x1xf32>
    %mul3A_78 = arith.constant 5.000000e-01 : f32
    %mul3A_79 = vector.broadcast %mul3A_78 : f32 to vector<256x1xf32>
    %mul3A_80 = arith.mulf %add3A_77, %mul3A_79 : vector<256x1xf32>
    %add3A_81 = arith.addf %max3A_58, %max3A_48 : vector<256x1xf32>
    %mul3A_82 = arith.constant 5.000000e-01 : f32
    %mul3A_83 = vector.broadcast %mul3A_82 : f32 to vector<256x1xf32>
    %mul3A_84 = arith.mulf %add3A_81, %mul3A_83 : vector<256x1xf32>
    %get3A_85 = arith.constant 0 : index
    %get3A_86 = arith.constant 0 : index
    %get3A_87 = vector.load %arg1[%get3A_85, %get3A_86] : memref<256x2048xf32, #tpu.memory_space<vmem>>, vector<256x2048xf32>
    %gt3A = vector.broadcast %mul3A_60 : vector<256x1xf32> to vector<256x2048xf32>
    %gt3A_88 = arith.cmpf ogt, %get3A_87, %gt3A : vector<256x2048xf32>
    %broadcast_in_dim3A = vector.shape_cast %min3A_41 : vector<256x1xf32> to vector<256x1xf32>
    %broadcast_in_dim3A_89 = vector.broadcast %broadcast_in_dim3A : vector<256x1xf32> to vector<256x2048xf32>
    %broadcast_in_dim3A_90 = vector.shape_cast %min3A_53 : vector<256x1xf32> to vector<256x1xf32>
    %broadcast_in_dim3A_91 = vector.broadcast %broadcast_in_dim3A_90 : vector<256x1xf32> to vector<256x2048xf32>
    %select_n3A = arith.select %gt3A_88, %broadcast_in_dim3A_91, %broadcast_in_dim3A_89 : vector<256x2048xi1>, vector<256x2048xf32>
    %gt3A_92 = vector.broadcast %mul3A_64 : vector<256x1xf32> to vector<256x2048xf32>
    %gt3A_93 = arith.cmpf ogt, %get3A_87, %gt3A_92 : vector<256x2048xf32>
    %broadcast_in_dim3A_94 = vector.shape_cast %max3A_54 : vector<256x1xf32> to vector<256x1xf32>
    %broadcast_in_dim3A_95 = vector.broadcast %broadcast_in_dim3A_94 : vector<256x1xf32> to vector<256x2048xf32>
    %select_n3A_96 = arith.select %gt3A_93, %broadcast_in_dim3A_95, %select_n3A : vector<256x2048xi1>, vector<256x2048xf32>
    %gt3A_97 = vector.broadcast %mul3A_68 : vector<256x1xf32> to vector<256x2048xf32>
    %gt3A_98 = arith.cmpf ogt, %get3A_87, %gt3A_97 : vector<256x2048xf32>
    %broadcast_in_dim3A_99 = vector.shape_cast %min3A_55 : vector<256x1xf32> to vector<256x1xf32>
    %broadcast_in_dim3A_100 = vector.broadcast %broadcast_in_dim3A_99 : vector<256x1xf32> to vector<256x2048xf32>
    %select_n3A_101 = arith.select %gt3A_98, %broadcast_in_dim3A_100, %select_n3A_96 : vector<256x2048xi1>, vector<256x2048xf32>
    %gt3A_102 = vector.broadcast %mul3A_72 : vector<256x1xf32> to vector<256x2048xf32>
    %gt3A_103 = arith.cmpf ogt, %get3A_87, %gt3A_102 : vector<256x2048xf32>
    %broadcast_in_dim3A_104 = vector.shape_cast %max3A_56 : vector<256x1xf32> to vector<256x1xf32>
    %broadcast_in_dim3A_105 = vector.broadcast %broadcast_in_dim3A_104 : vector<256x1xf32> to vector<256x2048xf32>
    %select_n3A_106 = arith.select %gt3A_103, %broadcast_in_dim3A_105, %select_n3A_101 : vector<256x2048xi1>, vector<256x2048xf32>
    %gt3A_107 = vector.broadcast %mul3A_76 : vector<256x1xf32> to vector<256x2048xf32>
    %gt3A_108 = arith.cmpf ogt, %get3A_87, %gt3A_107 : vector<256x2048xf32>
    %broadcast_in_dim3A_109 = vector.shape_cast %min3A_57 : vector<256x1xf32> to vector<256x1xf32>
    %broadcast_in_dim3A_110 = vector.broadcast %broadcast_in_dim3A_109 : vector<256x1xf32> to vector<256x2048xf32>
    %select_n3A_111 = arith.select %gt3A_108, %broadcast_in_dim3A_110, %select_n3A_106 : vector<256x2048xi1>, vector<256x2048xf32>
    %gt3A_112 = vector.broadcast %mul3A_80 : vector<256x1xf32> to vector<256x2048xf32>
    %gt3A_113 = arith.cmpf ogt, %get3A_87, %gt3A_112 : vector<256x2048xf32>
    %broadcast_in_dim3A_114 = vector.shape_cast %max3A_58 : vector<256x1xf32> to vector<256x1xf32>
    %broadcast_in_dim3A_115 = vector.broadcast %broadcast_in_dim3A_114 : vector<256x1xf32> to vector<256x2048xf32>
    %select_n3A_116 = arith.select %gt3A_113, %broadcast_in_dim3A_115, %select_n3A_111 : vector<256x2048xi1>, vector<256x2048xf32>
    %gt3A_117 = vector.broadcast %mul3A_84 : vector<256x1xf32> to vector<256x2048xf32>
    %gt3A_118 = arith.cmpf ogt, %get3A_87, %gt3A_117 : vector<256x2048xf32>
    %broadcast_in_dim3A_119 = vector.shape_cast %max3A_48 : vector<256x1xf32> to vector<256x1xf32>
    %broadcast_in_dim3A_120 = vector.broadcast %broadcast_in_dim3A_119 : vector<256x1xf32> to vector<256x2048xf32>
    %select_n3A_121 = arith.select %gt3A_118, %broadcast_in_dim3A_120, %select_n3A_116 : vector<256x2048xi1>, vector<256x2048xf32>
    %swap3A = arith.constant 0 : index
    %swap3A_122 = arith.constant 0 : index
    %swap3A_123 = vector.load %arg3[%swap3A, %swap3A_122] : memref<256x2048xf32, #tpu.memory_space<vmem>>, vector<256x2048xf32>
    tpu.vector_store %arg3[%swap3A, %swap3A_122], %select_n3A_121 {strides = array<i32>} : memref<256x2048xf32, #tpu.memory_space<vmem>>, vector<256x2048xf32>,
    return
  }
  func.func @transform_0(%arg0: i32) -> (i32, i32) {
    %add3A = arith.constant 3 : i32
    %add3A_0 = arith.addi %add3A, %arg0 : i32
    %c0_i32 = arith.constant 0 : i32
    %c0_i32_1 = arith.constant 0 : i32
    return %add3A_0, %c0_i32 : i32, i32
  }
  func.func @transform_1(%arg0: i32) -> (i32, i32) {
    %c0_i32 = arith.constant 0 : i32
    %c0_i32_0 = arith.constant 0 : i32
    return %arg0, %c0_i32 : i32, i32
  }
  func.func @transform_2(%arg0: i32) -> (i32, i32) {
    %c0_i32 = arith.constant 0 : i32
    %c0_i32_0 = arith.constant 0 : i32
    return %arg0, %c0_i32 : i32, i32
  }
}

</mosaic_0001>

<sc_bundles>
// kernel: kernel.4.cloned.1.call-start
scs
__scs_entry_jumppad:
0x0: {  	(pc) =	sbr.rel $0x88, $3  }
0x1: {  	(tag) =	ssettag $0x0;
	lr =	simm.s32 $0x1  }
0x2: {  	[smem:$0x3F9F] =	sst lr;
	_ =	strace $0xD0000000  }
0x3: {  	_ = 	snop  }
0x4: {  	_ = 	snop  }
0x5: {  	_ = 	snop  }
0x6: {  	_ = 	snop  }
0x7: {  	_ = 	snop  }
__scs_overlays_trampoline_lowered:
0x8: {  	[smem:$0x3FAE] =	sst s0  }
0x9: {  	[smem:$0x3FAF] =	sst s1  }
0xa: {  	[smem:$0x3FB0] =	sst s2  }
0xb: {  	[smem:$0x3FB1] =	sst s3  }
0xc: {  	[smem:$0x3FB2] =	sst s4  }
0xd: {  	[smem:$0x3FB3] =	sst s5  }
0xe: {  	[smem:$0x3FB4] =	sst s6  }
0xf: {  	[smem:$0x3FB5] =	sst s7  }
0x10: {  	[smem:$0x3FB6] =	sst s8  }
0x11: {  	[smem:$0x3FB7] =	sst s9;
	s0 =	simm.s32 @!p0 $0x0  }
0x12: {  	s1 =	sld [smem:$0x3F9D];
	s0 =	simm.s32 @p0 $0x1  }
0x13: {  	[smem:$0x3FB8] =	sst s0;
	s0 =	simm.s32 @!p1 $0x0  }
0x14: {  	s2 =	sld [smem:$0x3F9C];
	s0 =	simm.s32 @p1 $0x1  }
0x15: {  	[smem:$0x3FB9] =	sst s0;
	s0 =	simm.s32 @!p2 $0x0  }
0x16: {  	s3 =	sld [smem:$0x3FDB];
	s0 =	simm.s32 @p2 $0x1  }
0x17: {  	s4 =	simm.s32 $0x1BF5;
	[smem:$0x3FBB] =	sst s0  }
0x18: {  	s0 =	sld [smem:$0x3F9E];
	_ =	swait.ge [sflag:s4], $0x0  }
0x19: {  	s7 =	sld [smem:$0x3F9F]  }
0x1a: {  	s8 =	sadd.s32 $0xFFFFE003, lr  }
0x1b: {  	s9 =	sadd.s32 $0xFFFFFEF7, lr;
	s5 =	simm.s32 $0xFFFFFFFF;
	p2 =	slt.u32 s8, $0xFFFFF086  }
0x1c: {  	p1 =	slt.u32 s9, $0xF7A;
	s5 =	simm.s32 @!p2 $0x0  }
0x1d: {  	s5 =	simm.s32 @p1 $0x1;
	p0 =	seq.s32 s7, s2  }
0x1e: {  	s7 =	smul.u32 @!p0 $0xF7A, s2;
	p2 =	seq.s32 @!p0 s5, $0x0  }
0x1f: {  	s9 =	smul.u32 $0xF7A, s1;
	s8 =	simm.s32 @!p0 $0x1BF5;
	p2 =	por !p2, p0  }
0x20: {  	[sflag:s8] =	ssyncset.s32 @!p0 $0xFFFFF086;
	s6 =	sadd.s32 @!p0 s3, s7;
	s7 =	simm.s32 @!p0 $0x108  }
0x21: {  	s3 =	sadd.s32 s3, s9;
	s6 =	sadd.s32 @!p0 $0x88, s6;
	s7 =	simm.s32 @p2 $0x1082  }
0x22: {  	[simem:s7], [sflag:s8] =	dma.local @!p0 [hbm:s6], $0xF7A  }
0x23: {  	s9 =	sor.u32 $0xD0000000, s2;
	s6 =	simm.s32 $0x108;
	_ =	swait.ge @!p0 [sflag:s8], $0x0  }
0x24: {  	s3 =	sadd.s32 $0x88, s3;
	s6 =	simm.s32 @!p1 $0x1082;
	[sflag:s4] =	ssyncset.s32 $0xFFFFF086  }
0x25: {  	[simem:s6], [sflag:s4] =	dma.local [hbm:s3], $0xF7A  }
0x26: {  	[smem:$0x3F9F] =	sst s1;
	(tag) =	ssettag s2;
	_ =	strace s9  }
0x27: {  	s1 =	sld [smem:$0x3FAF]  }
0x28: {  	s2 =	sld [smem:$0x3FB0]  }
0x29: {  	s4 =	sld [smem:$0x3FB2]  }
0x2a: {  	p0 =	seq.s32 s5, $0x0;
	s5 =	sld [smem:$0x3FB3]  }
0x2b: {  	s6 =	sld [smem:$0x3FB4]  }
0x2c: {  	s7 =	sld [smem:$0x3FB5]  }
0x2d: {  	s3 =	simm.s32 $0x108;
	s8 =	sld [smem:$0x3FB6]  }
0x2e: {  	s3 =	simm.s32 @!p0 $0x1082;
	s9 =	sld [smem:$0x3FB7]  }
0x2f: {  	lr =	sadd.s32 s0, s3;
	s0 =	sld [smem:$0x3FAE]  }
0x30: {  	s3 =	sld [smem:$0x3FB1]  }
0x31: {  	[smem:$0x3FBA] =	sst s10  }
0x32: {  	s10 =	sld [smem:$0x3FB8];
	_ =	sdelay $0x3  }
0x33: {  	p0 =	seq.s32 s10, $0x1;
	s10 =	sld [smem:$0x3FBA];
	_ =	sdelay $0x3  }
0x34: {  	[smem:$0x3FBA] =	sst s10  }
0x35: {  	s10 =	sld [smem:$0x3FB9];
	_ =	sdelay $0x3  }
0x36: {  	p1 =	seq.s32 s10, $0x1;
	s10 =	sld [smem:$0x3FBA];
	_ =	sdelay $0x3  }
0x37: {  	[smem:$0x3FBA] =	sst s10  }
0x38: {  	s10 =	sld [smem:$0x3FBB]  }
0x39: {  	_ = 	snop;
	(pc) =	sbr.ind lr, $3  }
0x3a: {  	_ = 	snop  }
0x3b: {  	_ = 	snop  }
0x3c: {  	p2 =	seq.s32 s10, $0x1;
	s10 =	sld [smem:$0x3FBA]  }
0x3d: {  	_ =	shalt  }
0x3e: {  	_ =	shalt  }
0x3f: {  	_ =	shalt  }
0x40: {  	_ =	shalt  }
0x41: {  	_ =	shalt  }
0x42: {  	_ =	shalt  }
0x43: {  	_ =	shalt  }
0x44: {  	_ =	shalt  }
0x45: {  	_ =	shalt  }
0x46: {  	_ =	shalt  }
0x47: {  	_ =	shalt  }
0x48: {  	_ =	shalt  }
0x49: {  	_ =	shalt  }
0x4a: {  	_ =	shalt  }
0x4b: {  	_ =	shalt  }
0x4c: {  	_ =	shalt  }
0x4d: {  	_ =	shalt  }
0x4e: {  	_ =	shalt  }
0x4f: {  	_ =	shalt  }
0x50: {  	_ =	shalt  }
0x51: {  	_ =	shalt  }
0x52: {  	_ =	shalt  }
0x53: {  	_ =	shalt  }
0x54: {  	_ =	shalt  }
0x55: {  	_ =	shalt  }
0x56: {  	_ =	shalt  }
0x57: {  	_ =	shalt  }
0x58: {  	_ =	shalt  }
0x59: {  	_ =	shalt  }
0x5a: {  	_ =	shalt  }
0x5b: {  	_ =	shalt  }
0x5c: {  	_ =	shalt  }
0x5d: {  	_ =	shalt  }
0x5e: {  	_ =	shalt  }
0x5f: {  	_ =	shalt  }
0x60: {  	_ =	shalt  }
0x61: {  	_ =	shalt  }
0x62: {  	_ =	shalt  }
0x63: {  	_ =	shalt  }
0x64: {  	_ =	shalt  }
0x65: {  	_ =	shalt  }
0x66: {  	_ =	shalt  }
0x67: {  	_ =	shalt  }
0x68: {  	_ =	shalt  }
0x69: {  	_ =	shalt  }
0x6a: {  	_ =	shalt  }
0x6b: {  	_ =	shalt  }
0x6c: {  	_ =	shalt  }
0x6d: {  	_ =	shalt  }
0x6e: {  	_ =	shalt  }
0x6f: {  	_ =	shalt  }
0x70: {  	_ =	shalt  }
0x71: {  	_ =	shalt  }
0x72: {  	_ =	shalt  }
0x73: {  	_ =	shalt  }
0x74: {  	_ =	shalt  }
0x75: {  	_ =	shalt  }
0x76: {  	_ =	shalt  }
0x77: {  	_ =	shalt  }
0x78: {  	_ =	shalt  }
0x79: {  	_ =	shalt  }
0x7a: {  	_ =	shalt  }
0x7b: {  	_ =	shalt  }
0x7c: {  	_ =	shalt  }
0x7d: {  	_ =	shalt  }
0x7e: {  	_ =	shalt  }
0x7f: {  	_ =	shalt  }
0x80: {  	_ =	shalt  }
0x81: {  	_ =	shalt  }
0x82: {  	_ =	shalt  }
0x83: {  	_ =	shalt  }
0x84: {  	_ =	shalt  }
0x85: {  	_ =	shalt  }
0x86: {  	_ =	shalt  }
0x87: {  	_ =	shalt  }
.Lfunc_end0:
.L_simem_size_0:
called_computation_lowered:
.L_overlay_start_0:
0x88: {  	s2 =	sld [smem:$0x3FD9]  }
0x89: {  	s3 =	sld [smem:$0x3FFE];
	_ =	sdelay $0x1  }
0x8a: {  	s1 =	srdreg.scid  }
0x8b: {  	s0 =	sand.u32 $0x1, s1  }
0x8c: {  	s17 =	sshll.u32 s0, $0xA;
	s2 =	sadd.s32 s3, s2  }
0x8d: {  	s2 =	sadd.s32 s2, s17  }
0x8e: {  	[smem:$0x3FC6] =	sst s2  }
0x8f: {  	_ = 	snop  }
0x90: {  	s2 =	sld [smem:$0x3FC9]  }
0x91: {  	s18 =	sld [smem:$0x3FC8];
	(tm) =	ssettm $0x1  }
0x92: {  	s4 =	sld [smem:$0x3FFB];
	_ =	sdelay $0x3  }
0x93: {  	_ =	strace s4  }
0x94: {  	s4 =	sld [smem:$0x3FFC];
	_ =	sdelay $0x3  }
0x95: {  	_ =	strace s4  }
0x96: {  	s4 =	sld [smem:$0x3FFD];
	_ =	sdelay $0x3  }
0x97: {  	_ =	strace s4  }
0x98: {  	_ =	strace $0x8FFFFFFF  }
0x99: {  	s19 =	sld [smem:$0x3FDB];
	_ =	sdelay $0x1  }
0x9a: {  	s5 =	simm.s32 $_scs_section_size  }
0x9b: {  	s6 =	simm.s32 $_size__tile_overlayer_lowered;
	s7 =	simm.s32 $_tile_overlayer_lowered  }
0x9c: {  	s22 =	simm.s32 $0x1BFF;
	s21 =	sshll.u32 s7, $0x1;
	s4 =	sadd.s32 s5, s19  }
0x9d: {  	s8 =	simm.s32 $0x0;
	s20 =	sshll.u32 s6, $0x1;
	s6 =	sadd.s32 s21, s4  }
0x9e: {  	[timem:s8], [sflag:s22] =	dma.local [hbm:s6], s20  }
0x9f: {  	_ =	swait.ge [sflag:s22], s20  }
0xa0: {  	s5 =	ssub.s32 $0x0, s20;
	[sflag:s22] =	ssyncset.done $0x0  }
0xa1: {  	[sflag:s22] =	ssyncadd.s32 s5;
	_ =	sdelay $0x1  }
0xa2: {  	s23 =	simm.s32 $0x1B8B  }
0xa3: {  	_ =	swait.ge [sflag:s23], $0x1  }
0xa4: {  	[sflag:s23] =	ssyncset.done $0x0  }
0xa5: {  	s25 =	simm.s32 $0x1B8E;
	s24 =	sld [smem:$0x3FFE];
	[sflag:s23] =	ssyncadd.s32 $0xFFFFFFFF  }
0xa6: {  	s26 =	simm.s32 $execute0_lowered;
	[smem:$0x3FD2] =	sst s25  }
0xa7: {  	s6 =	sshll.u32 s26, $0x1;
	_ =	strace $0x80000046;
	[dreg:$0x1] =	wrdreg $0xFFFFFFFF  }
0xa8: {  	s28 =	simm.s32 $_size_execute0_lowered;
	s4 =	sadd.s32 s4, s6;
	[dreg:$0x0] =	wrdreg $0x0  }
0xa9: {  	s6 =	sshll.u32 s28, $0x1;
	[dreg:$0x2] =	wrdreg s4  }
0xaa: {  	[dreg:$0x3] =	wrdreg s6  }
0xab: {  	[dreg:$0x4] =	wrdreg $0xC0  }
0xac: {  	_ =	task [dreg:s8], $0x5FFFF  }
0xad: {  	[dreg:$0x1] =	wrdreg $0xFFFFFFFF  }
0xae: {  	[dreg:$0x0] =	wrdreg $0x60  }
0xaf: {  	[dreg:$0x2] =	wrdreg s2  }
0xb0: {  	[dreg:$0x3] =	wrdreg s18  }
0xb1: {  	[dreg:$0x4] =	wrdreg s24  }
0xb2: {  	[dreg:$0x5] =	wrdreg $0x9  }
0xb3: {  	_ =	task.clear_ibuf [dreg:s8], $0x6FFFF;
	_ =	strace $0x90000046  }
0xb4: {  	s29 =	simm.s32 $0x9;
	_ =	strace $0x80000048  }
0xb5: {  	_ =	swait.ge [sflag:s29], $0x1  }
0xb6: {  	[sflag:s29] =	ssyncadd.s32 $0xFFFFFFFF  }
0xb7: {  	_ =	strace $0x90000048  }
0xb8: {  	_ =	sfence  }
0xb9: {  	s30 =	sld [smem:$0x0];
	_ =	sdelay $0x2  }
0xba: {  	s31 =	sshll.u32 s1, $0xD;
	s1 =	sshrl.u32 s1, $0x2  }
0xbb: {  	s3 =	sand.u32 $0x4000, s31;
	s1 =	sadd.s32 s1, s30  }
0xbc: {  	s0 =	sor.u32 s3, s0;
	s1 =	sshll.u32 s1, $0x11  }
0xbd: {  	s0 =	sor.u32 s1, s0  }
0xbe: {  	s0 =	sadd.s32 $0x8F2B, s0  }
0xbf: {  	[sflag:s0] =	ssyncadd.remote.s32 $0x1  }
0xc0: {  	_ =	sfence.sel $0xFFFF  }
0xc1: {  	[dreg:$0x0] =	wrdreg $0xFFFFFFFF;
	(pc) =	sbr.abs _section_cstart, $3  }
0xc2: {  	[dreg:$0x1] =	wrdreg $0xFFFFFFFF  }
0xc3: {  	_ =	task.clear_ibuf [dreg:s8], $0x2FFFF;
	_ =	strace $0x9FFFFFFF  }
0xc4: {  	(tm) =	ssettm $0x7FFFFFFF  }
0xc5: {  	_ =	shalt  }
tec
execute0_lowered:
.L_overlay_start_1:
0x0: {  	(tag) =	ssettag $0x1  }
0x1: {  	s0 =	srdreg.scid  }
0x2: {  	s2 =	stileid.u32;
	s1 =	rddreg [dreg:$0x0]  }
0x3: {  	s4 =	rddreg [dreg:$0x2];
	s3 =	simm.s32 $0x0;
	s14 =	simm.s32 $0x5  }
0x4: {  	s15 =	simm.s32 $0xC00;
	s17 =	simm.s32 $0x1;
	s18 =	simm.s32 $0x400  }
0x5: {  	s19 =	simm.s32 $0x800;
	s0 =	sand.u32 $0x1, s0;
	s2 =	sshll.u32 s2, $0x1  }
0x6: {  	s20 =	simm.s32 $0x8C00;
	s21 =	simm.s32 $0x3;
	s2 =	sor.u32 s0, s2  }
0x7: {  	s22 =	simm.s32 $0x2;
	s23 =	simm.s32 $0xCC00;
	s5 =	smul.u32 $0x4CE0, s2  }
0x8: {  	s24 =	simm.s32 $0x4;
	s25 =	simm.s32 $0x0;
	s6 =	smul.u32 $0x18, s2  }
0x9: {  	[smem:$0x7FF] =	sst s3;
	s0 =	ssub.s32 $0x2, s0;
	s7 =	smul.u32 $0xC000, s2  }
0xa: {  	s12 =	sadd.s32 $0x600, s4;
	s29 =	sshrl.u32 s0, $0x1;
	s2 =	smul.u32 $0x1800, s2  }
0xb: {  	_ =	strace $0x80000047;
	s0 =	ssub.s32 s0, s29;
	s5 =	sshrl.u32 s5, $0x10  }
0xc: {  	s8 =	sshrl.u32 s7, $0x3;
	s7 =	sadd.s32 s12, s2;
	s5 =	smul.u32 $0x50, s5  }
0xd: {  	s13 =	smax.u32 s0, $0x1;
	s10 =	sadd.s32 $0x800, s8;
	s31 =	sadd.s32 $0x1000, s8  }
0xe: {  	s8 =	sadd.s32 s1, s31;
	s30 =	ssub.s32 s6, s5;
	s5 =	sadd.s32 s1, s2  }
0xf: {  	s6 =	sadd.s32 s1, s10;
	s10 =	sadd.s32 s12, s10;
	s4 =	sand.u32 $0xFFF8, s30  }
0x10: {  	s12 =	sadd.s32 s12, s31;
	s9 =	sadd.s32 $0x8, s4;
	s11 =	sadd.s32 $0x10, s4  }
.LBB2_1:
0x11: {  	s0 =	rddreg [dreg:$0x1]  }
0x12: {  	[tilespmem:s3], [sflag:$0x5] =	stream.linear.gather [hbm4b:s0+s3], $0x400, $0x38;
	[tilespmem:$0x10C00] =	vst v63  }
0x13: {  	_ =	swait.ge [sflag:s14], $0x400  }
0x14: {  	[sflag:s14] =	ssyncset.done $0x0  }
0x15: {  	[sflag:s14] =	ssyncadd.s32 $0xFFFFFC00  }
0x16: {  	v0 =	vld [tilespmem:$0x0]  }
0x17: {  	v1 =	vld [tilespmem:$0x80]  }
0x18: {  	v2 =	vld [tilespmem:$0x100]  }
0x19: {  	v3 =	vld [tilespmem:$0x180]  }
0x1a: {  	v4 =	vld [tilespmem:$0x200]  }
0x1b: {  	v5 =	vld [tilespmem:$0x280]  }
0x1c: {  	v6 =	vld [tilespmem:$0x300]  }
0x1d: {  	v7 =	vld [tilespmem:$0x380]  }
0x1e: {  	v11 =	vld [tilespmem:$0x110]  }
0x1f: {  	v15 =	vld [tilespmem:$0x190]  }
0x20: {  	v38 =	vld [tilespmem:$0x210]  }
0x21: {  	v20 =	vld [tilespmem:$0x290]  }
0x22: {  	v9 =	vld [tilespmem:$0x10]  }
0x23: {  	v36 =	vld [tilespmem:$0x90];
	v8 =	vmin.f32 v0, v1;
	v0 =	vmax.f32 v0, v1  }
0x24: {  	v56 =	vld [tilespmem:$0x20];
	v22 =	vmin.f32 v2, v3;
	v2 =	vmax.f32 v2, v3;
	v23 =	vmin.f32 v4, v5  }
0x25: {  	v58 =	vld [tilespmem:$0xA0];
	v4 =	vmax.f32 v4, v5;
	v24 =	vmin.f32 v6, v7;
	v6 =	vmax.f32 v6, v7  }
0x26: {  	v41 =	vmin.f32 v11, v15;
	v42 =	vmax.f32 v11, v15;
	v43 =	vmin.f32 v38, v20  }
0x27: {  	v25 =	vmin.f32 v8, v22;
	v1 =	vmax.f32 v8, v22;
	v26 =	vmin.f32 v0, v2  }
0x28: {  	v0 =	vmax.f32 v0, v2;
	v28 =	vmin.f32 v23, v24;
	v3 =	vmax.f32 v23, v24  }
0x29: {  	v29 =	vmin.f32 v4, v6;
	v4 =	vmax.f32 v4, v6;
	v23 =	vmin.f32 v9, v36  }
0x2a: {  	v8 =	vmax.f32 v38, v20;
	v38 =	vmin.f32 v56, v58;
	v27 =	vmin.f32 v26, v1  }
0x2b: {  	v1 =	vmax.f32 v26, v1;
	v30 =	vmin.f32 v29, v3;
	v3 =	vmax.f32 v29, v3  }
0x2c: {  	v31 =	vmin.f32 v25, v28;
	v7 =	vmax.f32 v25, v28;
	v34 =	vmin.f32 v0, v4  }
0x2d: {  	v0 =	vmax.f32 v0, v4;
	v46 =	vmin.f32 v23, v41;
	v32 =	vmin.f32 v27, v30  }
0x2e: {  	v2 =	vmax.f32 v27, v30;
	v33 =	vmin.f32 v1, v3;
	v1 =	vmax.f32 v1, v3  }
0x2f: {  	v35 =	vmin.f32 v33, v7;
	v6 =	vmax.f32 v33, v7;
	v10 =	vmin.f32 v34, v2  }
0x30: {  	v21 =	vld [tilespmem:$0x310];
	v2 =	vmax.f32 v34, v2;
	v7 =	vmax.f32 v9, v36;
	v9 =	vmax.f32 v23, v41  }
0x31: {  	v22 =	vld [tilespmem:$0x390];
	v37 =	vmin.f32 v32, v35;
	v12 =	vmax.f32 v32, v35;
	v13 =	vmin.f32 v10, v6  }
0x32: {  	v16 =	vmax.f32 v10, v6;
	v17 =	vmin.f32 v2, v1;
	v4 =	vadd.f32 v35, v32  }
0x33: {  	v18 =	vmax.f32 v2, v1;
	v6 =	vadd.f32 v6, v10;
	v1 =	vadd.f32 v2, v1  }
0x34: {  	v61 =	vld [tilespmem:$0x120];
	v47 =	vmin.f32 v7, v42;
	v14 =	vadd.f32 v37, v31;
	v19 =	vadd.f32 v13, v12  }
0x35: {  	v25 =	vld [tilespmem:$0x1A0];
	[tilespmem:$0x400] =	vst v31;
	v5 =	vmax.f32 v7, v42;
	v39 =	vadd.f32 v17, v16;
	v40 =	vadd.f32 v18, v0  }
0x36: {  	[tilespmem:$0x780] =	vst v0;
	v44 =	vmin.f32 v21, v22;
	v45 =	vmax.f32 v21, v22;
	v48 =	vmin.f32 v47, v9  }
0x37: {  	[tilespmem:$0x480] =	vst v37;
	v9 =	vmax.f32 v47, v9;
	v4 =	vmul.f32 $5.000000000e-01, v4;
	v6 =	vmul.f32 $5.000000000e-01, v6  }
0x38: {  	[tilespmem:$0x500] =	vst v12;
	v1 =	vmul.f32 $5.000000000e-01, v1;
	v49 =	vmin.f32 v43, v44;
	v3 =	vmax.f32 v43, v44  }
0x39: {  	[tilespmem:$0x580] =	vst v13;
	v50 =	vmin.f32 v8, v45;
	v8 =	vmax.f32 v8, v45;
	v14 =	vmul.f32 $5.000000000e-01, v14  }
0x3a: {  	[tilespmem:$0x600] =	vst v16;
	v41 =	vmax.f32 v61, v25;
	v19 =	vmul.f32 $5.000000000e-01, v19;
	v10 =	vmul.f32 $5.000000000e-01, v39  }
0x3b: {  	[tilespmem:$0x680] =	vst v17;
	v2 =	vmul.f32 $5.000000000e-01, v40;
	v51 =	vmin.f32 v50, v3;
	v3 =	vmax.f32 v50, v3  }
0x3c: {  	[tilespmem:$0x700] =	vst v18;
	v52 =	vmin.f32 v46, v49;
	v12 =	vmax.f32 v46, v49;
	v55 =	vmin.f32 v5, v8  }
0x3d: {  	v5 =	vmax.f32 v5, v8;
	v39 =	vmax.f32 v56, v58;
	v40 =	vmin.f32 v61, v25;
	[tilespmem:$0x880] =	vst v4  }
0x3e: {  	v53 =	vmin.f32 v48, v51;
	v7 =	vmax.f32 v48, v51;
	v54 =	vmin.f32 v9, v3;
	[tilespmem:$0x980] =	vst v6  }
0x3f: {  	v28 =	vld [tilespmem:$0x220];
	v3 =	vmax.f32 v9, v3;
	[tilespmem:$0xA80] =	vst v1;
	v44 =	vmin.f32 v38, v40;
	v9 =	vmax.f32 v38, v40  }
0x40: {  	v31 =	vld [tilespmem:$0x2A0];
	[tilespmem:$0x410] =	vst v52;
	v45 =	vmin.f32 v39, v41;
	v11 =	vmax.f32 v39, v41;
	v57 =	vmin.f32 v54, v12  }
0x41: {  	v34 =	vld [tilespmem:$0x320];
	[tilespmem:$0x790] =	vst v5;
	v0 =	vmax.f32 v54, v12;
	v59 =	vmin.f32 v55, v7;
	v7 =	vmax.f32 v55, v7  }
0x42: {  	v37 =	vld [tilespmem:$0x3A0];
	[tilespmem:$0x800] =	vst v14;
	v46 =	vmin.f32 v45, v9;
	v9 =	vmax.f32 v45, v9;
	v60 =	vmin.f32 v53, v57  }
0x43: {  	[tilespmem:$0x900] =	vst v19;
	v62 =	vmax.f32 v53, v57;
	v63 =	vmin.f32 v59, v0;
	v26 =	vmax.f32 v59, v0  }
0x44: {  	[tilespmem:$0xA00] =	vst v10;
	v27 =	vmin.f32 v7, v3;
	v8 =	vadd.f32 v57, v53;
	v29 =	vmax.f32 v7, v3  }
0x45: {  	[tilespmem:$0xB00] =	vst v2;
	v0 =	vadd.f32 v0, v59;
	v3 =	vadd.f32 v7, v3;
	v42 =	vmin.f32 v28, v31  }
0x46: {  	v15 =	vmax.f32 v28, v31;
	v24 =	vadd.f32 v60, v52;
	v30 =	vadd.f32 v63, v62;
	[tilespmem:$0x490] =	vst v60  }
0x47: {  	v43 =	vmin.f32 v34, v37;
	v33 =	vadd.f32 v27, v26;
	v36 =	vadd.f32 v29, v5;
	[tilespmem:$0x510] =	vst v62  }
0x48: {  	[tilespmem:$0x590] =	vst v63;
	v47 =	vmin.f32 v42, v43;
	v48 =	vmax.f32 v42, v43;
	v32 =	vmul.f32 $5.000000000e-01, v8  }
0x49: {  	v54 =	vld [tilespmem:$0x30];
	[tilespmem:$0x610] =	vst v26;
	v0 =	vmul.f32 $5.000000000e-01, v0;
	v3 =	vmul.f32 $5.000000000e-01, v3;
	v8 =	vmax.f32 v34, v37  }
0x4a: {  	v57 =	vld [tilespmem:$0xB0];
	[tilespmem:$0x690] =	vst v27;
	v51 =	vmin.f32 v44, v47;
	v52 =	vmax.f32 v44, v47;
	v18 =	vmul.f32 $5.000000000e-01, v24  }
0x4b: {  	[tilespmem:$0x710] =	vst v29;
	v60 =	vld [tilespmem:$0x130];
	v35 =	vmul.f32 $5.000000000e-01, v30;
	v4 =	vmul.f32 $5.000000000e-01, v33;
	v49 =	vmin.f32 v15, v8  }
0x4c: {  	v63 =	vld [tilespmem:$0x1B0];
	v7 =	vmul.f32 $5.000000000e-01, v36;
	v8 =	vmax.f32 v15, v8;
	[tilespmem:$0x420] =	vst v51;
	v50 =	vmin.f32 v49, v48  }
0x4d: {  	v5 =	vmax.f32 v49, v48;
	[tilespmem:$0x890] =	vst v32;
	v56 =	vmin.f32 v11, v8;
	v58 =	vmax.f32 v11, v8  }
0x4e: {  	[tilespmem:$0x990] =	vst v0;
	v53 =	vmin.f32 v46, v50;
	v10 =	vmax.f32 v46, v50;
	v55 =	vmin.f32 v9, v5  }
0x4f: {  	[tilespmem:$0xA90] =	vst v3;
	v5 =	vmax.f32 v9, v5;
	v39 =	vmin.f32 v54, v57;
	v40 =	vmax.f32 v54, v57  }
0x50: {  	v27 =	vld [tilespmem:$0x230];
	[tilespmem:$0x810] =	vst v18;
	v59 =	vmin.f32 v55, v52;
	v1 =	vmax.f32 v55, v52;
	v61 =	vmin.f32 v56, v10  }
0x51: {  	v34 =	vld [tilespmem:$0x330];
	[tilespmem:$0x910] =	vst v35;
	v9 =	vmax.f32 v56, v10;
	v41 =	vmin.f32 v60, v63;
	v2 =	vmax.f32 v60, v63  }
0x52: {  	v30 =	vld [tilespmem:$0x2B0];
	[tilespmem:$0xA10] =	vst v4;
	v62 =	vmin.f32 v53, v59;
	v24 =	vmax.f32 v53, v59;
	v25 =	vmin.f32 v61, v1  }
0x53: {  	v36 =	vld [tilespmem:$0x3B0];
	[tilespmem:$0xB10] =	vst v7;
	v28 =	vmax.f32 v61, v1;
	v29 =	vmin.f32 v9, v5;
	v8 =	vadd.f32 v59, v53  }
0x54: {  	[tilespmem:$0x7A0] =	vst v58;
	v31 =	vmax.f32 v9, v5;
	v1 =	vadd.f32 v1, v61;
	v5 =	vadd.f32 v9, v5  }
0x55: {  	v44 =	vmin.f32 v39, v41;
	v13 =	vmax.f32 v39, v41;
	v45 =	vmin.f32 v40, v2;
	[tilespmem:$0x4A0] =	vst v62  }
0x56: {  	v2 =	vmax.f32 v40, v2;
	v26 =	vadd.f32 v62, v51;
	v33 =	vadd.f32 v25, v24;
	[tilespmem:$0x520] =	vst v24  }
0x57: {  	v35 =	vadd.f32 v29, v28;
	v38 =	vadd.f32 v31, v58;
	[tilespmem:$0x5A0] =	vst v25;
	v42 =	vmin.f32 v27, v30  }
0x58: {  	[tilespmem:$0x620] =	vst v28;
	v12 =	vmax.f32 v27, v30;
	v43 =	vmin.f32 v34, v36;
	v10 =	vmax.f32 v34, v36  }
0x59: {  	v54 =	vld [tilespmem:$0x40];
	[tilespmem:$0x6A0] =	vst v29;
	v46 =	vmin.f32 v45, v13;
	v47 =	vmax.f32 v45, v13;
	v8 =	vmul.f32 $5.000000000e-01, v8  }
0x5a: {  	v57 =	vld [tilespmem:$0xC0];
	[tilespmem:$0x720] =	vst v31;
	v1 =	vmul.f32 $5.000000000e-01, v1;
	v5 =	vmul.f32 $5.000000000e-01, v5;
	v48 =	vmin.f32 v42, v43  }
0x5b: {  	v11 =	vmax.f32 v42, v43;
	v49 =	vmin.f32 v12, v10;
	v32 =	vmul.f32 $5.000000000e-01, v26;
	[tilespmem:$0x8A0] =	vst v8  }
0x5c: {  	v50 =	vmax.f32 v12, v10;
	v37 =	vmul.f32 $5.000000000e-01, v33;
	v4 =	vmul.f32 $5.000000000e-01, v35;
	[tilespmem:$0x9A0] =	vst v1  }
0x5d: {  	v9 =	vmul.f32 $5.000000000e-01, v38;
	v51 =	vmin.f32 v49, v11;
	v52 =	vmin.f32 v44, v48;
	[tilespmem:$0xAA0] =	vst v5  }
0x5e: {  	v22 =	vld [tilespmem:$0x240];
	v11 =	vmax.f32 v49, v11;
	v58 =	vmin.f32 v2, v50;
	v2 =	vmax.f32 v2, v50;
	[tilespmem:$0x430] =	vst v52  }
0x5f: {  	v60 =	vld [tilespmem:$0x140];
	v0 =	vmax.f32 v44, v48;
	v10 =	vmax.f32 v54, v57;
	v53 =	vmin.f32 v46, v51;
	[tilespmem:$0x7B0] =	vst v2  }
0x60: {  	v62 =	vld [tilespmem:$0x1C0];
	v55 =	vmax.f32 v46, v51;
	v56 =	vmin.f32 v47, v11;
	v7 =	vmax.f32 v47, v11;
	[tilespmem:$0x820] =	vst v32  }
0x61: {  	v24 =	vld [tilespmem:$0x2C0];
	[tilespmem:$0x920] =	vst v37;
	v59 =	vmin.f32 v56, v0;
	v0 =	vmax.f32 v56, v0;
	v61 =	vmin.f32 v58, v55  }
0x62: {  	[tilespmem:$0xA20] =	vst v4;
	v4 =	vmax.f32 v58, v55;
	v32 =	vmin.f32 v54, v57;
	v63 =	vmin.f32 v53, v59  }
0x63: {  	[tilespmem:$0xB20] =	vst v9;
	v20 =	vmax.f32 v53, v59;
	v21 =	vmin.f32 v61, v0;
	v23 =	vmax.f32 v61, v0  }
0x64: {  	v28 =	vld [tilespmem:$0x3C0];
	v3 =	vadd.f32 v59, v53;
	v25 =	vmin.f32 v4, v7;
	v0 =	vadd.f32 v0, v61;
	[tilespmem:$0x4B0] =	vst v63  }
0x65: {  	v26 =	vld [tilespmem:$0x340];
	v29 =	vmax.f32 v4, v7;
	v4 =	vadd.f32 v4, v7;
	v33 =	vmin.f32 v60, v62;
	[tilespmem:$0x530] =	vst v20  }
0x66: {  	v34 =	vmax.f32 v60, v62;
	v36 =	vmin.f32 v22, v24;
	v1 =	vadd.f32 v63, v52;
	[tilespmem:$0x5B0] =	vst v21  }
0x67: {  	v37 =	vmax.f32 v22, v24;
	v13 =	vadd.f32 v21, v20;
	v27 =	vadd.f32 v25, v23;
	[tilespmem:$0x630] =	vst v23  }
0x68: {  	[tilespmem:$0x6B0] =	vst v25;
	v31 =	vadd.f32 v29, v2;
	v40 =	vmax.f32 v32, v33;
	v3 =	vmul.f32 $5.000000000e-01, v3  }
0x69: {  	[tilespmem:$0x730] =	vst v29;
	v11 =	vmin.f32 v10, v34;
	v12 =	vmin.f32 v32, v33;
	v0 =	vmul.f32 $5.000000000e-01, v0  }
0x6a: {  	v2 =	vmax.f32 v10, v34;
	v4 =	vmul.f32 $5.000000000e-01, v4;
	v38 =	vmin.f32 v26, v28;
	[tilespmem:$0x8B0] =	vst v3  }
0x6b: {  	v39 =	vmax.f32 v26, v28;
	v41 =	vmin.f32 v11, v40;
	v1 =	vmul.f32 $5.000000000e-01, v1;
	[tilespmem:$0x9B0] =	vst v0  }
0x6c: {  	v42 =	vmax.f32 v11, v40;
	v13 =	vmul.f32 $5.000000000e-01, v13;
	v30 =	vmul.f32 $5.000000000e-01, v27;
	[tilespmem:$0xAB0] =	vst v4  }
0x6d: {  	v35 =	vmul.f32 $5.000000000e-01, v31;
	v43 =	vmax.f32 v36, v38;
	v44 =	vmin.f32 v37, v39;
	[tilespmem:$0x830] =	vst v1  }
0x6e: {  	v3 =	vmax.f32 v37, v39;
	v45 =	vmax.f32 v44, v43;
	v46 =	vmin.f32 v44, v43;
	[tilespmem:$0x930] =	vst v13  }
0x6f: {  	[tilespmem:$0xA30] =	vst v30;
	v1 =	vmin.f32 v36, v38;
	v4 =	vmax.f32 v41, v46;
	v51 =	vmin.f32 v2, v3  }
0x70: {  	[tilespmem:$0xB30] =	vst v35;
	v0 =	vmax.f32 v42, v45;
	v2 =	vmax.f32 v2, v3;
	v47 =	vmax.f32 v12, v1  }
0x71: {  	v1 =	vmin.f32 v12, v1;
	v53 =	vmin.f32 v51, v4;
	v4 =	vmax.f32 v51, v4;
	[tilespmem:$0x7C0] =	vst v2  }
0x72: {  	v48 =	vmin.f32 v42, v45;
	[tilespmem:$0x440] =	vst v1;
	v10 =	vmin.f32 v4, v0  }
0x73: {  	v49 =	vmin.f32 v41, v46;
	v50 =	vmin.f32 v48, v47;
	v57 =	vmax.f32 v4, v0;
	[tilespmem:$0x6C0] =	vst v10  }
0x74: {  	v52 =	vmin.f32 v49, v50;
	[tilespmem:$0x740] =	vst v57  }
0x75: {  	v6 =	vmax.f32 v48, v47;
	v0 =	vadd.f32 v4, v0;
	v54 =	vmax.f32 v49, v50;
	[tilespmem:$0x4C0] =	vst v52  }
0x76: {  	v55 =	vmin.f32 v53, v6;
	v5 =	vadd.f32 v50, v49;
	[tilespmem:$0x540] =	vst v54  }
0x77: {  	v56 =	vmax.f32 v53, v6;
	v6 =	vadd.f32 v6, v53;
	[tilespmem:$0x5C0] =	vst v55;
	v0 =	vmul.f32 $5.000000000e-01, v0  }
0x78: {  	v2 =	vadd.f32 v57, v2;
	[tilespmem:$0x640] =	vst v56;
	v5 =	vmul.f32 $5.000000000e-01, v5  }
0x79: {  	v1 =	vadd.f32 v52, v1;
	v61 =	vmul.f32 $5.000000000e-01, v6;
	[tilespmem:$0xAC0] =	vst v0  }
0x7a: {  	v58 =	vadd.f32 v55, v54;
	v63 =	vmul.f32 $5.000000000e-01, v2;
	[tilespmem:$0x8C0] =	vst v5  }
0x7b: {  	v60 =	vadd.f32 v10, v56;
	v1 =	vmul.f32 $5.000000000e-01, v1;
	[tilespmem:$0x9C0] =	vst v61  }
0x7c: {  	v59 =	vmul.f32 $5.000000000e-01, v58;
	[tilespmem:$0xB40] =	vst v63  }
0x7d: {  	v62 =	vmul.f32 $5.000000000e-01, v60;
	[tilespmem:$0x840] =	vst v1  }
0x7e: {  	[tilespmem:$0x940] =	vst v59  }
0x7f: {  	[tilespmem:$0xA40] =	vst v62  }
0x80: {  	[tilespmem:s15], [sflag:$0x1] =	stream.linear.gather [hbm4b:s5+s3], $0x4000, $0x38;
	[tilespmem:$0x10C00] =	vst v63  }
0x81: {  	s31 =	simm.s32 $0x4C00  }
0x82: {  	[tilespmem:s31], [sflag:$0x2] =	stream.linear.gather [hbm4b:s6+s3], $0x4000, $0x38;
	[tilespmem:$0x10C00] =	vst v63  }
0x83: {  	_ =	swait.ge [sflag:s17], $0x4000  }
0x84: {  	s28 =	simm.s32 $0xC40;
	[sflag:s17] =	ssyncset.done $0x0  }
0x85: {  	s29 =	simm.s32 $0x0;
	s0 =	simm.s32 $0x8C40;
	[sflag:s17] =	ssyncadd.s32 $0xFFFFC000  }
.LBB2_2:
0x86: {  	s1 =	sor.u32 s4, s29  }
0x87: {  	s2 =	smulhi.u32 $0xCCCCCCCD, s1;
	_ =	sdelay $0x1  }
0x88: {  	s2 =	sshrl.u32 s2, $0x6  }
0x89: {  	s2 =	smul.u32 $0x50, s2;
	_ =	sdelay $0x1  }
0x8a: {  	s1 =	ssub.s32 s1, s2  }
0x8b: {  	v6 =	vmov s1;
	_ =	sdelay $0x1  }
0x8c: {  	v8 =	vor.u32 $0x80, v6  }
0x8d: {  	v9 =	vor.u32 $0x100, v6  }
0x8e: {  	v18 =	vld [tilespmem:s28+$0x0];
	v10 =	vor.u32 $0x180, v6  }
0x8f: {  	v15 =	vor.u32 $0x200, v6;
	v4 =	vld.idx.msk [tilespmem:v6+s18+$0x0], $0xffff  }
0x90: {  	v16 =	vor.u32 $0x280, v6;
	v14 =	vld.idx.msk [tilespmem:v6+s19+$0x0], $0xffff  }
0x91: {  	v17 =	vor.u32 $0x300, v6;
	v7 =	vld.idx.msk [tilespmem:v8+s18+$0x0], $0xffff  }
0x92: {  	v5 =	vld.idx.msk [tilespmem:v9+s18+$0x0], $0xffff  }
0x93: {  	v3 =	vld.idx.msk [tilespmem:v10+s18+$0x0], $0xffff  }
0x94: {  	v2 =	vld.idx.msk [tilespmem:v15+s18+$0x0], $0xffff  }
0x95: {  	v1 =	vld.idx.msk [tilespmem:v16+s18+$0x0], $0xffff  }
0x96: {  	v0 =	vld.idx.msk [tilespmem:v17+s18+$0x0], $0xffff  }
0x97: {  	v13 =	vld.idx.msk [tilespmem:v8+s19+$0x0], $0xffff  }
0x98: {  	v6 =	vor.u32 $0x380, v6;
	v12 =	vld.idx.msk [tilespmem:v9+s19+$0x0], $0xffff  }
0x99: {  	v11 =	vld.idx.msk [tilespmem:v10+s19+$0x0], $0xffff  }
0x9a: {  	v10 =	vld.idx.msk [tilespmem:v15+s19+$0x0], $0xffff  }
0x9b: {  	v9 =	vld.idx.msk [tilespmem:v16+s19+$0x0], $0xffff;
	vm0 =	vgt.f32 v18, v14  }
0x9c: {  	v8 =	vld.idx.msk [tilespmem:v17+s19+$0x0], $0xffff;
	v15 =	vsel vm0, v7, v4;
	vm0 =	vgt.f32 v18, v13  }
0x9d: {  	v6 =	vld.idx.msk [tilespmem:v6+s18+$0x0], $0xffff;
	v15 =	vsel vm0, v5, v15;
	vm0 =	vgt.f32 v18, v12  }
0x9e: {  	v15 =	vsel vm0, v3, v15;
	vm0 =	vgt.f32 v18, v11  }
0x9f: {  	v15 =	vsel vm0, v2, v15;
	vm0 =	vgt.f32 v18, v10  }
0xa0: {  	v16 =	vld [tilespmem:s28+$0xFFFFFFC0];
	vm1 =	vgt.f32 v18, v9;
	v15 =	vsel vm0, v1, v15  }
0xa1: {  	vm0 =	vgt.f32 v18, v8;
	v15 =	vsel vm1, v0, v15  }
0xa2: {  	v15 =	vsel vm0, v6, v15  }
0xa3: {  	[tilespmem:s0+$0x0] =	vst v15  }
0xa4: {  	v15 =	vld [tilespmem:s28+$0x10]  }
0xa5: {  	vm0 =	vgt.f32 v16, v14  }
0xa6: {  	v17 =	vsel vm0, v7, v4;
	vm0 =	vgt.f32 v16, v13  }
0xa7: {  	v17 =	vsel vm0, v5, v17;
	vm0 =	vgt.f32 v16, v12  }
0xa8: {  	vm2 =	vgt.f32 v16, v9;
	vm1 =	vgt.f32 v16, v11;
	v17 =	vsel vm0, v3, v17  }
0xa9: {  	vm3 =	vgt.f32 v16, v8;
	v17 =	vsel vm1, v2, v17;
	vm1 =	vgt.f32 v15, v14  }
0xaa: {  	vm0 =	vgt.f32 v16, v10;
	v16 =	vsel vm1, v7, v4;
	vm1 =	vgt.f32 v15, v13  }
0xab: {  	v17 =	vsel vm0, v1, v17;
	vm0 =	vgt.f32 v15, v12;
	v16 =	vsel vm1, v5, v16  }
0xac: {  	v17 =	vsel vm2, v0, v17;
	v16 =	vsel vm0, v3, v16;
	vm0 =	vgt.f32 v15, v11  }
0xad: {  	v17 =	vsel vm3, v6, v17;
	v16 =	vsel vm0, v2, v16;
	vm0 =	vgt.f32 v15, v10  }
0xae: {  	[tilespmem:s0+$0xFFFFFFC0] =	vst v17;
	v16 =	vsel vm0, v1, v16;
	vm0 =	vgt.f32 v15, v9  }
0xaf: {  	v17 =	vld [tilespmem:s28+$0xFFFFFFD0];
	v16 =	vsel vm0, v0, v16;
	vm0 =	vgt.f32 v15, v8  }
0xb0: {  	v15 =	vsel vm0, v6, v16  }
0xb1: {  	[tilespmem:s0+$0x10] =	vst v15  }
0xb2: {  	v15 =	vld [tilespmem:s28+$0x20];
	_ =	sdelay $0x1  }
0xb3: {  	vm0 =	vgt.f32 v17, v14;
	vm1 =	vgt.f32 v17, v13  }
0xb4: {  	vm2 =	vgt.f32 v17, v12;
	vm3 =	vgt.f32 v17, v10;
	v16 =	vsel vm0, v7, v4  }
0xb5: {  	vm4 =	vgt.f32 v17, v8;
	vm0 =	vgt.f32 v17, v11;
	v16 =	vsel vm1, v5, v16  }
0xb6: {  	vm1 =	vgt.f32 v17, v9;
	v16 =	vsel vm2, v3, v16;
	vm2 =	vgt.f32 v15, v14  }
0xb7: {  	v16 =	vsel vm0, v2, v16;
	vm0 =	vgt.f32 v15, v13;
	v17 =	vsel vm2, v7, v4  }
0xb8: {  	s30 =	sadd.s32 $0x400, s28;
	v16 =	vsel vm3, v1, v16;
	v17 =	vsel vm0, v5, v17;
	vm0 =	vgt.f32 v15, v12  }
0xb9: {  	v18 =	vld [tilespmem:s30+$0x0];
	v16 =	vsel vm1, v0, v16;
	v17 =	vsel vm0, v3, v17;
	vm0 =	vgt.f32 v15, v11  }
0xba: {  	v16 =	vsel vm4, v6, v16;
	v17 =	vsel vm0, v2, v17;
	vm0 =	vgt.f32 v15, v10  }
0xbb: {  	[tilespmem:s0+$0xFFFFFFD0] =	vst v16;
	v16 =	vsel vm0, v1, v17;
	vm0 =	vgt.f32 v15, v9  }
0xbc: {  	v19 =	vld [tilespmem:s30+$0xFFFFFFC0];
	v16 =	vsel vm0, v0, v16;
	vm0 =	vgt.f32 v15, v8  }
0xbd: {  	v15 =	vsel vm0, v6, v16  }
0xbe: {  	vm0 =	vgt.f32 v18, v14;
	[tilespmem:s0+$0x20] =	vst v15  }
0xbf: {  	v16 =	vsel vm0, v7, v4;
	vm0 =	vgt.f32 v18, v13;
	v15 =	vld [tilespmem:s28+$0x30]  }
0xc0: {  	v16 =	vsel vm0, v5, v16;
	vm0 =	vgt.f32 v18, v12  }
0xc1: {  	vm10 =	vgt.f32 v19, v14;
	vm1 =	vgt.f32 v18, v11;
	v16 =	vsel vm0, v3, v16  }
0xc2: {  	v21 =	vsel vm10, v7, v4;
	vm3 =	vgt.f32 v18, v10;
	v16 =	vsel vm1, v2, v16  }
0xc3: {  	vm11 =	vgt.f32 v19, v13;
	vm8 =	vgt.f32 v18, v9;
	v17 =	vld [tilespmem:s28+$0xFFFFFFE0];
	v16 =	vsel vm3, v1, v16  }
0xc4: {  	vm3 =	vgt.f32 v18, v8;
	v16 =	vsel vm8, v0, v16;
	vm5 =	vgt.f32 v15, v14  }
0xc5: {  	s31 =	sadd.s32 $0x400, s0;
	vm9 =	vgt.f32 v15, v13;
	v16 =	vsel vm3, v6, v16;
	v18 =	vsel vm5, v7, v4  }
0xc6: {  	vm13 =	vgt.f32 v19, v11;
	vm3 =	vgt.f32 v15, v12;
	[tilespmem:s31+$0x0] =	vst v16;
	v18 =	vsel vm9, v5, v18  }
0xc7: {  	vm14 =	vgt.f32 v19, v9;
	vm6 =	vgt.f32 v19, v8;
	v16 =	vsel vm3, v3, v18;
	v18 =	vld [tilespmem:s30+$0x10]  }
0xc8: {  	v21 =	vsel vm11, v5, v21;
	vm2 =	vgt.f32 v17, v14;
	vm3 =	vgt.f32 v15, v11  }
0xc9: {  	vm0 =	vgt.f32 v17, v13;
	v16 =	vsel vm3, v2, v16;
	vm3 =	vgt.f32 v19, v12  }
0xca: {  	vm1 =	vgt.f32 v17, v12;
	v20 =	vsel vm2, v7, v4;
	v21 =	vsel vm3, v3, v21  }
0xcb: {  	vm2 =	vgt.f32 v17, v11;
	vm3 =	vgt.f32 v19, v10;
	v21 =	vsel vm13, v2, v21  }
0xcc: {  	v20 =	vsel vm0, v5, v20;
	v19 =	vsel vm3, v1, v21;
	vm3 =	vgt.f32 v18, v14  }
0xcd: {  	v19 =	vsel vm14, v0, v19;
	v62 =	vsel vm3, v7, v4;
	vm3 =	vgt.f32 v18, v13  }
0xce: {  	v19 =	vsel vm6, v6, v19;
	v21 =	vsel vm3, v5, v62;
	vm3 =	vgt.f32 v18, v12  }
0xcf: {  	v20 =	vsel vm1, v3, v20;
	[tilespmem:s31+$0xFFFFFFC0] =	vst v19;
	v19 =	vsel vm3, v3, v21;
	vm3 =	vgt.f32 v18, v11  }
0xd0: {  	vm1 =	vgt.f32 v17, v10;
	v63 =	vld [tilespmem:s30+$0xFFFFFFD0];
	v19 =	vsel vm3, v2, v19;
	vm3 =	vgt.f32 v18, v10  }
0xd1: {  	vm12 =	vgt.f32 v15, v10;
	vm0 =	vgt.f32 v18, v9;
	v19 =	vsel vm3, v1, v19  }
0xd2: {  	vm15 =	vgt.f32 v15, v9;
	v19 =	vsel vm0, v0, v19;
	vm0 =	vgt.f32 v18, v8  }
0xd3: {  	v16 =	vsel vm12, v1, v16;
	v18 =	vsel vm2, v2, v20;
	v19 =	vsel vm0, v6, v19  }
0xd4: {  	v16 =	vsel vm15, v0, v16;
	v18 =	vsel vm1, v1, v18;
	vm0 =	vgt.f32 v17, v9;
	[tilespmem:s31+$0x10] =	vst v19  }
0xd5: {  	v18 =	vsel vm0, v0, v18;
	vm0 =	vgt.f32 v17, v8;
	vm1 =	vgt.f32 v63, v14;
	v17 =	vld [tilespmem:s30+$0x20]  }
0xd6: {  	v18 =	vsel vm0, v6, v18;
	vm0 =	vgt.f32 v63, v13;
	v19 =	vsel vm1, v7, v4  }
0xd7: {  	vm2 =	vgt.f32 v63, v12;
	vm1 =	vgt.f32 v15, v8;
	[tilespmem:s0+$0xFFFFFFE0] =	vst v18;
	v18 =	vsel vm0, v5, v19  }
0xd8: {  	v16 =	vsel vm1, v6, v16;
	vm0 =	vgt.f32 v63, v11;
	v15 =	vld [tilespmem:s28+$0xFFFFFFF0];
	v18 =	vsel vm2, v3, v18  }
0xd9: {  	vm1 =	vgt.f32 v63, v10;
	vm2 =	vgt.f32 v63, v9;
	v18 =	vsel vm0, v2, v18  }
0xda: {  	vm0 =	vgt.f32 v63, v8;
	v18 =	vsel vm1, v1, v18;
	vm1 =	vgt.f32 v17, v14  }
0xdb: {  	v18 =	vsel vm2, v0, v18;
	v19 =	vsel vm1, v7, v4;
	vm1 =	vgt.f32 v17, v13  }
0xdc: {  	v18 =	vsel vm0, v6, v18;
	vm0 =	vgt.f32 v17, v12;
	v19 =	vsel vm1, v5, v19  }
0xdd: {  	s26 =	smov.u32 s0;
	[tilespmem:s31+$0xFFFFFFD0] =	vst v18;
	vm1 =	vgt.f32 v15, v14;
	v18 =	vsel vm0, v3, v19;
	vm0 =	vgt.f32 v17, v11  }
0xde: {  	s16 =	sadd.s32 $0x400, s30;
	s2 =	simm.s32 $0x80;
	s1 =	smov.u32 s31;
	[tilespmem:s0+$0x30] =	vst v16;
	v16 =	vld [tilespmem:s30+$0xFFFFFFE0];
	v19 =	vsel vm0, v2, v18;
	vm0 =	vgt.f32 v17, v10;
	v18 =	vsel vm1, v7, v4  }
.LBB2_3:
0xdf: {  	v20 =	vld [tilespmem:s16+$0x0];
	s2 =	sadd.s32 $0x80, s2;
	v19 =	vsel vm0, v1, v19;
	vm0 =	vgt.f32 v17, v9;
	vm1 =	vgt.f32 v15, v13  }
0xe0: {  	v21 =	vld [tilespmem:s16+$0xFFFFFFC0];
	p0 =	slt.u32 s2, $0x780;
	v19 =	vsel vm0, v0, v19;
	vm0 =	vgt.f32 v17, v8;
	v17 =	vsel vm1, v5, v18  }
0xe1: {  	vm2 =	vgt.f32 v15, v11;
	v18 =	vsel vm0, v6, v19;
	vm0 =	vgt.f32 v15, v12  }
0xe2: {  	vm1 =	vgt.f32 v15, v10;
	[tilespmem:s31+$0x20] =	vst v18;
	v17 =	vsel vm0, v3, v17;
	vm0 =	vgt.f32 v15, v9  }
0xe3: {  	vm3 =	vgt.f32 v16, v14;
	vm5 =	vgt.f32 v16, v13;
	vm4 =	vgt.f32 v16, v12;
	v18 =	vld [tilespmem:s30+$0x30]  }
0xe4: {  	vm6 =	vgt.f32 v20, v14;
	v19 =	vsel vm3, v7, v4;
	vm3 =	vgt.f32 v16, v11  }
0xe5: {  	vm7 =	vgt.f32 v21, v14;
	v22 =	vsel vm6, v7, v4;
	vm6 =	vgt.f32 v20, v13  }
0xe6: {  	vm8 =	vgt.f32 v20, v8;
	v22 =	vsel vm6, v5, v22;
	vm6 =	vgt.f32 v20, v12  }
0xe7: {  	vm9 =	vgt.f32 v20, v9;
	v22 =	vsel vm6, v3, v22;
	vm6 =	vgt.f32 v20, v11  }
0xe8: {  	v22 =	vsel vm6, v2, v22;
	vm6 =	vgt.f32 v20, v10;
	vm10 =	vgt.f32 v18, v14  }
0xe9: {  	v20 =	vsel vm6, v1, v22;
	v22 =	vsel vm10, v7, v4;
	vm6 =	vgt.f32 v18, v13  }
0xea: {  	v20 =	vsel vm9, v0, v20;
	v22 =	vsel vm6, v5, v22;
	vm6 =	vgt.f32 v18, v12  }
0xeb: {  	s31 =	sadd.s32 $0x400, s31;
	v20 =	vsel vm8, v6, v20;
	v22 =	vsel vm6, v3, v22;
	vm6 =	vgt.f32 v18, v11  }
0xec: {  	v23 =	vsel vm7, v7, v4;
	[tilespmem:s31+$0x0] =	vst v20;
	v20 =	vsel vm6, v2, v22;
	vm6 =	vgt.f32 v18, v10  }
0xed: {  	vm7 =	vgt.f32 v21, v13;
	v22 =	vld [tilespmem:s16+$0x10];
	v20 =	vsel vm6, v1, v20;
	vm6 =	vgt.f32 v18, v9  }
0xee: {  	v23 =	vsel vm7, v5, v23;
	v20 =	vsel vm6, v0, v20;
	vm6 =	vgt.f32 v18, v8  }
0xef: {  	vm7 =	vgt.f32 v21, v12;
	vm8 =	vgt.f32 v21, v11;
	v18 =	vsel vm6, v6, v20  }
0xf0: {  	v20 =	vsel vm7, v3, v23;
	vm6 =	vgt.f32 v21, v10;
	vm7 =	vgt.f32 v21, v9;
	[tilespmem:s1+$0x30] =	vst v18  }
0xf1: {  	v19 =	vsel vm5, v5, v19;
	v18 =	vsel vm8, v2, v20;
	vm8 =	vgt.f32 v21, v8  }
0xf2: {  	v19 =	vsel vm4, v3, v19;
	v18 =	vsel vm6, v1, v18;
	vm5 =	vgt.f32 v22, v14  }
0xf3: {  	v18 =	vsel vm7, v0, v18;
	vm4 =	vgt.f32 v22, v13;
	v20 =	vsel vm5, v7, v4  }
0xf4: {  	v18 =	vsel vm8, v6, v18;
	v20 =	vsel vm4, v5, v20;
	vm4 =	vgt.f32 v22, v12  }
0xf5: {  	v19 =	vsel vm3, v2, v19;
	[tilespmem:s31+$0xFFFFFFC0] =	vst v18;
	v18 =	vsel vm4, v3, v20;
	vm4 =	vgt.f32 v22, v11  }
0xf6: {  	vm3 =	vgt.f32 v22, v10;
	v20 =	vld [tilespmem:s16+$0xFFFFFFD0];
	v18 =	vsel vm4, v2, v18;
	vm4 =	vgt.f32 v16, v10  }
0xf7: {  	v18 =	vsel vm3, v1, v18;
	vm3 =	vgt.f32 v22, v9;
	v19 =	vsel vm4, v1, v19  }
0xf8: {  	vm4 =	vgt.f32 v16, v9;
	v18 =	vsel vm3, v0, v18;
	vm3 =	vgt.f32 v22, v8  }
0xf9: {  	v19 =	vsel vm4, v0, v19;
	v18 =	vsel vm3, v6, v18;
	vm3 =	vgt.f32 v16, v8  }
0xfa: {  	[tilespmem:s31+$0x10] =	vst v18;
	v16 =	vsel vm3, v6, v19;
	v18 =	vsel vm2, v2, v17;
	vm2 =	vgt.f32 v15, v8  }
0xfb: {  	vm3 =	vgt.f32 v20, v14;
	vm4 =	vgt.f32 v20, v13;
	vm5 =	vgt.f32 v20, v12;
	v17 =	vld [tilespmem:s16+$0x20];
	[tilespmem:s1+$0xFFFFFFE0] =	vst v16  }
0xfc: {  	vm6 =	vgt.f32 v20, v10;
	v16 =	vsel vm3, v7, v4;
	vm3 =	vgt.f32 v20, v11;
	v15 =	vld [tilespmem:s30+$0xFFFFFFF0];
	s30 =	smov.u32 s16  }
0xfd: {  	vm7 =	vgt.f32 v20, v8;
	v16 =	vsel vm4, v5, v16;
	vm4 =	vgt.f32 v20, v9  }
0xfe: {  	v18 =	vsel vm1, v1, v18;
	v16 =	vsel vm5, v3, v16  }
0xff: {  	v18 =	vsel vm0, v0, v18;
	v16 =	vsel vm3, v2, v16  }
.Ltmp0:
0x100: {  	v18 =	vsel vm2, v6, v18;
	v16 =	vsel vm6, v1, v16;
	vm0 =	vgt.f32 v17, v14;
	(pc) =	sbr.rel @p0 .LBB2_3-.Ltmp0, $4  }
0x101: {  	v16 =	vsel vm4, v0, v16;
	v19 =	vsel vm0, v7, v4;
	vm0 =	vgt.f32 v17, v13;
	[tilespmem:s26+$0xFFFFFFF0] =	vst v18;
	s26 =	smov.u32 s1;
	s1 =	smov.u32 s31  }
0x102: {  	v16 =	vsel vm7, v6, v16;
	v18 =	vsel vm0, v5, v19;
	vm0 =	vgt.f32 v17, v12  }
0x103: {  	vm1 =	vgt.f32 v15, v14;
	[tilespmem:s31+$0xFFFFFFD0] =	vst v16;
	v18 =	vsel vm0, v3, v18;
	vm0 =	vgt.f32 v17, v11  }
0x104: {  	s16 =	sadd.s32 $0x400, s16;
	v16 =	vld [tilespmem:s30+$0xFFFFFFE0];
	v19 =	vsel vm0, v2, v18;
	vm0 =	vgt.f32 v17, v10;
	v18 =	vsel vm1, v7, v4  }
0x105: {  	_ =	sdelay $0x2  }
0x106: {  	v19 =	vsel vm0, v1, v19  }
0x107: {  	vm13 =	vgt.f32 v17, v9;
	vm14 =	vgt.f32 v17, v8;
	vm1 =	vgt.f32 v16, v14  }
0x108: {  	v19 =	vsel vm13, v0, v19;
	vm15 =	vgt.f32 v16, v13;
	v48 =	vsel vm1, v7, v4  }
0x109: {  	v17 =	vsel vm14, v6, v19;
	vm4 =	vgt.f32 v16, v12;
	v49 =	vsel vm15, v5, v48  }
0x10a: {  	[tilespmem:s31+$0x20] =	vst v17;
	vm5 =	vgt.f32 v16, v11;
	v17 =	vsel vm4, v3, v49  }
0x10b: {  	vm6 =	vgt.f32 v16, v10;
	v17 =	vsel vm5, v2, v17  }
0x10c: {  	v50 =	vld [tilespmem:s30+$0x30];
	vm7 =	vgt.f32 v16, v9;
	v17 =	vsel vm6, v1, v17  }
0x10d: {  	vm8 =	vgt.f32 v16, v8;
	v17 =	vsel vm7, v0, v17  }
0x10e: {  	v16 =	vsel vm8, v6, v17  }
0x10f: {  	vm9 =	vgt.f32 v15, v13;
	vm11 =	vgt.f32 v15, v12;
	vm2 =	vgt.f32 v15, v11;
	[tilespmem:s1+$0xFFFFFFE0] =	vst v16  }
0x110: {  	vm3 =	vgt.f32 v15, v9;
	v51 =	vsel vm9, v5, v18;
	vm15 =	vgt.f32 v15, v10;
	v53 =	vld [tilespmem:s30+$0xFFFFFFF0]  }
0x111: {  	vm10 =	vgt.f32 v50, v14;
	vm12 =	vgt.f32 v50, v13;
	vm13 =	vgt.f32 v50, v12  }
0x112: {  	vm14 =	vgt.f32 v50, v11;
	vm6 =	vgt.f32 v50, v10;
	v52 =	vsel vm10, v7, v4  }
0x113: {  	vm7 =	vgt.f32 v50, v9;
	v17 =	vsel vm11, v3, v51;
	vm8 =	vgt.f32 v50, v8  }
0x114: {  	vm11 =	vgt.f32 v15, v8;
	v16 =	vsel vm12, v5, v52;
	v56 =	vsel vm2, v2, v17  }
0x115: {  	v16 =	vsel vm13, v3, v16;
	v58 =	vsel vm15, v1, v56;
	vm4 =	vgt.f32 v53, v14  }
0x116: {  	v16 =	vsel vm14, v2, v16;
	vm9 =	vgt.f32 v53, v13;
	v55 =	vsel vm4, v7, v4  }
0x117: {  	s29 =	sadd.s32 $0x1, s29;
	v60 =	vsel vm3, v0, v58;
	vm10 =	vgt.f32 v53, v12;
	v4 =	vsel vm9, v5, v55  }
0x118: {  	p0 =	sne.s32 s29, $0x8;
	v16 =	vsel vm6, v1, v16;
	vm12 =	vgt.f32 v53, v11;
	v57 =	vsel vm10, v3, v4  }
.Ltmp1:
0x119: {  	v62 =	vsel vm11, v6, v60;
	vm13 =	vgt.f32 v53, v10;
	v59 =	vsel vm12, v2, v57;
	(pc) =	sbr.rel @p0 .LBB2_2-.Ltmp1, $4  }
0x11a: {  	v16 =	vsel vm7, v0, v16;
	vm14 =	vgt.f32 v53, v9;
	v61 =	vsel vm13, v1, v59  }
0x11b: {  	[tilespmem:s26+$0xFFFFFFF0] =	vst v62;
	v54 =	vsel vm8, v6, v16;
	vm15 =	vgt.f32 v53, v8;
	v63 =	vsel vm14, v0, v61  }
0x11c: {  	[tilespmem:s1+$0x30] =	vst v54;
	v0 =	vsel vm15, v6, v63  }
0x11d: {  	s0 =	sadd.s32 $0x80, s0;
	s28 =	sadd.s32 $0x80, s28;
	[tilespmem:s1+$0xFFFFFFF0] =	vst v0  }
0x11e: {  	s26 =	simm.s32 $0x0  }
0x11f: {  	[hbm4b:s7+s26] =	stream.linear.scatter [tilespmem:s20], [sflag:$0x3], $0x4000, $0x38;
	[tilespmem:$0x10C00] =	vst v63  }
0x120: {  	_ =	swait.ge [sflag:s21], $0x4000  }
0x121: {  	[sflag:s21] =	ssyncset.done $0x0  }
0x122: {  	[sflag:s21] =	ssyncadd.s32 $0xFFFFC000  }
0x123: {  	[tilespmem:s15], [sflag:$0x1] =	stream.linear.gather [hbm4b:s8+s26], $0x4000, $0x38;
	[tilespmem:$0x10C00] =	vst v63  }
0x124: {  	_ =	swait.ge [sflag:s22], $0x4000  }
0x125: {  	[sflag:s22] =	ssyncset.done $0x0  }
0x126: {  	s28 =	simm.s32 $0xCC40;
	s29 =	simm.s32 $0x4C40;
	[sflag:s22] =	ssyncadd.s32 $0xFFFFC000  }
.LBB2_6:
0x127: {  	s0 =	sadd.s32 s9, s26  }
0x128: {  	s1 =	smulhi.u32 $0xCCCCCCCD, s0;
	_ =	sdelay $0x1  }
0x129: {  	s1 =	sshrl.u32 s1, $0x6  }
0x12a: {  	s1 =	smul.u32 $0x50, s1;
	_ =	sdelay $0x1  }
0x12b: {  	s0 =	ssub.s32 s0, s1  }
0x12c: {  	v6 =	vmov s0;
	_ =	sdelay $0x1  }
0x12d: {  	v8 =	vor.u32 $0x80, v6  }
0x12e: {  	v9 =	vor.u32 $0x100, v6  }
0x12f: {  	v18 =	vld [tilespmem:s29+$0x0];
	v10 =	vor.u32 $0x180, v6  }
0x130: {  	v15 =	vor.u32 $0x200, v6;
	v4 =	vld.idx.msk [tilespmem:v6+s18+$0x0], $0xffff  }
0x131: {  	v16 =	vor.u32 $0x280, v6;
	v14 =	vld.idx.msk [tilespmem:v6+s19+$0x0], $0xffff  }
0x132: {  	v17 =	vor.u32 $0x300, v6;
	v7 =	vld.idx.msk [tilespmem:v8+s18+$0x0], $0xffff  }
0x133: {  	v5 =	vld.idx.msk [tilespmem:v9+s18+$0x0], $0xffff  }
0x134: {  	v3 =	vld.idx.msk [tilespmem:v10+s18+$0x0], $0xffff  }
0x135: {  	v2 =	vld.idx.msk [tilespmem:v15+s18+$0x0], $0xffff  }
0x136: {  	v1 =	vld.idx.msk [tilespmem:v16+s18+$0x0], $0xffff  }
0x137: {  	v0 =	vld.idx.msk [tilespmem:v17+s18+$0x0], $0xffff  }
0x138: {  	v13 =	vld.idx.msk [tilespmem:v8+s19+$0x0], $0xffff  }
0x139: {  	v6 =	vor.u32 $0x380, v6;
	v12 =	vld.idx.msk [tilespmem:v9+s19+$0x0], $0xffff  }
0x13a: {  	v11 =	vld.idx.msk [tilespmem:v10+s19+$0x0], $0xffff  }
0x13b: {  	v10 =	vld.idx.msk [tilespmem:v15+s19+$0x0], $0xffff  }
0x13c: {  	v9 =	vld.idx.msk [tilespmem:v16+s19+$0x0], $0xffff;
	vm0 =	vgt.f32 v18, v14  }
0x13d: {  	v8 =	vld.idx.msk [tilespmem:v17+s19+$0x0], $0xffff;
	v15 =	vsel vm0, v7, v4;
	vm0 =	vgt.f32 v18, v13  }
0x13e: {  	v6 =	vld.idx.msk [tilespmem:v6+s18+$0x0], $0xffff;
	v15 =	vsel vm0, v5, v15;
	vm0 =	vgt.f32 v18, v12  }
0x13f: {  	v15 =	vsel vm0, v3, v15;
	vm0 =	vgt.f32 v18, v11  }
0x140: {  	v15 =	vsel vm0, v2, v15;
	vm0 =	vgt.f32 v18, v10  }
0x141: {  	v16 =	vld [tilespmem:s29+$0xFFFFFFC0];
	vm1 =	vgt.f32 v18, v9;
	v15 =	vsel vm0, v1, v15  }
0x142: {  	vm0 =	vgt.f32 v18, v8;
	v15 =	vsel vm1, v0, v15  }
0x143: {  	v15 =	vsel vm0, v6, v15  }
0x144: {  	[tilespmem:s28+$0x0] =	vst v15  }
0x145: {  	v15 =	vld [tilespmem:s29+$0x10]  }
0x146: {  	vm0 =	vgt.f32 v16, v14  }
0x147: {  	v17 =	vsel vm0, v7, v4;
	vm0 =	vgt.f32 v16, v13  }
0x148: {  	v17 =	vsel vm0, v5, v17;
	vm0 =	vgt.f32 v16, v12  }
0x149: {  	vm2 =	vgt.f32 v16, v9;
	vm1 =	vgt.f32 v16, v11;
	v17 =	vsel vm0, v3, v17  }
0x14a: {  	vm3 =	vgt.f32 v16, v8;
	v17 =	vsel vm1, v2, v17;
	vm1 =	vgt.f32 v15, v14  }
0x14b: {  	vm0 =	vgt.f32 v16, v10;
	v16 =	vsel vm1, v7, v4;
	vm1 =	vgt.f32 v15, v13  }
0x14c: {  	v17 =	vsel vm0, v1, v17;
	vm0 =	vgt.f32 v15, v12;
	v16 =	vsel vm1, v5, v16  }
0x14d: {  	v17 =	vsel vm2, v0, v17;
	v16 =	vsel vm0, v3, v16;
	vm0 =	vgt.f32 v15, v11  }
0x14e: {  	v17 =	vsel vm3, v6, v17;
	v16 =	vsel vm0, v2, v16;
	vm0 =	vgt.f32 v15, v10  }
0x14f: {  	[tilespmem:s28+$0xFFFFFFC0] =	vst v17;
	v16 =	vsel vm0, v1, v16;
	vm0 =	vgt.f32 v15, v9  }
0x150: {  	v17 =	vld [tilespmem:s29+$0xFFFFFFD0];
	v16 =	vsel vm0, v0, v16;
	vm0 =	vgt.f32 v15, v8  }
0x151: {  	v15 =	vsel vm0, v6, v16  }
0x152: {  	[tilespmem:s28+$0x10] =	vst v15  }
0x153: {  	v15 =	vld [tilespmem:s29+$0x20];
	_ =	sdelay $0x1  }
0x154: {  	vm0 =	vgt.f32 v17, v14;
	vm1 =	vgt.f32 v17, v13  }
0x155: {  	vm2 =	vgt.f32 v17, v12;
	vm3 =	vgt.f32 v17, v10;
	v16 =	vsel vm0, v7, v4  }
0x156: {  	vm4 =	vgt.f32 v17, v8;
	vm0 =	vgt.f32 v17, v11;
	v16 =	vsel vm1, v5, v16  }
0x157: {  	vm1 =	vgt.f32 v17, v9;
	v16 =	vsel vm2, v3, v16;
	vm2 =	vgt.f32 v15, v14  }
0x158: {  	v16 =	vsel vm0, v2, v16;
	vm0 =	vgt.f32 v15, v13;
	v17 =	vsel vm2, v7, v4  }
0x159: {  	s30 =	sadd.s32 $0x400, s29;
	v16 =	vsel vm3, v1, v16;
	v17 =	vsel vm0, v5, v17;
	vm0 =	vgt.f32 v15, v12  }
0x15a: {  	v18 =	vld [tilespmem:s30+$0x0];
	v16 =	vsel vm1, v0, v16;
	v17 =	vsel vm0, v3, v17;
	vm0 =	vgt.f32 v15, v11  }
0x15b: {  	v16 =	vsel vm4, v6, v16;
	v17 =	vsel vm0, v2, v17;
	vm0 =	vgt.f32 v15, v10  }
0x15c: {  	[tilespmem:s28+$0xFFFFFFD0] =	vst v16;
	v16 =	vsel vm0, v1, v17;
	vm0 =	vgt.f32 v15, v9  }
0x15d: {  	v19 =	vld [tilespmem:s30+$0xFFFFFFC0];
	v16 =	vsel vm0, v0, v16;
	vm0 =	vgt.f32 v15, v8  }
0x15e: {  	v15 =	vsel vm0, v6, v16  }
0x15f: {  	vm0 =	vgt.f32 v18, v14;
	[tilespmem:s28+$0x20] =	vst v15  }
0x160: {  	v16 =	vsel vm0, v7, v4;
	vm0 =	vgt.f32 v18, v13;
	v15 =	vld [tilespmem:s29+$0x30]  }
0x161: {  	v16 =	vsel vm0, v5, v16;
	vm0 =	vgt.f32 v18, v12  }
0x162: {  	vm10 =	vgt.f32 v19, v14;
	vm1 =	vgt.f32 v18, v11;
	v16 =	vsel vm0, v3, v16  }
0x163: {  	v21 =	vsel vm10, v7, v4;
	vm3 =	vgt.f32 v18, v10;
	v16 =	vsel vm1, v2, v16  }
0x164: {  	vm11 =	vgt.f32 v19, v13;
	vm8 =	vgt.f32 v18, v9;
	v17 =	vld [tilespmem:s29+$0xFFFFFFE0];
	v16 =	vsel vm3, v1, v16  }
0x165: {  	vm3 =	vgt.f32 v18, v8;
	v16 =	vsel vm8, v0, v16;
	vm5 =	vgt.f32 v15, v14  }
0x166: {  	s31 =	sadd.s32 $0x400, s28;
	vm9 =	vgt.f32 v15, v13;
	v16 =	vsel vm3, v6, v16;
	v18 =	vsel vm5, v7, v4  }
0x167: {  	vm13 =	vgt.f32 v19, v11;
	vm3 =	vgt.f32 v15, v12;
	[tilespmem:s31+$0x0] =	vst v16;
	v18 =	vsel vm9, v5, v18  }
0x168: {  	vm14 =	vgt.f32 v19, v9;
	vm6 =	vgt.f32 v19, v8;
	v16 =	vsel vm3, v3, v18;
	v18 =	vld [tilespmem:s30+$0x10]  }
0x169: {  	v21 =	vsel vm11, v5, v21;
	vm2 =	vgt.f32 v17, v14;
	vm3 =	vgt.f32 v15, v11  }
0x16a: {  	vm0 =	vgt.f32 v17, v13;
	v16 =	vsel vm3, v2, v16;
	vm3 =	vgt.f32 v19, v12  }
0x16b: {  	vm1 =	vgt.f32 v17, v12;
	v20 =	vsel vm2, v7, v4;
	v21 =	vsel vm3, v3, v21  }
0x16c: {  	vm2 =	vgt.f32 v17, v11;
	vm3 =	vgt.f32 v19, v10;
	v21 =	vsel vm13, v2, v21  }
0x16d: {  	v20 =	vsel vm0, v5, v20;
	v19 =	vsel vm3, v1, v21;
	vm3 =	vgt.f32 v18, v14  }
0x16e: {  	v19 =	vsel vm14, v0, v19;
	v62 =	vsel vm3, v7, v4;
	vm3 =	vgt.f32 v18, v13  }
0x16f: {  	v19 =	vsel vm6, v6, v19;
	v21 =	vsel vm3, v5, v62;
	vm3 =	vgt.f32 v18, v12  }
0x170: {  	v20 =	vsel vm1, v3, v20;
	[tilespmem:s31+$0xFFFFFFC0] =	vst v19;
	v19 =	vsel vm3, v3, v21;
	vm3 =	vgt.f32 v18, v11  }
0x171: {  	vm1 =	vgt.f32 v17, v10;
	v63 =	vld [tilespmem:s30+$0xFFFFFFD0];
	v19 =	vsel vm3, v2, v19;
	vm3 =	vgt.f32 v18, v10  }
0x172: {  	vm12 =	vgt.f32 v15, v10;
	vm0 =	vgt.f32 v18, v9;
	v19 =	vsel vm3, v1, v19  }
0x173: {  	vm15 =	vgt.f32 v15, v9;
	v19 =	vsel vm0, v0, v19;
	vm0 =	vgt.f32 v18, v8  }
0x174: {  	v16 =	vsel vm12, v1, v16;
	v18 =	vsel vm2, v2, v20;
	v19 =	vsel vm0, v6, v19  }
0x175: {  	v16 =	vsel vm15, v0, v16;
	v18 =	vsel vm1, v1, v18;
	vm0 =	vgt.f32 v17, v9;
	[tilespmem:s31+$0x10] =	vst v19  }
0x176: {  	v18 =	vsel vm0, v0, v18;
	vm0 =	vgt.f32 v17, v8;
	vm1 =	vgt.f32 v63, v14;
	v17 =	vld [tilespmem:s30+$0x20]  }
0x177: {  	v18 =	vsel vm0, v6, v18;
	vm0 =	vgt.f32 v63, v13;
	v19 =	vsel vm1, v7, v4  }
0x178: {  	vm2 =	vgt.f32 v63, v12;
	vm1 =	vgt.f32 v15, v8;
	[tilespmem:s28+$0xFFFFFFE0] =	vst v18;
	v18 =	vsel vm0, v5, v19  }
0x179: {  	v16 =	vsel vm1, v6, v16;
	vm0 =	vgt.f32 v63, v11;
	v15 =	vld [tilespmem:s29+$0xFFFFFFF0];
	v18 =	vsel vm2, v3, v18  }
0x17a: {  	vm1 =	vgt.f32 v63, v10;
	vm2 =	vgt.f32 v63, v9;
	v18 =	vsel vm0, v2, v18  }
0x17b: {  	vm0 =	vgt.f32 v63, v8;
	v18 =	vsel vm1, v1, v18;
	vm1 =	vgt.f32 v17, v14  }
0x17c: {  	v18 =	vsel vm2, v0, v18;
	v19 =	vsel vm1, v7, v4;
	vm1 =	vgt.f32 v17, v13  }
0x17d: {  	v18 =	vsel vm0, v6, v18;
	vm0 =	vgt.f32 v17, v12;
	v19 =	vsel vm1, v5, v19  }
0x17e: {  	s2 =	simm.s32 $0x80;
	[tilespmem:s31+$0xFFFFFFD0] =	vst v18;
	vm1 =	vgt.f32 v15, v14;
	v18 =	vsel vm0, v3, v19;
	vm0 =	vgt.f32 v17, v11  }
0x17f: {  	s16 =	sadd.s32 $0x400, s30;
	s1 =	smov.u32 s31;
	s0 =	smov.u32 s28;
	[tilespmem:s28+$0x30] =	vst v16;
	v16 =	vld [tilespmem:s30+$0xFFFFFFE0];
	v19 =	vsel vm0, v2, v18;
	vm0 =	vgt.f32 v17, v10;
	v18 =	vsel vm1, v7, v4  }
.LBB2_7:
0x180: {  	v20 =	vld [tilespmem:s16+$0x0];
	s2 =	sadd.s32 $0x80, s2;
	v19 =	vsel vm0, v1, v19;
	vm0 =	vgt.f32 v17, v9;
	vm1 =	vgt.f32 v15, v13  }
0x181: {  	v21 =	vld [tilespmem:s16+$0xFFFFFFC0];
	p0 =	slt.u32 s2, $0x780;
	v19 =	vsel vm0, v0, v19;
	vm0 =	vgt.f32 v17, v8;
	v17 =	vsel vm1, v5, v18  }
0x182: {  	vm2 =	vgt.f32 v15, v11;
	v18 =	vsel vm0, v6, v19;
	vm0 =	vgt.f32 v15, v12  }
0x183: {  	vm1 =	vgt.f32 v15, v10;
	[tilespmem:s31+$0x20] =	vst v18;
	v17 =	vsel vm0, v3, v17;
	vm0 =	vgt.f32 v15, v9  }
0x184: {  	vm3 =	vgt.f32 v16, v14;
	vm5 =	vgt.f32 v16, v13;
	vm4 =	vgt.f32 v16, v12;
	v18 =	vld [tilespmem:s30+$0x30]  }
0x185: {  	vm6 =	vgt.f32 v20, v14;
	v19 =	vsel vm3, v7, v4;
	vm3 =	vgt.f32 v16, v11  }
0x186: {  	vm7 =	vgt.f32 v21, v14;
	v22 =	vsel vm6, v7, v4;
	vm6 =	vgt.f32 v20, v13  }
0x187: {  	vm8 =	vgt.f32 v20, v8;
	v22 =	vsel vm6, v5, v22;
	vm6 =	vgt.f32 v20, v12  }
0x188: {  	vm9 =	vgt.f32 v20, v9;
	v22 =	vsel vm6, v3, v22;
	vm6 =	vgt.f32 v20, v11  }
0x189: {  	v22 =	vsel vm6, v2, v22;
	vm6 =	vgt.f32 v20, v10;
	vm10 =	vgt.f32 v18, v14  }
0x18a: {  	v20 =	vsel vm6, v1, v22;
	v22 =	vsel vm10, v7, v4;
	vm6 =	vgt.f32 v18, v13  }
0x18b: {  	v20 =	vsel vm9, v0, v20;
	v22 =	vsel vm6, v5, v22;
	vm6 =	vgt.f32 v18, v12  }
0x18c: {  	s31 =	sadd.s32 $0x400, s31;
	v20 =	vsel vm8, v6, v20;
	v22 =	vsel vm6, v3, v22;
	vm6 =	vgt.f32 v18, v11  }
0x18d: {  	v23 =	vsel vm7, v7, v4;
	[tilespmem:s31+$0x0] =	vst v20;
	v20 =	vsel vm6, v2, v22;
	vm6 =	vgt.f32 v18, v10  }
0x18e: {  	vm7 =	vgt.f32 v21, v13;
	v22 =	vld [tilespmem:s16+$0x10];
	v20 =	vsel vm6, v1, v20;
	vm6 =	vgt.f32 v18, v9  }
0x18f: {  	v23 =	vsel vm7, v5, v23;
	v20 =	vsel vm6, v0, v20;
	vm6 =	vgt.f32 v18, v8  }
0x190: {  	vm7 =	vgt.f32 v21, v12;
	vm8 =	vgt.f32 v21, v11;
	v18 =	vsel vm6, v6, v20  }
0x191: {  	v20 =	vsel vm7, v3, v23;
	vm6 =	vgt.f32 v21, v10;
	vm7 =	vgt.f32 v21, v9;
	[tilespmem:s1+$0x30] =	vst v18  }
0x192: {  	v19 =	vsel vm5, v5, v19;
	v18 =	vsel vm8, v2, v20;
	vm8 =	vgt.f32 v21, v8  }
0x193: {  	v19 =	vsel vm4, v3, v19;
	v18 =	vsel vm6, v1, v18;
	vm5 =	vgt.f32 v22, v14  }
0x194: {  	v18 =	vsel vm7, v0, v18;
	vm4 =	vgt.f32 v22, v13;
	v20 =	vsel vm5, v7, v4  }
0x195: {  	v18 =	vsel vm8, v6, v18;
	v20 =	vsel vm4, v5, v20;
	vm4 =	vgt.f32 v22, v12  }
0x196: {  	v19 =	vsel vm3, v2, v19;
	[tilespmem:s31+$0xFFFFFFC0] =	vst v18;
	v18 =	vsel vm4, v3, v20;
	vm4 =	vgt.f32 v22, v11  }
0x197: {  	vm3 =	vgt.f32 v22, v10;
	v20 =	vld [tilespmem:s16+$0xFFFFFFD0];
	v18 =	vsel vm4, v2, v18;
	vm4 =	vgt.f32 v16, v10  }
0x198: {  	v18 =	vsel vm3, v1, v18;
	vm3 =	vgt.f32 v22, v9;
	v19 =	vsel vm4, v1, v19  }
0x199: {  	vm4 =	vgt.f32 v16, v9;
	v18 =	vsel vm3, v0, v18;
	vm3 =	vgt.f32 v22, v8  }
0x19a: {  	v19 =	vsel vm4, v0, v19;
	v18 =	vsel vm3, v6, v18;
	vm3 =	vgt.f32 v16, v8  }
0x19b: {  	[tilespmem:s31+$0x10] =	vst v18;
	v16 =	vsel vm3, v6, v19;
	v18 =	vsel vm2, v2, v17;
	vm2 =	vgt.f32 v15, v8  }
0x19c: {  	vm3 =	vgt.f32 v20, v14;
	vm4 =	vgt.f32 v20, v13;
	vm5 =	vgt.f32 v20, v12;
	v17 =	vld [tilespmem:s16+$0x20];
	[tilespmem:s1+$0xFFFFFFE0] =	vst v16  }
0x19d: {  	vm6 =	vgt.f32 v20, v10;
	v16 =	vsel vm3, v7, v4;
	vm3 =	vgt.f32 v20, v11;
	v15 =	vld [tilespmem:s30+$0xFFFFFFF0];
	s30 =	smov.u32 s16  }
0x19e: {  	vm7 =	vgt.f32 v20, v8;
	v16 =	vsel vm4, v5, v16;
	vm4 =	vgt.f32 v20, v9  }
0x19f: {  	v18 =	vsel vm1, v1, v18;
	v16 =	vsel vm5, v3, v16  }
0x1a0: {  	v18 =	vsel vm0, v0, v18;
	v16 =	vsel vm3, v2, v16  }
.Ltmp2:
0x1a1: {  	v18 =	vsel vm2, v6, v18;
	v16 =	vsel vm6, v1, v16;
	vm0 =	vgt.f32 v17, v14;
	(pc) =	sbr.rel @p0 .LBB2_7-.Ltmp2, $4  }
0x1a2: {  	v16 =	vsel vm4, v0, v16;
	v19 =	vsel vm0, v7, v4;
	vm0 =	vgt.f32 v17, v13;
	[tilespmem:s0+$0xFFFFFFF0] =	vst v18;
	s0 =	smov.u32 s1;
	s1 =	smov.u32 s31  }
0x1a3: {  	v16 =	vsel vm7, v6, v16;
	v18 =	vsel vm0, v5, v19;
	vm0 =	vgt.f32 v17, v12  }
0x1a4: {  	vm1 =	vgt.f32 v15, v14;
	[tilespmem:s31+$0xFFFFFFD0] =	vst v16;
	v18 =	vsel vm0, v3, v18;
	vm0 =	vgt.f32 v17, v11  }
0x1a5: {  	s16 =	sadd.s32 $0x400, s16;
	v16 =	vld [tilespmem:s30+$0xFFFFFFE0];
	v19 =	vsel vm0, v2, v18;
	vm0 =	vgt.f32 v17, v10;
	v18 =	vsel vm1, v7, v4  }
0x1a6: {  	_ =	sdelay $0x2  }
0x1a7: {  	v19 =	vsel vm0, v1, v19  }
0x1a8: {  	vm13 =	vgt.f32 v17, v9;
	vm14 =	vgt.f32 v17, v8;
	vm1 =	vgt.f32 v16, v14  }
0x1a9: {  	v19 =	vsel vm13, v0, v19;
	vm15 =	vgt.f32 v16, v13;
	v48 =	vsel vm1, v7, v4  }
0x1aa: {  	v17 =	vsel vm14, v6, v19;
	vm4 =	vgt.f32 v16, v12;
	v49 =	vsel vm15, v5, v48  }
0x1ab: {  	[tilespmem:s31+$0x20] =	vst v17;
	vm5 =	vgt.f32 v16, v11;
	v17 =	vsel vm4, v3, v49  }
0x1ac: {  	vm6 =	vgt.f32 v16, v10;
	v17 =	vsel vm5, v2, v17  }
0x1ad: {  	v50 =	vld [tilespmem:s30+$0x30];
	vm7 =	vgt.f32 v16, v9;
	v17 =	vsel vm6, v1, v17  }
0x1ae: {  	vm8 =	vgt.f32 v16, v8;
	v17 =	vsel vm7, v0, v17  }
0x1af: {  	v16 =	vsel vm8, v6, v17  }
0x1b0: {  	vm9 =	vgt.f32 v15, v13;
	vm11 =	vgt.f32 v15, v12;
	vm2 =	vgt.f32 v15, v11;
	[tilespmem:s1+$0xFFFFFFE0] =	vst v16  }
0x1b1: {  	vm3 =	vgt.f32 v15, v9;
	v51 =	vsel vm9, v5, v18;
	vm15 =	vgt.f32 v15, v10;
	v53 =	vld [tilespmem:s30+$0xFFFFFFF0]  }
0x1b2: {  	vm10 =	vgt.f32 v50, v14;
	vm12 =	vgt.f32 v50, v13;
	vm13 =	vgt.f32 v50, v12  }
0x1b3: {  	vm14 =	vgt.f32 v50, v11;
	vm6 =	vgt.f32 v50, v10;
	v52 =	vsel vm10, v7, v4  }
0x1b4: {  	vm7 =	vgt.f32 v50, v9;
	v17 =	vsel vm11, v3, v51;
	vm8 =	vgt.f32 v50, v8  }
0x1b5: {  	vm11 =	vgt.f32 v15, v8;
	v16 =	vsel vm12, v5, v52;
	v56 =	vsel vm2, v2, v17  }
0x1b6: {  	v16 =	vsel vm13, v3, v16;
	v58 =	vsel vm15, v1, v56;
	vm4 =	vgt.f32 v53, v14  }
0x1b7: {  	v16 =	vsel vm14, v2, v16;
	vm9 =	vgt.f32 v53, v13;
	v55 =	vsel vm4, v7, v4  }
0x1b8: {  	s26 =	sadd.s32 $0x1, s26;
	v60 =	vsel vm3, v0, v58;
	vm10 =	vgt.f32 v53, v12;
	v4 =	vsel vm9, v5, v55  }
0x1b9: {  	p0 =	sne.s32 s26, $0x8;
	v16 =	vsel vm6, v1, v16;
	vm12 =	vgt.f32 v53, v11;
	v57 =	vsel vm10, v3, v4  }
.Ltmp3:
0x1ba: {  	v62 =	vsel vm11, v6, v60;
	vm13 =	vgt.f32 v53, v10;
	v59 =	vsel vm12, v2, v57;
	(pc) =	sbr.rel @p0 .LBB2_6-.Ltmp3, $4  }
0x1bb: {  	v16 =	vsel vm7, v0, v16;
	vm14 =	vgt.f32 v53, v9;
	v61 =	vsel vm13, v1, v59  }
0x1bc: {  	[tilespmem:s0+$0xFFFFFFF0] =	vst v62;
	v54 =	vsel vm8, v6, v16;
	vm15 =	vgt.f32 v53, v8;
	v63 =	vsel vm14, v0, v61  }
0x1bd: {  	[tilespmem:s1+$0x30] =	vst v54;
	v0 =	vsel vm15, v6, v63  }
0x1be: {  	s28 =	sadd.s32 $0x80, s28;
	s29 =	sadd.s32 $0x80, s29;
	[tilespmem:s1+$0xFFFFFFF0] =	vst v0  }
0x1bf: {  	s26 =	simm.s32 $0x0  }
0x1c0: {  	[hbm4b:s10+s26] =	stream.linear.scatter [tilespmem:s23], [sflag:$0x4], $0x4000, $0x38;
	[tilespmem:$0x10C00] =	vst v63  }
0x1c1: {  	_ =	swait.ge [sflag:s17], $0x4000  }
0x1c2: {  	[sflag:s17] =	ssyncset.done $0x0  }
0x1c3: {  	s28 =	simm.s32 $0x8C40;
	s29 =	simm.s32 $0xC40;
	[sflag:s17] =	ssyncadd.s32 $0xFFFFC000  }
.LBB2_10:
0x1c4: {  	s0 =	sadd.s32 s11, s26  }
0x1c5: {  	s1 =	smulhi.u32 $0xCCCCCCCD, s0;
	_ =	sdelay $0x1  }
0x1c6: {  	s1 =	sshrl.u32 s1, $0x6  }
0x1c7: {  	s1 =	smul.u32 $0x50, s1;
	_ =	sdelay $0x1  }
0x1c8: {  	s0 =	ssub.s32 s0, s1  }
0x1c9: {  	v6 =	vmov s0;
	_ =	sdelay $0x1  }
0x1ca: {  	v8 =	vor.u32 $0x80, v6  }
0x1cb: {  	v9 =	vor.u32 $0x100, v6  }
0x1cc: {  	v18 =	vld [tilespmem:s29+$0x0];
	v10 =	vor.u32 $0x180, v6  }
0x1cd: {  	v15 =	vor.u32 $0x200, v6;
	v4 =	vld.idx.msk [tilespmem:v6+s18+$0x0], $0xffff  }
0x1ce: {  	v16 =	vor.u32 $0x280, v6;
	v14 =	vld.idx.msk [tilespmem:v6+s19+$0x0], $0xffff  }
0x1cf: {  	v17 =	vor.u32 $0x300, v6;
	v7 =	vld.idx.msk [tilespmem:v8+s18+$0x0], $0xffff  }
0x1d0: {  	v5 =	vld.idx.msk [tilespmem:v9+s18+$0x0], $0xffff  }
0x1d1: {  	v3 =	vld.idx.msk [tilespmem:v10+s18+$0x0], $0xffff  }
0x1d2: {  	v2 =	vld.idx.msk [tilespmem:v15+s18+$0x0], $0xffff  }
0x1d3: {  	v1 =	vld.idx.msk [tilespmem:v16+s18+$0x0], $0xffff  }
0x1d4: {  	v0 =	vld.idx.msk [tilespmem:v17+s18+$0x0], $0xffff  }
0x1d5: {  	v13 =	vld.idx.msk [tilespmem:v8+s19+$0x0], $0xffff  }
0x1d6: {  	v6 =	vor.u32 $0x380, v6;
	v12 =	vld.idx.msk [tilespmem:v9+s19+$0x0], $0xffff  }
0x1d7: {  	v11 =	vld.idx.msk [tilespmem:v10+s19+$0x0], $0xffff  }
0x1d8: {  	v10 =	vld.idx.msk [tilespmem:v15+s19+$0x0], $0xffff  }
0x1d9: {  	v9 =	vld.idx.msk [tilespmem:v16+s19+$0x0], $0xffff;
	vm0 =	vgt.f32 v18, v14  }
0x1da: {  	v8 =	vld.idx.msk [tilespmem:v17+s19+$0x0], $0xffff;
	v15 =	vsel vm0, v7, v4;
	vm0 =	vgt.f32 v18, v13  }
0x1db: {  	v6 =	vld.idx.msk [tilespmem:v6+s18+$0x0], $0xffff;
	v15 =	vsel vm0, v5, v15;
	vm0 =	vgt.f32 v18, v12  }
0x1dc: {  	v15 =	vsel vm0, v3, v15;
	vm0 =	vgt.f32 v18, v11  }
0x1dd: {  	v15 =	vsel vm0, v2, v15;
	vm0 =	vgt.f32 v18, v10  }
0x1de: {  	v16 =	vld [tilespmem:s29+$0xFFFFFFC0];
	vm1 =	vgt.f32 v18, v9;
	v15 =	vsel vm0, v1, v15  }
0x1df: {  	vm0 =	vgt.f32 v18, v8;
	v15 =	vsel vm1, v0, v15  }
0x1e0: {  	v15 =	vsel vm0, v6, v15  }
0x1e1: {  	[tilespmem:s28+$0x0] =	vst v15  }
0x1e2: {  	v15 =	vld [tilespmem:s29+$0x10]  }
0x1e3: {  	vm0 =	vgt.f32 v16, v14  }
0x1e4: {  	v17 =	vsel vm0, v7, v4;
	vm0 =	vgt.f32 v16, v13  }
0x1e5: {  	v17 =	vsel vm0, v5, v17;
	vm0 =	vgt.f32 v16, v12  }
0x1e6: {  	vm2 =	vgt.f32 v16, v9;
	vm1 =	vgt.f32 v16, v11;
	v17 =	vsel vm0, v3, v17  }
0x1e7: {  	vm3 =	vgt.f32 v16, v8;
	v17 =	vsel vm1, v2, v17;
	vm1 =	vgt.f32 v15, v14  }
0x1e8: {  	vm0 =	vgt.f32 v16, v10;
	v16 =	vsel vm1, v7, v4;
	vm1 =	vgt.f32 v15, v13  }
0x1e9: {  	v17 =	vsel vm0, v1, v17;
	vm0 =	vgt.f32 v15, v12;
	v16 =	vsel vm1, v5, v16  }
0x1ea: {  	v17 =	vsel vm2, v0, v17;
	v16 =	vsel vm0, v3, v16;
	vm0 =	vgt.f32 v15, v11  }
0x1eb: {  	v17 =	vsel vm3, v6, v17;
	v16 =	vsel vm0, v2, v16;
	vm0 =	vgt.f32 v15, v10  }
0x1ec: {  	[tilespmem:s28+$0xFFFFFFC0] =	vst v17;
	v16 =	vsel vm0, v1, v16;
	vm0 =	vgt.f32 v15, v9  }
0x1ed: {  	v17 =	vld [tilespmem:s29+$0xFFFFFFD0];
	v16 =	vsel vm0, v0, v16;
	vm0 =	vgt.f32 v15, v8  }
0x1ee: {  	v15 =	vsel vm0, v6, v16  }
0x1ef: {  	[tilespmem:s28+$0x10] =	vst v15  }
0x1f0: {  	v15 =	vld [tilespmem:s29+$0x20];
	_ =	sdelay $0x1  }
0x1f1: {  	vm0 =	vgt.f32 v17, v14;
	vm1 =	vgt.f32 v17, v13  }
0x1f2: {  	vm2 =	vgt.f32 v17, v12;
	vm3 =	vgt.f32 v17, v10;
	v16 =	vsel vm0, v7, v4  }
0x1f3: {  	vm4 =	vgt.f32 v17, v8;
	vm0 =	vgt.f32 v17, v11;
	v16 =	vsel vm1, v5, v16  }
0x1f4: {  	vm1 =	vgt.f32 v17, v9;
	v16 =	vsel vm2, v3, v16;
	vm2 =	vgt.f32 v15, v14  }
0x1f5: {  	v16 =	vsel vm0, v2, v16;
	vm0 =	vgt.f32 v15, v13;
	v17 =	vsel vm2, v7, v4  }
0x1f6: {  	s30 =	sadd.s32 $0x400, s29;
	v16 =	vsel vm3, v1, v16;
	v17 =	vsel vm0, v5, v17;
	vm0 =	vgt.f32 v15, v12  }
0x1f7: {  	v18 =	vld [tilespmem:s30+$0x0];
	v16 =	vsel vm1, v0, v16;
	v17 =	vsel vm0, v3, v17;
	vm0 =	vgt.f32 v15, v11  }
0x1f8: {  	v16 =	vsel vm4, v6, v16;
	v17 =	vsel vm0, v2, v17;
	vm0 =	vgt.f32 v15, v10  }
0x1f9: {  	[tilespmem:s28+$0xFFFFFFD0] =	vst v16;
	v16 =	vsel vm0, v1, v17;
	vm0 =	vgt.f32 v15, v9  }
0x1fa: {  	v19 =	vld [tilespmem:s30+$0xFFFFFFC0];
	v16 =	vsel vm0, v0, v16;
	vm0 =	vgt.f32 v15, v8  }
0x1fb: {  	v15 =	vsel vm0, v6, v16  }
0x1fc: {  	vm0 =	vgt.f32 v18, v14;
	[tilespmem:s28+$0x20] =	vst v15  }
0x1fd: {  	v16 =	vsel vm0, v7, v4;
	vm0 =	vgt.f32 v18, v13;
	v15 =	vld [tilespmem:s29+$0x30]  }
0x1fe: {  	v16 =	vsel vm0, v5, v16;
	vm0 =	vgt.f32 v18, v12  }
0x1ff: {  	vm10 =	vgt.f32 v19, v14;
	vm1 =	vgt.f32 v18, v11;
	v16 =	vsel vm0, v3, v16  }
0x200: {  	v21 =	vsel vm10, v7, v4;
	vm3 =	vgt.f32 v18, v10;
	v16 =	vsel vm1, v2, v16  }
0x201: {  	vm11 =	vgt.f32 v19, v13;
	vm8 =	vgt.f32 v18, v9;
	v17 =	vld [tilespmem:s29+$0xFFFFFFE0];
	v16 =	vsel vm3, v1, v16  }
0x202: {  	vm3 =	vgt.f32 v18, v8;
	v16 =	vsel vm8, v0, v16;
	vm5 =	vgt.f32 v15, v14  }
0x203: {  	s31 =	sadd.s32 $0x400, s28;
	vm9 =	vgt.f32 v15, v13;
	v16 =	vsel vm3, v6, v16;
	v18 =	vsel vm5, v7, v4  }
0x204: {  	vm13 =	vgt.f32 v19, v11;
	vm3 =	vgt.f32 v15, v12;
	[tilespmem:s31+$0x0] =	vst v16;
	v18 =	vsel vm9, v5, v18  }
0x205: {  	vm14 =	vgt.f32 v19, v9;
	vm6 =	vgt.f32 v19, v8;
	v16 =	vsel vm3, v3, v18;
	v18 =	vld [tilespmem:s30+$0x10]  }
0x206: {  	v21 =	vsel vm11, v5, v21;
	vm2 =	vgt.f32 v17, v14;
	vm3 =	vgt.f32 v15, v11  }
0x207: {  	vm0 =	vgt.f32 v17, v13;
	v16 =	vsel vm3, v2, v16;
	vm3 =	vgt.f32 v19, v12  }
0x208: {  	vm1 =	vgt.f32 v17, v12;
	v20 =	vsel vm2, v7, v4;
	v21 =	vsel vm3, v3, v21  }
0x209: {  	vm2 =	vgt.f32 v17, v11;
	vm3 =	vgt.f32 v19, v10;
	v21 =	vsel vm13, v2, v21  }
0x20a: {  	v20 =	vsel vm0, v5, v20;
	v19 =	vsel vm3, v1, v21;
	vm3 =	vgt.f32 v18, v14  }
0x20b: {  	v19 =	vsel vm14, v0, v19;
	v62 =	vsel vm3, v7, v4;
	vm3 =	vgt.f32 v18, v13  }
0x20c: {  	v19 =	vsel vm6, v6, v19;
	v21 =	vsel vm3, v5, v62;
	vm3 =	vgt.f32 v18, v12  }
0x20d: {  	v20 =	vsel vm1, v3, v20;
	[tilespmem:s31+$0xFFFFFFC0] =	vst v19;
	v19 =	vsel vm3, v3, v21;
	vm3 =	vgt.f32 v18, v11  }
0x20e: {  	vm1 =	vgt.f32 v17, v10;
	v63 =	vld [tilespmem:s30+$0xFFFFFFD0];
	v19 =	vsel vm3, v2, v19;
	vm3 =	vgt.f32 v18, v10  }
0x20f: {  	vm12 =	vgt.f32 v15, v10;
	vm0 =	vgt.f32 v18, v9;
	v19 =	vsel vm3, v1, v19  }
0x210: {  	vm15 =	vgt.f32 v15, v9;
	v19 =	vsel vm0, v0, v19;
	vm0 =	vgt.f32 v18, v8  }
0x211: {  	v16 =	vsel vm12, v1, v16;
	v18 =	vsel vm2, v2, v20;
	v19 =	vsel vm0, v6, v19  }
0x212: {  	v16 =	vsel vm15, v0, v16;
	v18 =	vsel vm1, v1, v18;
	vm0 =	vgt.f32 v17, v9;
	[tilespmem:s31+$0x10] =	vst v19  }
0x213: {  	v18 =	vsel vm0, v0, v18;
	vm0 =	vgt.f32 v17, v8;
	vm1 =	vgt.f32 v63, v14;
	v17 =	vld [tilespmem:s30+$0x20]  }
0x214: {  	v18 =	vsel vm0, v6, v18;
	vm0 =	vgt.f32 v63, v13;
	v19 =	vsel vm1, v7, v4  }
0x215: {  	vm2 =	vgt.f32 v63, v12;
	vm1 =	vgt.f32 v15, v8;
	[tilespmem:s28+$0xFFFFFFE0] =	vst v18;
	v18 =	vsel vm0, v5, v19  }
0x216: {  	v16 =	vsel vm1, v6, v16;
	vm0 =	vgt.f32 v63, v11;
	v15 =	vld [tilespmem:s29+$0xFFFFFFF0];
	v18 =	vsel vm2, v3, v18  }
0x217: {  	vm1 =	vgt.f32 v63, v10;
	vm2 =	vgt.f32 v63, v9;
	v18 =	vsel vm0, v2, v18  }
0x218: {  	vm0 =	vgt.f32 v63, v8;
	v18 =	vsel vm1, v1, v18;
	vm1 =	vgt.f32 v17, v14  }
0x219: {  	v18 =	vsel vm2, v0, v18;
	v19 =	vsel vm1, v7, v4;
	vm1 =	vgt.f32 v17, v13  }
0x21a: {  	v18 =	vsel vm0, v6, v18;
	vm0 =	vgt.f32 v17, v12;
	v19 =	vsel vm1, v5, v19  }
0x21b: {  	s2 =	simm.s32 $0x80;
	[tilespmem:s31+$0xFFFFFFD0] =	vst v18;
	vm1 =	vgt.f32 v15, v14;
	v18 =	vsel vm0, v3, v19;
	vm0 =	vgt.f32 v17, v11  }
0x21c: {  	s16 =	sadd.s32 $0x400, s30;
	s1 =	smov.u32 s31;
	s0 =	smov.u32 s28;
	[tilespmem:s28+$0x30] =	vst v16;
	v16 =	vld [tilespmem:s30+$0xFFFFFFE0];
	v19 =	vsel vm0, v2, v18;
	vm0 =	vgt.f32 v17, v10;
	v18 =	vsel vm1, v7, v4  }
.LBB2_11:
0x21d: {  	v20 =	vld [tilespmem:s16+$0x0];
	s2 =	sadd.s32 $0x80, s2;
	v19 =	vsel vm0, v1, v19;
	vm0 =	vgt.f32 v17, v9;
	vm1 =	vgt.f32 v15, v13  }
0x21e: {  	v21 =	vld [tilespmem:s16+$0xFFFFFFC0];
	p0 =	slt.u32 s2, $0x780;
	v19 =	vsel vm0, v0, v19;
	vm0 =	vgt.f32 v17, v8;
	v17 =	vsel vm1, v5, v18  }
0x21f: {  	vm2 =	vgt.f32 v15, v11;
	v18 =	vsel vm0, v6, v19;
	vm0 =	vgt.f32 v15, v12  }
0x220: {  	vm1 =	vgt.f32 v15, v10;
	[tilespmem:s31+$0x20] =	vst v18;
	v17 =	vsel vm0, v3, v17;
	vm0 =	vgt.f32 v15, v9  }
0x221: {  	vm3 =	vgt.f32 v16, v14;
	vm5 =	vgt.f32 v16, v13;
	vm4 =	vgt.f32 v16, v12;
	v18 =	vld [tilespmem:s30+$0x30]  }
0x222: {  	vm6 =	vgt.f32 v20, v14;
	v19 =	vsel vm3, v7, v4;
	vm3 =	vgt.f32 v16, v11  }
0x223: {  	vm7 =	vgt.f32 v21, v14;
	v22 =	vsel vm6, v7, v4;
	vm6 =	vgt.f32 v20, v13  }
0x224: {  	vm8 =	vgt.f32 v20, v8;
	v22 =	vsel vm6, v5, v22;
	vm6 =	vgt.f32 v20, v12  }
0x225: {  	vm9 =	vgt.f32 v20, v9;
	v22 =	vsel vm6, v3, v22;
	vm6 =	vgt.f32 v20, v11  }
0x226: {  	v22 =	vsel vm6, v2, v22;
	vm6 =	vgt.f32 v20, v10;
	vm10 =	vgt.f32 v18, v14  }
0x227: {  	v20 =	vsel vm6, v1, v22;
	v22 =	vsel vm10, v7, v4;
	vm6 =	vgt.f32 v18, v13  }
0x228: {  	v20 =	vsel vm9, v0, v20;
	v22 =	vsel vm6, v5, v22;
	vm6 =	vgt.f32 v18, v12  }
0x229: {  	s31 =	sadd.s32 $0x400, s31;
	v20 =	vsel vm8, v6, v20;
	v22 =	vsel vm6, v3, v22;
	vm6 =	vgt.f32 v18, v11  }
0x22a: {  	v23 =	vsel vm7, v7, v4;
	[tilespmem:s31+$0x0] =	vst v20;
	v20 =	vsel vm6, v2, v22;
	vm6 =	vgt.f32 v18, v10  }
0x22b: {  	vm7 =	vgt.f32 v21, v13;
	v22 =	vld [tilespmem:s16+$0x10];
	v20 =	vsel vm6, v1, v20;
	vm6 =	vgt.f32 v18, v9  }
0x22c: {  	v23 =	vsel vm7, v5, v23;
	v20 =	vsel vm6, v0, v20;
	vm6 =	vgt.f32 v18, v8  }
0x22d: {  	vm7 =	vgt.f32 v21, v12;
	vm8 =	vgt.f32 v21, v11;
	v18 =	vsel vm6, v6, v20  }
0x22e: {  	v20 =	vsel vm7, v3, v23;
	vm6 =	vgt.f32 v21, v10;
	vm7 =	vgt.f32 v21, v9;
	[tilespmem:s1+$0x30] =	vst v18  }
0x22f: {  	v19 =	vsel vm5, v5, v19;
	v18 =	vsel vm8, v2, v20;
	vm8 =	vgt.f32 v21, v8  }
0x230: {  	v19 =	vsel vm4, v3, v19;
	v18 =	vsel vm6, v1, v18;
	vm5 =	vgt.f32 v22, v14  }
0x231: {  	v18 =	vsel vm7, v0, v18;
	vm4 =	vgt.f32 v22, v13;
	v20 =	vsel vm5, v7, v4  }
0x232: {  	v18 =	vsel vm8, v6, v18;
	v20 =	vsel vm4, v5, v20;
	vm4 =	vgt.f32 v22, v12  }
0x233: {  	v19 =	vsel vm3, v2, v19;
	[tilespmem:s31+$0xFFFFFFC0] =	vst v18;
	v18 =	vsel vm4, v3, v20;
	vm4 =	vgt.f32 v22, v11  }
0x234: {  	vm3 =	vgt.f32 v22, v10;
	v20 =	vld [tilespmem:s16+$0xFFFFFFD0];
	v18 =	vsel vm4, v2, v18;
	vm4 =	vgt.f32 v16, v10  }
0x235: {  	v18 =	vsel vm3, v1, v18;
	vm3 =	vgt.f32 v22, v9;
	v19 =	vsel vm4, v1, v19  }
0x236: {  	vm4 =	vgt.f32 v16, v9;
	v18 =	vsel vm3, v0, v18;
	vm3 =	vgt.f32 v22, v8  }
0x237: {  	v19 =	vsel vm4, v0, v19;
	v18 =	vsel vm3, v6, v18;
	vm3 =	vgt.f32 v16, v8  }
0x238: {  	[tilespmem:s31+$0x10] =	vst v18;
	v16 =	vsel vm3, v6, v19;
	v18 =	vsel vm2, v2, v17;
	vm2 =	vgt.f32 v15, v8  }
0x239: {  	vm3 =	vgt.f32 v20, v14;
	vm4 =	vgt.f32 v20, v13;
	vm5 =	vgt.f32 v20, v12;
	v17 =	vld [tilespmem:s16+$0x20];
	[tilespmem:s1+$0xFFFFFFE0] =	vst v16  }
0x23a: {  	vm6 =	vgt.f32 v20, v10;
	v16 =	vsel vm3, v7, v4;
	vm3 =	vgt.f32 v20, v11;
	v15 =	vld [tilespmem:s30+$0xFFFFFFF0];
	s30 =	smov.u32 s16  }
0x23b: {  	vm7 =	vgt.f32 v20, v8;
	v16 =	vsel vm4, v5, v16;
	vm4 =	vgt.f32 v20, v9  }
0x23c: {  	v18 =	vsel vm1, v1, v18;
	v16 =	vsel vm5, v3, v16  }
0x23d: {  	v18 =	vsel vm0, v0, v18;
	v16 =	vsel vm3, v2, v16  }
.Ltmp4:
0x23e: {  	v18 =	vsel vm2, v6, v18;
	v16 =	vsel vm6, v1, v16;
	vm0 =	vgt.f32 v17, v14;
	(pc) =	sbr.rel @p0 .LBB2_11-.Ltmp4, $4  }
0x23f: {  	v16 =	vsel vm4, v0, v16;
	v19 =	vsel vm0, v7, v4;
	vm0 =	vgt.f32 v17, v13;
	[tilespmem:s0+$0xFFFFFFF0] =	vst v18;
	s0 =	smov.u32 s1;
	s1 =	smov.u32 s31  }
0x240: {  	v16 =	vsel vm7, v6, v16;
	v18 =	vsel vm0, v5, v19;
	vm0 =	vgt.f32 v17, v12  }
0x241: {  	vm1 =	vgt.f32 v15, v14;
	[tilespmem:s31+$0xFFFFFFD0] =	vst v16;
	v18 =	vsel vm0, v3, v18;
	vm0 =	vgt.f32 v17, v11  }
0x242: {  	s16 =	sadd.s32 $0x400, s16;
	v16 =	vld [tilespmem:s30+$0xFFFFFFE0];
	v19 =	vsel vm0, v2, v18;
	vm0 =	vgt.f32 v17, v10;
	v18 =	vsel vm1, v7, v4  }
0x243: {  	_ =	sdelay $0x2  }
0x244: {  	v19 =	vsel vm0, v1, v19  }
0x245: {  	vm13 =	vgt.f32 v17, v9;
	vm14 =	vgt.f32 v17, v8;
	vm1 =	vgt.f32 v16, v14  }
0x246: {  	v19 =	vsel vm13, v0, v19;
	vm15 =	vgt.f32 v16, v13;
	v48 =	vsel vm1, v7, v4  }
0x247: {  	v17 =	vsel vm14, v6, v19;
	vm4 =	vgt.f32 v16, v12;
	v49 =	vsel vm15, v5, v48  }
0x248: {  	[tilespmem:s31+$0x20] =	vst v17;
	vm5 =	vgt.f32 v16, v11;
	v17 =	vsel vm4, v3, v49  }
0x249: {  	vm6 =	vgt.f32 v16, v10;
	v17 =	vsel vm5, v2, v17  }
0x24a: {  	v50 =	vld [tilespmem:s30+$0x30];
	vm7 =	vgt.f32 v16, v9;
	v17 =	vsel vm6, v1, v17  }
0x24b: {  	vm8 =	vgt.f32 v16, v8;
	v17 =	vsel vm7, v0, v17  }
0x24c: {  	v16 =	vsel vm8, v6, v17  }
0x24d: {  	vm9 =	vgt.f32 v15, v13;
	vm11 =	vgt.f32 v15, v12;
	vm2 =	vgt.f32 v15, v11;
	[tilespmem:s1+$0xFFFFFFE0] =	vst v16  }
0x24e: {  	vm3 =	vgt.f32 v15, v9;
	v51 =	vsel vm9, v5, v18;
	vm15 =	vgt.f32 v15, v10;
	v53 =	vld [tilespmem:s30+$0xFFFFFFF0]  }
0x24f: {  	vm10 =	vgt.f32 v50, v14;
	vm12 =	vgt.f32 v50, v13;
	vm13 =	vgt.f32 v50, v12  }
0x250: {  	vm14 =	vgt.f32 v50, v11;
	vm6 =	vgt.f32 v50, v10;
	v52 =	vsel vm10, v7, v4  }
0x251: {  	vm7 =	vgt.f32 v50, v9;
	v17 =	vsel vm11, v3, v51;
	vm8 =	vgt.f32 v50, v8  }
0x252: {  	vm11 =	vgt.f32 v15, v8;
	v16 =	vsel vm12, v5, v52;
	v56 =	vsel vm2, v2, v17  }
0x253: {  	v16 =	vsel vm13, v3, v16;
	v58 =	vsel vm15, v1, v56;
	vm4 =	vgt.f32 v53, v14  }
0x254: {  	v16 =	vsel vm14, v2, v16;
	vm9 =	vgt.f32 v53, v13;
	v55 =	vsel vm4, v7, v4  }
0x255: {  	s26 =	sadd.s32 $0x1, s26;
	v60 =	vsel vm3, v0, v58;
	vm10 =	vgt.f32 v53, v12;
	v4 =	vsel vm9, v5, v55  }
0x256: {  	p0 =	sne.s32 s26, $0x8;
	v16 =	vsel vm6, v1, v16;
	vm12 =	vgt.f32 v53, v11;
	v57 =	vsel vm10, v3, v4  }
.Ltmp5:
0x257: {  	v62 =	vsel vm11, v6, v60;
	vm13 =	vgt.f32 v53, v10;
	v59 =	vsel vm12, v2, v57;
	(pc) =	sbr.rel @p0 .LBB2_10-.Ltmp5, $4  }
0x258: {  	v16 =	vsel vm7, v0, v16;
	vm14 =	vgt.f32 v53, v9;
	v61 =	vsel vm13, v1, v59  }
0x259: {  	[tilespmem:s0+$0xFFFFFFF0] =	vst v62;
	v54 =	vsel vm8, v6, v16;
	vm15 =	vgt.f32 v53, v8;
	v63 =	vsel vm14, v0, v61  }
0x25a: {  	[tilespmem:s1+$0x30] =	vst v54;
	v0 =	vsel vm15, v6, v63  }
0x25b: {  	s28 =	sadd.s32 $0x80, s28;
	s29 =	sadd.s32 $0x80, s29;
	[tilespmem:s1+$0xFFFFFFF0] =	vst v0  }
0x25c: {  	[hbm4b:s12+s3] =	stream.linear.scatter [tilespmem:s20], [sflag:$0x3], $0x4000, $0x38;
	[tilespmem:$0x10C00] =	vst v63  }
0x25d: {  	s25 =	sadd.s32 $0x1, s25  }
0x25e: {  	_ =	swait.ge [sflag:s21], $0x4000;
	p0 =	sne.s32 s25, s13  }
.Ltmp6:
0x25f: {  	[sflag:s21] =	ssyncset.done $0x0;
	(pc) =	sbr.rel @p0 .LBB2_1-.Ltmp6, $4  }
0x260: {  	[sflag:s21] =	ssyncadd.s32 $0xFFFFC000  }
0x261: {  	_ =	swait.ge [sflag:s24], $0x4000  }
0x262: {  	[sflag:s24] =	ssyncset.done $0x0  }
0x263: {  	[sflag:s24] =	ssyncadd.s32 $0xFFFFC000  }
0x264: {  	_ =	sfence.sel $0x180000  }
0x265: {  	[bflag:$0x0] =	sbarrier.arrive $0xFFFF  }
0x266: {  	_ =	strace $0x90000047  }
0x267: {  	s0 =	stileid.u32;
	[bflag:$0x2] =	sbarrier.arrive $0xFFFF  }
0x268: {  	p0 =	sne.s32 s0, $0x0;
	s0 =	rddreg [dreg:$0x3]  }
0x269: {  	s0 =	sadd.s32 @!p0 $0x100000, s0  }
0x26a: {  	[sflag:s0] =	ssyncadd.tile.s32 @!p0 $0x1;
	_ =	shalt  }
.Lfunc_end2:
_tile_overlayer_lowered:
.L_overlay_start_2:
0x26b: {  	(tag) =	ssettag $0x2  }
0x26c: {  	s0 =	rddreg [dreg:$0x0];
	s2 =	stileid.u32  }
0x26d: {  	s1 =	rddreg [dreg:$0x1];
	p0 =	sne.s32 s2, $0x0  }
0x26e: {  	s3 =	rddreg [dreg:$0x2];
	[bflag:$0x3] =	sbarrier.arrive $0xFFFF;
	s2 =	simm.s32 @!p0 $0x1C05  }
0x26f: {  	[timem:s3], [sflag:s2] =	dma.local @!p0 [hbm:s0], s1  }
0x270: {  	s0 =	simm.s32 @!p0 $0x5  }
0x271: {  	_ =	swait.ge @!p0 [sflag:s0], s1  }
0x272: {  	s1 =	ssub.s32 @!p0 $0x0, s1;
	[sflag:s0] =	ssyncset.done @!p0 $0x0  }
0x273: {  	[sflag:s0] =	ssyncadd.s32 @!p0 s1  }
0x274: {  	[bflag:$0x3] =	sbarrier.arrive $0xFFFF  }
0x275: {  	_ =	shalt  }

</sc_bundles>
